<compile_context>
chip_gen: v7x
topology: tpu7x:2x2x1
jax: 0.10.2.dev20260603
libtpu: 0.0.44.dev20260713+nightly
codegen_flags: <defaults>
</compile_context>

<pallas_src>
import functools

import jax
import jax.numpy as jnp
from jax import lax
from jax.experimental import pallas as pl
from jax.experimental.pallas import tpu as pltpu
from jax.experimental.pallas import tpu_sc as plsc

N = 10000
NPAD = 10240
D = 256
DH = 128
E = 320000
CHUNK = 128
DCH = 128
NSUB = 16
EPAD = 327680
EPT = EPAD // NSUB
NCH = EPT // CHUNK
EPT2 = EPAD // (2 * NSUB)
NCH2 = EPT2 // DCH
RPT = NPAD // NSUB
ACC_R = 10112
RPTA = ACC_R // NSUB
BM = 512
NB = NPAD // BM

_f32 = jnp.float32


def _mesh():
    return plsc.VectorSubcoreMesh(core_axis_name="c", subcore_axis_name="s")


@functools.partial(
    pl.kernel,
    out_type=jax.ShapeDtypeStruct((2 * NPAD, DH), _f32),
    mesh=_mesh(),
    scratch_types=[
        pltpu.VMEM_SHARED((NPAD, DH), _f32),
        [pltpu.VMEM((DCH,), jnp.int32)] * 2,
        pltpu.VMEM((DCH, DH), _f32),
        [pltpu.SemaphoreType.DMA] * 2,
        [pltpu.SemaphoreType.DMA] * 2,
    ],
)
def _sc_degree(dst_r, ones_r, zeros_r, cnt_out, acc, idsts, ones_v, sem_i,
               sem_s):
    c = lax.axis_index("c")
    s = lax.axis_index("s")
    rbase = s * RPT
    pltpu.sync_copy(ones_r, ones_v)
    pltpu.sync_copy(zeros_r.at[pl.ds(rbase, RPT)], acc.at[pl.ds(rbase, RPT)])
    plsc.subcore_barrier()

    ebase = (c * NSUB + s) * EPT2

    def load_idx(j, x):
        pltpu.async_copy(dst_r.at[pl.ds(ebase + j * DCH, DCH)], idsts[x],
                         sem_i[x])

    def wait_idx(x):
        pltpu.make_async_copy(dst_r.at[pl.ds(0, DCH)], idsts[x], sem_i[x]).wait()

    def scat(x):
        pltpu.async_copy(ones_v, acc.at[idsts[x]], sem_s[x], add=True)

    def wait_scat(x):
        pltpu.make_async_copy(ones_v, acc.at[pl.ds(0, DCH)], sem_s[x]).wait()

    load_idx(0, 0)
    load_idx(1, 1)
    wait_idx(0)

    @pl.loop(0, (NCH2 - 2) // 2)
    def _(jj):
        j = jj * 2
        scat(0)
        wait_idx(1)
        wait_scat(0)
        load_idx(j + 2, 0)
        scat(1)
        wait_scat(1)
        load_idx(j + 3, 1)
        wait_idx(0)

    scat(0)
    wait_idx(1)
    scat(1)
    wait_scat(0)
    wait_scat(1)

    plsc.subcore_barrier()
    pltpu.sync_copy(acc.at[pl.ds(rbase, RPT)],
                    cnt_out.at[pl.ds(c * NPAD + rbase, RPT)])


@functools.partial(
    pl.kernel,
    out_type=jax.ShapeDtypeStruct((2 * NPAD, DH), _f32),
    mesh=_mesh(),
    scratch_types=[
        pltpu.VMEM_SHARED((ACC_R, DH), _f32),
        [pltpu.VMEM((CHUNK,), jnp.int32)] * 3,
        [pltpu.VMEM((CHUNK,), jnp.int32)] * 3,
        [pltpu.VMEM((CHUNK, DH), _f32)] * 3,
        [pltpu.SemaphoreType.DMA] * 3,
        [pltpu.SemaphoreType.DMA] * 3,
        [pltpu.SemaphoreType.DMA] * 3,
    ],
)
def _sc_aggregate(h2, src2, dst_r, a2, acc, isrcs, idsts, rowss, sem_i,
                  sem_g, sem_s):
    c = lax.axis_index("c")
    s = lax.axis_index("s")
    rbase = s * RPTA
    hbase = c * NPAD
    pltpu.sync_copy(h2.at[pl.ds(hbase + rbase, RPTA)], acc.at[pl.ds(rbase, RPTA)])
    plsc.subcore_barrier()

    ebase = s * EPT
    sbase = c * EPAD + ebase

    def load_idx(j, x):
        pltpu.async_copy(src2.at[pl.ds(sbase + j * CHUNK, CHUNK)], isrcs[x],
                         sem_i[x])
        pltpu.async_copy(dst_r.at[pl.ds(ebase + j * CHUNK, CHUNK)], idsts[x],
                         sem_i[x])

    def wait_idx(x):
        pltpu.make_async_copy(src2.at[pl.ds(0, CHUNK)], isrcs[x], sem_i[x]).wait()
        pltpu.make_async_copy(dst_r.at[pl.ds(0, CHUNK)], idsts[x], sem_i[x]).wait()

    def gather(j, x):
        pltpu.async_copy(h2.at[isrcs[x]], rowss[x], sem_g[x])

    def wait_gather(x):
        pltpu.make_async_copy(h2.at[pl.ds(0, CHUNK)], rowss[x], sem_g[x]).wait()

    def scat(x):
        pltpu.async_copy(rowss[x], acc.at[idsts[x]], sem_s[x], add=True)

    def wait_scat(x):
        pltpu.make_async_copy(rowss[x], acc.at[pl.ds(0, CHUNK)], sem_s[x]).wait()

    load_idx(0, 0)
    load_idx(1, 1)
    load_idx(2, 2)
    wait_idx(0)
    gather(0, 0)
    wait_idx(1)
    gather(1, 1)

    @pl.loop(0, (NCH - 4) // 3)
    def _(jj):
        j = jj * 3
        wait_gather(0)
        scat(0)
        wait_idx(2)
        gather(j + 2, 2)
        wait_gather(1)
        scat(1)
        wait_scat(0)
        load_idx(j + 3, 0)
        wait_gather(2)
        scat(2)
        wait_scat(1)
        load_idx(j + 4, 1)
        wait_scat(2)
        load_idx(j + 5, 2)
        wait_idx(0)
        gather(j + 3, 0)
        wait_idx(1)
        gather(j + 4, 1)

    wait_gather(0)
    scat(0)
    wait_idx(2)
    gather(NCH - 2, 2)
    wait_gather(1)
    scat(1)
    wait_scat(0)
    load_idx(NCH - 1, 0)
    wait_gather(2)
    scat(2)
    wait_idx(0)
    gather(NCH - 1, 0)
    wait_gather(0)
    scat(0)
    wait_scat(1)
    wait_scat(2)
    wait_scat(0)

    plsc.subcore_barrier()
    pltpu.sync_copy(acc.at[pl.ds(rbase, RPTA)], a2.at[pl.ds(hbase + rbase, RPTA)])


def _dinv_body(cnt_ref, dinv_ref):
    deg = cnt_ref[:NPAD, 0:1] + cnt_ref[NPAD:, 0:1] + 1.0
    mask = jax.lax.broadcasted_iota(jnp.int32, (NPAD, 1), 0) < N
    dinv_ref[...] = jnp.where(mask, jax.lax.rsqrt(deg), 0.0)


_tc_dinv = pl.pallas_call(
    _dinv_body,
    out_shape=jax.ShapeDtypeStruct((NPAD, 1), _f32),
)


def _mm1_body(x_ref, w_ref, dinv_ref, out_ref):
    h = jnp.dot(x_ref[...], w_ref[...], preferred_element_type=_f32)
    out_ref[...] = h * dinv_ref[...]


_tc_mm1 = pl.pallas_call(
    _mm1_body,
    grid=(2 * NB,),
    in_specs=[
        pl.BlockSpec((BM, D), lambda i: (i % NB, 0)),
        pl.BlockSpec((D, DH), lambda i: (0, i // NB)),
        pl.BlockSpec((BM, 1), lambda i: (i % NB, 0)),
    ],
    out_specs=pl.BlockSpec((BM, DH), lambda i: (i, 0)),
    out_shape=jax.ShapeDtypeStruct((2 * NPAD, DH), _f32),
)


def _mid_body(alo_ref, ahi_ref, dinv_ref, b_ref, w_ref, out_ref):
    inp = jnp.concatenate([alo_ref[...], ahi_ref[...]], axis=1)
    inp = jnp.maximum(inp * dinv_ref[...] + b_ref[...], 0.0)
    h = jnp.dot(inp, w_ref[...], preferred_element_type=_f32)
    out_ref[...] = h * dinv_ref[...]


_tc_mm_mid = pl.pallas_call(
    _mid_body,
    grid=(2 * NB,),
    in_specs=[
        pl.BlockSpec((BM, DH), lambda i: (i % NB, 0)),
        pl.BlockSpec((BM, DH), lambda i: (NB + i % NB, 0)),
        pl.BlockSpec((BM, 1), lambda i: (i % NB, 0)),
        pl.BlockSpec((1, D), lambda i: (0, 0)),
        pl.BlockSpec((D, DH), lambda i: (0, i // NB)),
    ],
    out_specs=pl.BlockSpec((BM, DH), lambda i: (i, 0)),
    out_shape=jax.ShapeDtypeStruct((2 * NPAD, DH), _f32),
)


def _head_body(alo_ref, ahi_ref, dinv_ref, b3_ref, lw1_ref, lb1_ref, lw2_ref,
               lb2_ref, out_ref, acc_ref):
    i = pl.program_id(0)

    @pl.when(i == 0)
    def _():
        acc_ref[...] = jnp.zeros_like(acc_ref)

    inp = jnp.concatenate([alo_ref[...], ahi_ref[...]], axis=1)
    h3 = jnp.maximum(inp * dinv_ref[...] + b3_ref[...], 0.0)
    rows = i * BM + jax.lax.broadcasted_iota(jnp.int32, (BM, 1), 0)
    h3 = jnp.where(rows < N, h3, 0.0)
    acc_ref[...] += jnp.sum(h3, axis=0, keepdims=True)

    @pl.when(i == pl.num_programs(0) - 1)
    def _():
        g = acc_ref[...] * (1.0 / N)
        g1 = jnp.dot(g, lw1_ref[...], preferred_element_type=_f32) + lb1_ref[...]
        g1 = jnp.maximum(g1, 0.0)
        o = jnp.dot(g1, lw2_ref[...], preferred_element_type=_f32) + lb2_ref[...]
        out_ref[...] = jax.nn.sigmoid(o)


_tc_head = pl.pallas_call(
    _head_body,
    grid=(NB,),
    in_specs=[
        pl.BlockSpec((BM, DH), lambda i: (i, 0)),
        pl.BlockSpec((BM, DH), lambda i: (NB + i, 0)),
        pl.BlockSpec((BM, 1), lambda i: (i, 0)),
        pl.BlockSpec((1, D), lambda i: (0, 0)),
        pl.BlockSpec((D, D), lambda i: (0, 0)),
        pl.BlockSpec((1, D), lambda i: (0, 0)),
        pl.BlockSpec((D, 12), lambda i: (0, 0)),
        pl.BlockSpec((1, 12), lambda i: (0, 0)),
    ],
    out_specs=pl.BlockSpec((1, 12), lambda i: (0, 0)),
    out_shape=jax.ShapeDtypeStruct((1, 12), _f32),
    scratch_shapes=[pltpu.VMEM((1, D), _f32)],
)


def kernel(x, edge_index, W1, b1, W2, b2, W3, b3, lw1, lb1, lw2, lb2):
    src = edge_index[0].astype(jnp.int32)
    dst = edge_index[1].astype(jnp.int32)
    epad = jnp.full((EPAD - E,), N, jnp.int32)
    src_p = jnp.concatenate([src, epad])
    dst_p = jnp.concatenate([dst, epad])
    src2 = jnp.concatenate([src_p, src_p + NPAD])
    x_p = jnp.pad(x, ((0, NPAD - N), (0, 0)))

    ones = jnp.ones((DCH, DH), _f32)
    zeros = jnp.zeros((NPAD, DH), _f32)
    cnt = _sc_degree(dst_p, ones, zeros)
    dinv = _tc_dinv(cnt)

    b1r, b2r, b3r = b1.reshape(1, D), b2.reshape(1, D), b3.reshape(1, D)
    h2 = _tc_mm1(x_p, W1, dinv)
    a2 = _sc_aggregate(h2, src2, dst_p)
    h2 = _tc_mm_mid(a2, a2, dinv, b1r, W2)
    a2 = _sc_aggregate(h2, src2, dst_p)
    h2 = _tc_mm_mid(a2, a2, dinv, b2r, W3)
    a2 = _sc_aggregate(h2, src2, dst_p)
    out = _tc_head(a2, a2, dinv, b3r, lw1, lb1.reshape(1, D), lw2,
                   lb2.reshape(1, 12))
    return out.reshape(12)

# --- scband reference (transcript-rebuilt; emitter-appended) ---
"""Pipeline reference for scband-comprehensive-gnn-5179730559200 (READ-ONLY COPY).

The authoritative reference and input builder live on the scoring server;
editing this copy changes nothing except your own understanding.
"""

import jax, jax.numpy as jnp
import numpy as np

N_NODES = 10000


def gcn_conv(x, src, dst, W, b, n):
    # x' = D^{-1/2} (A + I) D^{-1/2} X W + b  (PyG GCNConv default)
    h = x @ W
    loop = jnp.arange(n, dtype=src.dtype)
    s = jnp.concatenate([src, loop])
    d = jnp.concatenate([dst, loop])
    deg = jnp.zeros((n,), dtype=h.dtype).at[d].add(1.0)
    dinv = jnp.where(deg > 0, jax.lax.rsqrt(deg), 0.0)
    norm = dinv[s] * dinv[d]
    msg = h[s] * norm[:, None]
    out = jnp.zeros_like(h).at[d].add(msg)
    return out + b


def setup_inputs(seed: int = 0) -> dict:
    key = jax.random.key(seed)
    ks = jax.random.split(key, 16)
    d_in, hid, n_out = 256, 256, 12
    x = jax.random.normal(ks[0], (N_NODES, d_in), dtype=jnp.float32)
    edge_index = jax.random.randint(ks[1], (2, 320000), 0, N_NODES, dtype=jnp.int64)
    def glorot(k, fan_in, fan_out):
        lim = np.sqrt(6.0 / (fan_in + fan_out))
        return jax.random.uniform(k, (fan_in, fan_out), dtype=jnp.float32, minval=-lim, maxval=lim)
    return {
        "x": x,
        "edge_index": edge_index,
        "W1": glorot(ks[2], d_in, hid), "b1": jnp.zeros((hid,), jnp.float32),
        "W2": glorot(ks[3], hid, hid), "b2": jnp.zeros((hid,), jnp.float32),
        "W3": glorot(ks[4], hid, hid), "b3": jnp.zeros((hid,), jnp.float32),
        "lw1": glorot(ks[5], hid, hid), "lb1": jnp.zeros((hid,), jnp.float32),
        "lw2": glorot(ks[6], hid, n_out), "lb2": jnp.zeros((n_out,), jnp.float32),
    }


def reference(x, edge_index, W1, b1, W2, b2, W3, b3, lw1, lb1, lw2, lb2):
    src, dst = edge_index[0], edge_index[1]
    n = x.shape[0]
    h = gcn_conv(x, src, dst, W1, b1, n)
    h = jax.nn.relu(h)
    # dropout is identity in eval mode
    h = gcn_conv(h, src, dst, W2, b2, n)
    h = jax.nn.relu(h)
    h = gcn_conv(h, src, dst, W3, b3, n)
    h = jax.nn.relu(h)
    g = jnp.mean(h, axis=0)
    g = jax.nn.relu(g @ lw1 + lb1)
    out = g @ lw2 + lb2
    return jax.nn.sigmoid(out)

if __name__ == "__main__":
    import jax
    _d = setup_inputs()
    print(jax.jit(kernel)(*tuple(_d.values())))

</pallas_src>

<mosaic_0001>
#map = affine_map<(d0, d1) -> (0, 0)>
#map1 = affine_map<(d0, d1) -> (0)>
module attributes {stable_mosaic.version = 14 : i64} {
  func.func @_sc_aggregate(%arg0: i32, %arg1: i32, %arg2: memref<20480x128xf32, #tpu.memory_space<hbm>>, %arg3: memref<655360xi32, #tpu.memory_space<hbm>>, %arg4: memref<327680xi32, #tpu.memory_space<hbm>>, %arg5: memref<20480x128xf32, #tpu.memory_space<hbm>>, %arg6: memref<10112x128xf32, #tpu.memory_space<vmem_shared>>, %arg7: memref<128xi32, #tpu.memory_space<vmem>>, %arg8: memref<128xi32, #tpu.memory_space<vmem>>, %arg9: memref<128xi32, #tpu.memory_space<vmem>>, %arg10: memref<128xi32, #tpu.memory_space<vmem>>, %arg11: memref<128xi32, #tpu.memory_space<vmem>>, %arg12: memref<128xi32, #tpu.memory_space<vmem>>, %arg13: memref<128x128xf32, #tpu.memory_space<vmem>>, %arg14: memref<128x128xf32, #tpu.memory_space<vmem>>, %arg15: memref<128x128xf32, #tpu.memory_space<vmem>>, %arg16: memref<!tpu.dma_semaphore, #tpu.memory_space<semaphore_mem>>, %arg17: memref<!tpu.dma_semaphore, #tpu.memory_space<semaphore_mem>>, %arg18: memref<!tpu.dma_semaphore, #tpu.memory_space<semaphore_mem>>, %arg19: memref<!tpu.dma_semaphore, #tpu.memory_space<semaphore_mem>>, %arg20: memref<!tpu.dma_semaphore, #tpu.memory_space<semaphore_mem>>, %arg21: memref<!tpu.dma_semaphore, #tpu.memory_space<semaphore_mem>>, %arg22: memref<!tpu.dma_semaphore, #tpu.memory_space<semaphore_mem>>, %arg23: memref<!tpu.dma_semaphore, #tpu.memory_space<semaphore_mem>>, %arg24: memref<!tpu.dma_semaphore, #tpu.memory_space<semaphore_mem>>) attributes {dimension_semantics = [#tpu.dimension_semantics<core_parallel>, #tpu.dimension_semantics<subcore_parallel>], iteration_bounds = array<i64: 2, 16>, scalar_prefetch = 0 : i64, scratch_operands = 19 : i64, tpu.core_type = #tpu.core_type<sc_vector_subcore>, window_params = [{transform_indices = #map}, {transform_indices = #map1}, {transform_indices = #map1}, {transform_indices = #map}]} {
    %mul3A = arith.constant 632 : i32
    %mul3A_0 = arith.muli %arg1, %mul3A : i32
    %mul3A_1 = arith.constant 10240 : i32
    %mul3A_2 = arith.muli %arg0, %mul3A_1 : i32
    %add3A = arith.addi %mul3A_2, %mul3A_0 : i32
    "tpu.region"() ({
      %run_scoped3A = tpu.sem_alloc : memref<!tpu.dma_semaphore, #tpu.memory_space<semaphore_mem>>
      %dma_start3A_148 = arith.constant 0 : i32
      %dma_start3A_149 = tpu.memref_slice %arg6[%mul3A_0, %dma_start3A_148] : memref<10112x128xf32, #tpu.memory_space<vmem_shared>> -> memref<632x128xf32, #tpu.memory_space<vmem_shared>>
      %dma_start3A_150 = arith.constant 0 : i32
      %dma_start3A_151 = tpu.memref_slice %arg2[%add3A, %dma_start3A_150] : memref<20480x128xf32, #tpu.memory_space<hbm>> -> memref<632x128xf32, #tpu.memory_space<hbm>>
      tpu.enqueue_dma source(%dma_start3A_151 : memref<632x128xf32, #tpu.memory_space<hbm>>) target(%dma_start3A_149 : memref<632x128xf32, #tpu.memory_space<vmem_shared>>) target_semaphore(%run_scoped3A : memref<!tpu.dma_semaphore, #tpu.memory_space<semaphore_mem>>)
      %dma_wait3A_152 = arith.constant 0 : i32
      %dma_wait3A_153 = tpu.memref_slice %arg6[%mul3A_0, %dma_wait3A_152] : memref<10112x128xf32, #tpu.memory_space<vmem_shared>> -> memref<632x128xf32, #tpu.memory_space<vmem_shared>>
      %dma_wait3A_154 = arith.constant 0 : i32
      %dma_wait3A_155 = tpu.memref_slice %arg2[%add3A, %dma_wait3A_154] : memref<20480x128xf32, #tpu.memory_space<hbm>> -> memref<632x128xf32, #tpu.memory_space<hbm>>
      tpu.wait_dma2 semaphore(%run_scoped3A : memref<!tpu.dma_semaphore, #tpu.memory_space<semaphore_mem>>) src(%dma_wait3A_155 : memref<632x128xf32, #tpu.memory_space<hbm>>) dst(%dma_wait3A_153 : memref<632x128xf32, #tpu.memory_space<vmem_shared>>)
      tpu.yield
    }) : () -> ()
    %barrier3A = arith.constant 0 : index
    tpu.barrier barrier_id(%barrier3A)
    %mul3A_3 = arith.constant 20480 : i32
    %mul3A_4 = arith.muli %arg1, %mul3A_3 : i32
    %mul3A_5 = arith.constant 327680 : i32
    %mul3A_6 = arith.muli %arg0, %mul3A_5 : i32
    %add3A_7 = arith.addi %mul3A_6, %mul3A_4 : i32
    %add3A_8 = arith.constant 0 : i32
    %add3A_9 = arith.addi %add3A_7, %add3A_8 : i32
    %dma_start3A = tpu.memref_slice %arg3[%add3A_9] : memref<655360xi32, #tpu.memory_space<hbm>> -> memref<128xi32, #tpu.memory_space<hbm>>
    %dma_start3A_10 = tpu.memref_slice %arg3[%add3A_9] : memref<655360xi32, #tpu.memory_space<hbm>> -> memref<128xi32, #tpu.memory_space<hbm>>
    tpu.enqueue_dma source(%dma_start3A_10 : memref<128xi32, #tpu.memory_space<hbm>>) target(%arg7 : memref<128xi32, #tpu.memory_space<vmem>>) target_semaphore(%arg16 : memref<!tpu.dma_semaphore, #tpu.memory_space<semaphore_mem>>)
    %add3A_11 = arith.constant 0 : i32
    %add3A_12 = arith.addi %mul3A_4, %add3A_11 : i32
    %dma_start3A_13 = tpu.memref_slice %arg4[%add3A_12] : memref<327680xi32, #tpu.memory_space<hbm>> -> memref<128xi32, #tpu.memory_space<hbm>>
    %dma_start3A_14 = tpu.memref_slice %arg4[%add3A_12] : memref<327680xi32, #tpu.memory_space<hbm>> -> memref<128xi32, #tpu.memory_space<hbm>>
    tpu.enqueue_dma source(%dma_start3A_14 : memref<128xi32, #tpu.memory_space<hbm>>) target(%arg10 : memref<128xi32, #tpu.memory_space<vmem>>) target_semaphore(%arg16 : memref<!tpu.dma_semaphore, #tpu.memory_space<semaphore_mem>>)
    %add3A_15 = arith.constant 128 : i32
    %add3A_16 = arith.addi %add3A_7, %add3A_15 : i32
    %dma_start3A_17 = tpu.memref_slice %arg3[%add3A_16] : memref<655360xi32, #tpu.memory_space<hbm>> -> memref<128xi32, #tpu.memory_space<hbm>>
    %dma_start3A_18 = tpu.memref_slice %arg3[%add3A_16] : memref<655360xi32, #tpu.memory_space<hbm>> -> memref<128xi32, #tpu.memory_space<hbm>>
    tpu.enqueue_dma source(%dma_start3A_18 : memref<128xi32, #tpu.memory_space<hbm>>) target(%arg8 : memref<128xi32, #tpu.memory_space<vmem>>) target_semaphore(%arg17 : memref<!tpu.dma_semaphore, #tpu.memory_space<semaphore_mem>>)
    %add3A_19 = arith.constant 128 : i32
    %add3A_20 = arith.addi %mul3A_4, %add3A_19 : i32
    %dma_start3A_21 = tpu.memref_slice %arg4[%add3A_20] : memref<327680xi32, #tpu.memory_space<hbm>> -> memref<128xi32, #tpu.memory_space<hbm>>
    %dma_start3A_22 = tpu.memref_slice %arg4[%add3A_20] : memref<327680xi32, #tpu.memory_space<hbm>> -> memref<128xi32, #tpu.memory_space<hbm>>
    tpu.enqueue_dma source(%dma_start3A_22 : memref<128xi32, #tpu.memory_space<hbm>>) target(%arg11 : memref<128xi32, #tpu.memory_space<vmem>>) target_semaphore(%arg17 : memref<!tpu.dma_semaphore, #tpu.memory_space<semaphore_mem>>)
    %add3A_23 = arith.constant 256 : i32
    %add3A_24 = arith.addi %add3A_7, %add3A_23 : i32
    %dma_start3A_25 = tpu.memref_slice %arg3[%add3A_24] : memref<655360xi32, #tpu.memory_space<hbm>> -> memref<128xi32, #tpu.memory_space<hbm>>
    %dma_start3A_26 = tpu.memref_slice %arg3[%add3A_24] : memref<655360xi32, #tpu.memory_space<hbm>> -> memref<128xi32, #tpu.memory_space<hbm>>
    tpu.enqueue_dma source(%dma_start3A_26 : memref<128xi32, #tpu.memory_space<hbm>>) target(%arg9 : memref<128xi32, #tpu.memory_space<vmem>>) target_semaphore(%arg18 : memref<!tpu.dma_semaphore, #tpu.memory_space<semaphore_mem>>)
    %add3A_27 = arith.constant 256 : i32
    %add3A_28 = arith.addi %mul3A_4, %add3A_27 : i32
    %dma_start3A_29 = tpu.memref_slice %arg4[%add3A_28] : memref<327680xi32, #tpu.memory_space<hbm>> -> memref<128xi32, #tpu.memory_space<hbm>>
    %dma_start3A_30 = tpu.memref_slice %arg4[%add3A_28] : memref<327680xi32, #tpu.memory_space<hbm>> -> memref<128xi32, #tpu.memory_space<hbm>>
    tpu.enqueue_dma source(%dma_start3A_30 : memref<128xi32, #tpu.memory_space<hbm>>) target(%arg12 : memref<128xi32, #tpu.memory_space<vmem>>) target_semaphore(%arg18 : memref<!tpu.dma_semaphore, #tpu.memory_space<semaphore_mem>>)
    %dma_wait3A = arith.constant 0 : i32
    %dma_wait3A_31 = tpu.memref_slice %arg3[%dma_wait3A] : memref<655360xi32, #tpu.memory_space<hbm>> -> memref<128xi32, #tpu.memory_space<hbm>>
    %dma_wait3A_32 = arith.constant 0 : i32
    %dma_wait3A_33 = tpu.memref_slice %arg3[%dma_wait3A_32] : memref<655360xi32, #tpu.memory_space<hbm>> -> memref<128xi32, #tpu.memory_space<hbm>>
    tpu.wait_dma2 semaphore(%arg16 : memref<!tpu.dma_semaphore, #tpu.memory_space<semaphore_mem>>) src(%dma_wait3A_33 : memref<128xi32, #tpu.memory_space<hbm>>) dst(%arg7 : memref<128xi32, #tpu.memory_space<vmem>>)
    %dma_wait3A_34 = arith.constant 0 : i32
    %dma_wait3A_35 = tpu.memref_slice %arg4[%dma_wait3A_34] : memref<327680xi32, #tpu.memory_space<hbm>> -> memref<128xi32, #tpu.memory_space<hbm>>
    %dma_wait3A_36 = arith.constant 0 : i32
    %dma_wait3A_37 = tpu.memref_slice %arg4[%dma_wait3A_36] : memref<327680xi32, #tpu.memory_space<hbm>> -> memref<128xi32, #tpu.memory_space<hbm>>
    tpu.wait_dma2 semaphore(%arg16 : memref<!tpu.dma_semaphore, #tpu.memory_space<semaphore_mem>>) src(%dma_wait3A_37 : memref<128xi32, #tpu.memory_space<hbm>>) dst(%arg10 : memref<128xi32, #tpu.memory_space<vmem>>)
    %dma_start3A_38 = arith.constant 0 : i32
    %dma_start3A_39 = arith.constant 0 : i32
    %dma_start3A_40 = tpu.memref_slice %arg2[%dma_start3A_38, %dma_start3A_39] : memref<20480x128xf32, #tpu.memory_space<hbm>> -> memref<20480x128xf32, #tpu.memory_space<hbm>>
    tpu.enqueue_indirect_dma source(%dma_start3A_40 : memref<20480x128xf32, #tpu.memory_space<hbm>>) target(%arg13 : memref<128x128xf32, #tpu.memory_space<vmem>>) offsets(%arg7 : memref<128xi32, #tpu.memory_space<vmem>>) semaphore(%arg19 : memref<!tpu.dma_semaphore, #tpu.memory_space<semaphore_mem>>)
    %dma_wait3A_41 = arith.constant 0 : i32
    %dma_wait3A_42 = tpu.memref_slice %arg3[%dma_wait3A_41] : memref<655360xi32, #tpu.memory_space<hbm>> -> memref<128xi32, #tpu.memory_space<hbm>>
    %dma_wait3A_43 = arith.constant 0 : i32
    %dma_wait3A_44 = tpu.memref_slice %arg3[%dma_wait3A_43] : memref<655360xi32, #tpu.memory_space<hbm>> -> memref<128xi32, #tpu.memory_space<hbm>>
    tpu.wait_dma2 semaphore(%arg17 : memref<!tpu.dma_semaphore, #tpu.memory_space<semaphore_mem>>) src(%dma_wait3A_44 : memref<128xi32, #tpu.memory_space<hbm>>) dst(%arg8 : memref<128xi32, #tpu.memory_space<vmem>>)
    %dma_wait3A_45 = arith.constant 0 : i32
    %dma_wait3A_46 = tpu.memref_slice %arg4[%dma_wait3A_45] : memref<327680xi32, #tpu.memory_space<hbm>> -> memref<128xi32, #tpu.memory_space<hbm>>
    %dma_wait3A_47 = arith.constant 0 : i32
    %dma_wait3A_48 = tpu.memref_slice %arg4[%dma_wait3A_47] : memref<327680xi32, #tpu.memory_space<hbm>> -> memref<128xi32, #tpu.memory_space<hbm>>
    tpu.wait_dma2 semaphore(%arg17 : memref<!tpu.dma_semaphore, #tpu.memory_space<semaphore_mem>>) src(%dma_wait3A_48 : memref<128xi32, #tpu.memory_space<hbm>>) dst(%arg11 : memref<128xi32, #tpu.memory_space<vmem>>)
    %dma_start3A_49 = arith.constant 0 : i32
    %dma_start3A_50 = arith.constant 0 : i32
    %dma_start3A_51 = tpu.memref_slice %arg2[%dma_start3A_49, %dma_start3A_50] : memref<20480x128xf32, #tpu.memory_space<hbm>> -> memref<20480x128xf32, #tpu.memory_space<hbm>>
    tpu.enqueue_indirect_dma source(%dma_start3A_51 : memref<20480x128xf32, #tpu.memory_space<hbm>>) target(%arg14 : memref<128x128xf32, #tpu.memory_space<vmem>>) offsets(%arg8 : memref<128xi32, #tpu.memory_space<vmem>>) semaphore(%arg20 : memref<!tpu.dma_semaphore, #tpu.memory_space<semaphore_mem>>)
    %scan3A = arith.constant 0 : i32
    %scan3A_52 = arith.constant 52 : i32
    %scan3A_53 = arith.addi %scan3A, %scan3A_52 : i32
    %scan3A_54 = arith.constant 1 : i32
    scf.for %scan3A_148 = %scan3A to %scan3A_53 step %scan3A_54  : i32 {
      %mul3A_149 = arith.constant 1 : i32
      %mul3A_150 = arith.muli %scan3A_148, %mul3A_149 : i32
      %add3A_151 = arith.constant 0 : i32
      %add3A_152 = arith.addi %add3A_151, %mul3A_150 : i32
      %mul3A_153 = arith.constant 3 : i32
      %mul3A_154 = arith.muli %add3A_152, %mul3A_153 : i32
      %dma_wait3A_155 = arith.constant 0 : i32
      %dma_wait3A_156 = arith.constant 0 : i32
      %dma_wait3A_157 = tpu.memref_slice %arg2[%dma_wait3A_155, %dma_wait3A_156] : memref<20480x128xf32, #tpu.memory_space<hbm>> -> memref<128x128xf32, #tpu.memory_space<hbm>>
      %dma_wait3A_158 = arith.constant 0 : i32
      %dma_wait3A_159 = arith.constant 0 : i32
      %dma_wait3A_160 = tpu.memref_slice %arg2[%dma_wait3A_158, %dma_wait3A_159] : memref<20480x128xf32, #tpu.memory_space<hbm>> -> memref<128x128xf32, #tpu.memory_space<hbm>>
      tpu.wait_dma2 semaphore(%arg19 : memref<!tpu.dma_semaphore, #tpu.memory_space<semaphore_mem>>) src(%dma_wait3A_160 : memref<128x128xf32, #tpu.memory_space<hbm>>) dst(%arg13 : memref<128x128xf32, #tpu.memory_space<vmem>>)
      %dma_start3A_161 = arith.constant 0 : i32
      %dma_start3A_162 = arith.constant 0 : i32
      %dma_start3A_163 = tpu.memref_slice %arg6[%dma_start3A_161, %dma_start3A_162] : memref<10112x128xf32, #tpu.memory_space<vmem_shared>> -> memref<10112x128xf32, #tpu.memory_space<vmem_shared>>
      tpu.enqueue_indirect_dma source(%arg13 : memref<128x128xf32, #tpu.memory_space<vmem>>) target(%dma_start3A_163 : memref<10112x128xf32, #tpu.memory_space<vmem_shared>>) offsets(%arg10 : memref<128xi32, #tpu.memory_space<vmem>>) semaphore(%arg22 : memref<!tpu.dma_semaphore, #tpu.memory_space<semaphore_mem>>) {add = true}
      %dma_wait3A_164 = arith.constant 0 : i32
      %dma_wait3A_165 = tpu.memref_slice %arg3[%dma_wait3A_164] : memref<655360xi32, #tpu.memory_space<hbm>> -> memref<128xi32, #tpu.memory_space<hbm>>
      %dma_wait3A_166 = arith.constant 0 : i32
      %dma_wait3A_167 = tpu.memref_slice %arg3[%dma_wait3A_166] : memref<655360xi32, #tpu.memory_space<hbm>> -> memref<128xi32, #tpu.memory_space<hbm>>
      tpu.wait_dma2 semaphore(%arg18 : memref<!tpu.dma_semaphore, #tpu.memory_space<semaphore_mem>>) src(%dma_wait3A_167 : memref<128xi32, #tpu.memory_space<hbm>>) dst(%arg9 : memref<128xi32, #tpu.memory_space<vmem>>)
      %dma_wait3A_168 = arith.constant 0 : i32
      %dma_wait3A_169 = tpu.memref_slice %arg4[%dma_wait3A_168] : memref<327680xi32, #tpu.memory_space<hbm>> -> memref<128xi32, #tpu.memory_space<hbm>>
      %dma_wait3A_170 = arith.constant 0 : i32
      %dma_wait3A_171 = tpu.memref_slice %arg4[%dma_wait3A_170] : memref<327680xi32, #tpu.memory_space<hbm>> -> memref<128xi32, #tpu.memory_space<hbm>>
      tpu.wait_dma2 semaphore(%arg18 : memref<!tpu.dma_semaphore, #tpu.memory_space<semaphore_mem>>) src(%dma_wait3A_171 : memref<128xi32, #tpu.memory_space<hbm>>) dst(%arg12 : memref<128xi32, #tpu.memory_space<vmem>>)
      %add3A_172 = arith.constant 2 : i32
      %add3A_173 = arith.addi %mul3A_154, %add3A_172 : i32
      %dma_start3A_174 = arith.constant 0 : i32
      %dma_start3A_175 = arith.constant 0 : i32
      %dma_start3A_176 = tpu.memref_slice %arg2[%dma_start3A_174, %dma_start3A_175] : memref<20480x128xf32, #tpu.memory_space<hbm>> -> memref<20480x128xf32, #tpu.memory_space<hbm>>
      tpu.enqueue_indirect_dma source(%dma_start3A_176 : memref<20480x128xf32, #tpu.memory_space<hbm>>) target(%arg15 : memref<128x128xf32, #tpu.memory_space<vmem>>) offsets(%arg9 : memref<128xi32, #tpu.memory_space<vmem>>) semaphore(%arg21 : memref<!tpu.dma_semaphore, #tpu.memory_space<semaphore_mem>>)
      %dma_wait3A_177 = arith.constant 0 : i32
      %dma_wait3A_178 = arith.constant 0 : i32
      %dma_wait3A_179 = tpu.memref_slice %arg2[%dma_wait3A_177, %dma_wait3A_178] : memref<20480x128xf32, #tpu.memory_space<hbm>> -> memref<128x128xf32, #tpu.memory_space<hbm>>
      %dma_wait3A_180 = arith.constant 0 : i32
      %dma_wait3A_181 = arith.constant 0 : i32
      %dma_wait3A_182 = tpu.memref_slice %arg2[%dma_wait3A_180, %dma_wait3A_181] : memref<20480x128xf32, #tpu.memory_space<hbm>> -> memref<128x128xf32, #tpu.memory_space<hbm>>
      tpu.wait_dma2 semaphore(%arg20 : memref<!tpu.dma_semaphore, #tpu.memory_space<semaphore_mem>>) src(%dma_wait3A_182 : memref<128x128xf32, #tpu.memory_space<hbm>>) dst(%arg14 : memref<128x128xf32, #tpu.memory_space<vmem>>)
      %dma_start3A_183 = arith.constant 0 : i32
      %dma_start3A_184 = arith.constant 0 : i32
      %dma_start3A_185 = tpu.memref_slice %arg6[%dma_start3A_183, %dma_start3A_184] : memref<10112x128xf32, #tpu.memory_space<vmem_shared>> -> memref<10112x128xf32, #tpu.memory_space<vmem_shared>>
      tpu.enqueue_indirect_dma source(%arg14 : memref<128x128xf32, #tpu.memory_space<vmem>>) target(%dma_start3A_185 : memref<10112x128xf32, #tpu.memory_space<vmem_shared>>) offsets(%arg11 : memref<128xi32, #tpu.memory_space<vmem>>) semaphore(%arg23 : memref<!tpu.dma_semaphore, #tpu.memory_space<semaphore_mem>>) {add = true}
      %dma_wait3A_186 = arith.constant 0 : i32
      %dma_wait3A_187 = arith.constant 0 : i32
      %dma_wait3A_188 = tpu.memref_slice %arg6[%dma_wait3A_186, %dma_wait3A_187] : memref<10112x128xf32, #tpu.memory_space<vmem_shared>> -> memref<128x128xf32, #tpu.memory_space<vmem_shared>>
      %dma_wait3A_189 = arith.constant 0 : i32
      %dma_wait3A_190 = arith.constant 0 : i32
      %dma_wait3A_191 = tpu.memref_slice %arg6[%dma_wait3A_189, %dma_wait3A_190] : memref<10112x128xf32, #tpu.memory_space<vmem_shared>> -> memref<128x128xf32, #tpu.memory_space<vmem_shared>>
      tpu.wait_dma2 semaphore(%arg22 : memref<!tpu.dma_semaphore, #tpu.memory_space<semaphore_mem>>) src(%arg13 : memref<128x128xf32, #tpu.memory_space<vmem>>) dst(%dma_wait3A_191 : memref<128x128xf32, #tpu.memory_space<vmem_shared>>)
      %add3A_192 = arith.constant 3 : i32
      %add3A_193 = arith.addi %mul3A_154, %add3A_192 : i32
      %mul3A_194 = arith.constant 128 : i32
      %mul3A_195 = arith.muli %add3A_193, %mul3A_194 : i32
      %add3A_196 = arith.addi %add3A_7, %mul3A_195 : i32
      %dma_start3A_197 = tpu.memref_slice %arg3[%add3A_196] : memref<655360xi32, #tpu.memory_space<hbm>> -> memref<128xi32, #tpu.memory_space<hbm>>
      %dma_start3A_198 = tpu.memref_slice %arg3[%add3A_196] : memref<655360xi32, #tpu.memory_space<hbm>> -> memref<128xi32, #tpu.memory_space<hbm>>
      tpu.enqueue_dma source(%dma_start3A_198 : memref<128xi32, #tpu.memory_space<hbm>>) target(%arg7 : memref<128xi32, #tpu.memory_space<vmem>>) target_semaphore(%arg16 : memref<!tpu.dma_semaphore, #tpu.memory_space<semaphore_mem>>)
      %mul3A_199 = arith.constant 128 : i32
      %mul3A_200 = arith.muli %add3A_193, %mul3A_199 : i32
      %add3A_201 = arith.addi %mul3A_4, %mul3A_200 : i32
      %dma_start3A_202 = tpu.memref_slice %arg4[%add3A_201] : memref<327680xi32, #tpu.memory_space<hbm>> -> memref<128xi32, #tpu.memory_space<hbm>>
      %dma_start3A_203 = tpu.memref_slice %arg4[%add3A_201] : memref<327680xi32, #tpu.memory_space<hbm>> -> memref<128xi32, #tpu.memory_space<hbm>>
      tpu.enqueue_dma source(%dma_start3A_203 : memref<128xi32, #tpu.memory_space<hbm>>) target(%arg10 : memref<128xi32, #tpu.memory_space<vmem>>) target_semaphore(%arg16 : memref<!tpu.dma_semaphore, #tpu.memory_space<semaphore_mem>>)
      %dma_wait3A_204 = arith.constant 0 : i32
      %dma_wait3A_205 = arith.constant 0 : i32
      %dma_wait3A_206 = tpu.memref_slice %arg2[%dma_wait3A_204, %dma_wait3A_205] : memref<20480x128xf32, #tpu.memory_space<hbm>> -> memref<128x128xf32, #tpu.memory_space<hbm>>
      %dma_wait3A_207 = arith.constant 0 : i32
      %dma_wait3A_208 = arith.constant 0 : i32
      %dma_wait3A_209 = tpu.memref_slice %arg2[%dma_wait3A_207, %dma_wait3A_208] : memref<20480x128xf32, #tpu.memory_space<hbm>> -> memref<128x128xf32, #tpu.memory_space<hbm>>
      tpu.wait_dma2 semaphore(%arg21 : memref<!tpu.dma_semaphore, #tpu.memory_space<semaphore_mem>>) src(%dma_wait3A_209 : memref<128x128xf32, #tpu.memory_space<hbm>>) dst(%arg15 : memref<128x128xf32, #tpu.memory_space<vmem>>)
      %dma_start3A_210 = arith.constant 0 : i32
      %dma_start3A_211 = arith.constant 0 : i32
      %dma_start3A_212 = tpu.memref_slice %arg6[%dma_start3A_210, %dma_start3A_211] : memref<10112x128xf32, #tpu.memory_space<vmem_shared>> -> memref<10112x128xf32, #tpu.memory_space<vmem_shared>>
      tpu.enqueue_indirect_dma source(%arg15 : memref<128x128xf32, #tpu.memory_space<vmem>>) target(%dma_start3A_212 : memref<10112x128xf32, #tpu.memory_space<vmem_shared>>) offsets(%arg12 : memref<128xi32, #tpu.memory_space<vmem>>) semaphore(%arg24 : memref<!tpu.dma_semaphore, #tpu.memory_space<semaphore_mem>>) {add = true}
      %dma_wait3A_213 = arith.constant 0 : i32
      %dma_wait3A_214 = arith.constant 0 : i32
      %dma_wait3A_215 = tpu.memref_slice %arg6[%dma_wait3A_213, %dma_wait3A_214] : memref<10112x128xf32, #tpu.memory_space<vmem_shared>> -> memref<128x128xf32, #tpu.memory_space<vmem_shared>>
      %dma_wait3A_216 = arith.constant 0 : i32
      %dma_wait3A_217 = arith.constant 0 : i32
      %dma_wait3A_218 = tpu.memref_slice %arg6[%dma_wait3A_216, %dma_wait3A_217] : memref<10112x128xf32, #tpu.memory_space<vmem_shared>> -> memref<128x128xf32, #tpu.memory_space<vmem_shared>>
      tpu.wait_dma2 semaphore(%arg23 : memref<!tpu.dma_semaphore, #tpu.memory_space<semaphore_mem>>) src(%arg14 : memref<128x128xf32, #tpu.memory_space<vmem>>) dst(%dma_wait3A_218 : memref<128x128xf32, #tpu.memory_space<vmem_shared>>)
      %add3A_219 = arith.constant 4 : i32
      %add3A_220 = arith.addi %mul3A_154, %add3A_219 : i32
      %mul3A_221 = arith.constant 128 : i32
      %mul3A_222 = arith.muli %add3A_220, %mul3A_221 : i32
      %add3A_223 = arith.addi %add3A_7, %mul3A_222 : i32
      %dma_start3A_224 = tpu.memref_slice %arg3[%add3A_223] : memref<655360xi32, #tpu.memory_space<hbm>> -> memref<128xi32, #tpu.memory_space<hbm>>
      %dma_start3A_225 = tpu.memref_slice %arg3[%add3A_223] : memref<655360xi32, #tpu.memory_space<hbm>> -> memref<128xi32, #tpu.memory_space<hbm>>
      tpu.enqueue_dma source(%dma_start3A_225 : memref<128xi32, #tpu.memory_space<hbm>>) target(%arg8 : memref<128xi32, #tpu.memory_space<vmem>>) target_semaphore(%arg17 : memref<!tpu.dma_semaphore, #tpu.memory_space<semaphore_mem>>)
      %mul3A_226 = arith.constant 128 : i32
      %mul3A_227 = arith.muli %add3A_220, %mul3A_226 : i32
      %add3A_228 = arith.addi %mul3A_4, %mul3A_227 : i32
      %dma_start3A_229 = tpu.memref_slice %arg4[%add3A_228] : memref<327680xi32, #tpu.memory_space<hbm>> -> memref<128xi32, #tpu.memory_space<hbm>>
      %dma_start3A_230 = tpu.memref_slice %arg4[%add3A_228] : memref<327680xi32, #tpu.memory_space<hbm>> -> memref<128xi32, #tpu.memory_space<hbm>>
      tpu.enqueue_dma source(%dma_start3A_230 : memref<128xi32, #tpu.memory_space<hbm>>) target(%arg11 : memref<128xi32, #tpu.memory_space<vmem>>) target_semaphore(%arg17 : memref<!tpu.dma_semaphore, #tpu.memory_space<semaphore_mem>>)
      %dma_wait3A_231 = arith.constant 0 : i32
      %dma_wait3A_232 = arith.constant 0 : i32
      %dma_wait3A_233 = tpu.memref_slice %arg6[%dma_wait3A_231, %dma_wait3A_232] : memref<10112x128xf32, #tpu.memory_space<vmem_shared>> -> memref<128x128xf32, #tpu.memory_space<vmem_shared>>
      %dma_wait3A_234 = arith.constant 0 : i32
      %dma_wait3A_235 = arith.constant 0 : i32
      %dma_wait3A_236 = tpu.memref_slice %arg6[%dma_wait3A_234, %dma_wait3A_235] : memref<10112x128xf32, #tpu.memory_space<vmem_shared>> -> memref<128x128xf32, #tpu.memory_space<vmem_shared>>
      tpu.wait_dma2 semaphore(%arg24 : memref<!tpu.dma_semaphore, #tpu.memory_space<semaphore_mem>>) src(%arg15 : memref<128x128xf32, #tpu.memory_space<vmem>>) dst(%dma_wait3A_236 : memref<128x128xf32, #tpu.memory_space<vmem_shared>>)
      %add3A_237 = arith.constant 5 : i32
      %add3A_238 = arith.addi %mul3A_154, %add3A_237 : i32
      %mul3A_239 = arith.constant 128 : i32
      %mul3A_240 = arith.muli %add3A_238, %mul3A_239 : i32
      %add3A_241 = arith.addi %add3A_7, %mul3A_240 : i32
      %dma_start3A_242 = tpu.memref_slice %arg3[%add3A_241] : memref<655360xi32, #tpu.memory_space<hbm>> -> memref<128xi32, #tpu.memory_space<hbm>>
      %dma_start3A_243 = tpu.memref_slice %arg3[%add3A_241] : memref<655360xi32, #tpu.memory_space<hbm>> -> memref<128xi32, #tpu.memory_space<hbm>>
      tpu.enqueue_dma source(%dma_start3A_243 : memref<128xi32, #tpu.memory_space<hbm>>) target(%arg9 : memref<128xi32, #tpu.memory_space<vmem>>) target_semaphore(%arg18 : memref<!tpu.dma_semaphore, #tpu.memory_space<semaphore_mem>>)
      %mul3A_244 = arith.constant 128 : i32
      %mul3A_245 = arith.muli %add3A_238, %mul3A_244 : i32
      %add3A_246 = arith.addi %mul3A_4, %mul3A_245 : i32
      %dma_start3A_247 = tpu.memref_slice %arg4[%add3A_246] : memref<327680xi32, #tpu.memory_space<hbm>> -> memref<128xi32, #tpu.memory_space<hbm>>
      %dma_start3A_248 = tpu.memref_slice %arg4[%add3A_246] : memref<327680xi32, #tpu.memory_space<hbm>> -> memref<128xi32, #tpu.memory_space<hbm>>
      tpu.enqueue_dma source(%dma_start3A_248 : memref<128xi32, #tpu.memory_space<hbm>>) target(%arg12 : memref<128xi32, #tpu.memory_space<vmem>>) target_semaphore(%arg18 : memref<!tpu.dma_semaphore, #tpu.memory_space<semaphore_mem>>)
      %dma_wait3A_249 = arith.constant 0 : i32
      %dma_wait3A_250 = tpu.memref_slice %arg3[%dma_wait3A_249] : memref<655360xi32, #tpu.memory_space<hbm>> -> memref<128xi32, #tpu.memory_space<hbm>>
      %dma_wait3A_251 = arith.constant 0 : i32
      %dma_wait3A_252 = tpu.memref_slice %arg3[%dma_wait3A_251] : memref<655360xi32, #tpu.memory_space<hbm>> -> memref<128xi32, #tpu.memory_space<hbm>>
      tpu.wait_dma2 semaphore(%arg16 : memref<!tpu.dma_semaphore, #tpu.memory_space<semaphore_mem>>) src(%dma_wait3A_252 : memref<128xi32, #tpu.memory_space<hbm>>) dst(%arg7 : memref<128xi32, #tpu.memory_space<vmem>>)
      %dma_wait3A_253 = arith.constant 0 : i32
      %dma_wait3A_254 = tpu.memref_slice %arg4[%dma_wait3A_253] : memref<327680xi32, #tpu.memory_space<hbm>> -> memref<128xi32, #tpu.memory_space<hbm>>
      %dma_wait3A_255 = arith.constant 0 : i32
      %dma_wait3A_256 = tpu.memref_slice %arg4[%dma_wait3A_255] : memref<327680xi32, #tpu.memory_space<hbm>> -> memref<128xi32, #tpu.memory_space<hbm>>
      tpu.wait_dma2 semaphore(%arg16 : memref<!tpu.dma_semaphore, #tpu.memory_space<semaphore_mem>>) src(%dma_wait3A_256 : memref<128xi32, #tpu.memory_space<hbm>>) dst(%arg10 : memref<128xi32, #tpu.memory_space<vmem>>)
      %add3A_257 = arith.constant 3 : i32
      %add3A_258 = arith.addi %mul3A_154, %add3A_257 : i32
      %dma_start3A_259 = arith.constant 0 : i32
      %dma_start3A_260 = arith.constant 0 : i32
      %dma_start3A_261 = tpu.memref_slice %arg2[%dma_start3A_259, %dma_start3A_260] : memref<20480x128xf32, #tpu.memory_space<hbm>> -> memref<20480x128xf32, #tpu.memory_space<hbm>>
      tpu.enqueue_indirect_dma source(%dma_start3A_261 : memref<20480x128xf32, #tpu.memory_space<hbm>>) target(%arg13 : memref<128x128xf32, #tpu.memory_space<vmem>>) offsets(%arg7 : memref<128xi32, #tpu.memory_space<vmem>>) semaphore(%arg19 : memref<!tpu.dma_semaphore, #tpu.memory_space<semaphore_mem>>)
      %dma_wait3A_262 = arith.constant 0 : i32
      %dma_wait3A_263 = tpu.memref_slice %arg3[%dma_wait3A_262] : memref<655360xi32, #tpu.memory_space<hbm>> -> memref<128xi32, #tpu.memory_space<hbm>>
      %dma_wait3A_264 = arith.constant 0 : i32
      %dma_wait3A_265 = tpu.memref_slice %arg3[%dma_wait3A_264] : memref<655360xi32, #tpu.memory_space<hbm>> -> memref<128xi32, #tpu.memory_space<hbm>>
      tpu.wait_dma2 semaphore(%arg17 : memref<!tpu.dma_semaphore, #tpu.memory_space<semaphore_mem>>) src(%dma_wait3A_265 : memref<128xi32, #tpu.memory_space<hbm>>) dst(%arg8 : memref<128xi32, #tpu.memory_space<vmem>>)
      %dma_wait3A_266 = arith.constant 0 : i32
      %dma_wait3A_267 = tpu.memref_slice %arg4[%dma_wait3A_266] : memref<327680xi32, #tpu.memory_space<hbm>> -> memref<128xi32, #tpu.memory_space<hbm>>
      %dma_wait3A_268 = arith.constant 0 : i32
      %dma_wait3A_269 = tpu.memref_slice %arg4[%dma_wait3A_268] : memref<327680xi32, #tpu.memory_space<hbm>> -> memref<128xi32, #tpu.memory_space<hbm>>
      tpu.wait_dma2 semaphore(%arg17 : memref<!tpu.dma_semaphore, #tpu.memory_space<semaphore_mem>>) src(%dma_wait3A_269 : memref<128xi32, #tpu.memory_space<hbm>>) dst(%arg11 : memref<128xi32, #tpu.memory_space<vmem>>)
      %add3A_270 = arith.constant 4 : i32
      %add3A_271 = arith.addi %mul3A_154, %add3A_270 : i32
      %dma_start3A_272 = arith.constant 0 : i32
      %dma_start3A_273 = arith.constant 0 : i32
      %dma_start3A_274 = tpu.memref_slice %arg2[%dma_start3A_272, %dma_start3A_273] : memref<20480x128xf32, #tpu.memory_space<hbm>> -> memref<20480x128xf32, #tpu.memory_space<hbm>>
      tpu.enqueue_indirect_dma source(%dma_start3A_274 : memref<20480x128xf32, #tpu.memory_space<hbm>>) target(%arg14 : memref<128x128xf32, #tpu.memory_space<vmem>>) offsets(%arg8 : memref<128xi32, #tpu.memory_space<vmem>>) semaphore(%arg20 : memref<!tpu.dma_semaphore, #tpu.memory_space<semaphore_mem>>)
    }
    %scan3A_55 = arith.constant 52 : i32
    %dma_wait3A_56 = arith.constant 0 : i32
    %dma_wait3A_57 = arith.constant 0 : i32
    %dma_wait3A_58 = tpu.memref_slice %arg2[%dma_wait3A_56, %dma_wait3A_57] : memref<20480x128xf32, #tpu.memory_space<hbm>> -> memref<128x128xf32, #tpu.memory_space<hbm>>
    %dma_wait3A_59 = arith.constant 0 : i32
    %dma_wait3A_60 = arith.constant 0 : i32
    %dma_wait3A_61 = tpu.memref_slice %arg2[%dma_wait3A_59, %dma_wait3A_60] : memref<20480x128xf32, #tpu.memory_space<hbm>> -> memref<128x128xf32, #tpu.memory_space<hbm>>
    tpu.wait_dma2 semaphore(%arg19 : memref<!tpu.dma_semaphore, #tpu.memory_space<semaphore_mem>>) src(%dma_wait3A_61 : memref<128x128xf32, #tpu.memory_space<hbm>>) dst(%arg13 : memref<128x128xf32, #tpu.memory_space<vmem>>)
    %dma_start3A_62 = arith.constant 0 : i32
    %dma_start3A_63 = arith.constant 0 : i32
    %dma_start3A_64 = tpu.memref_slice %arg6[%dma_start3A_62, %dma_start3A_63] : memref<10112x128xf32, #tpu.memory_space<vmem_shared>> -> memref<10112x128xf32, #tpu.memory_space<vmem_shared>>
    tpu.enqueue_indirect_dma source(%arg13 : memref<128x128xf32, #tpu.memory_space<vmem>>) target(%dma_start3A_64 : memref<10112x128xf32, #tpu.memory_space<vmem_shared>>) offsets(%arg10 : memref<128xi32, #tpu.memory_space<vmem>>) semaphore(%arg22 : memref<!tpu.dma_semaphore, #tpu.memory_space<semaphore_mem>>) {add = true}
    %dma_wait3A_65 = arith.constant 0 : i32
    %dma_wait3A_66 = tpu.memref_slice %arg3[%dma_wait3A_65] : memref<655360xi32, #tpu.memory_space<hbm>> -> memref<128xi32, #tpu.memory_space<hbm>>
    %dma_wait3A_67 = arith.constant 0 : i32
    %dma_wait3A_68 = tpu.memref_slice %arg3[%dma_wait3A_67] : memref<655360xi32, #tpu.memory_space<hbm>> -> memref<128xi32, #tpu.memory_space<hbm>>
    tpu.wait_dma2 semaphore(%arg18 : memref<!tpu.dma_semaphore, #tpu.memory_space<semaphore_mem>>) src(%dma_wait3A_68 : memref<128xi32, #tpu.memory_space<hbm>>) dst(%arg9 : memref<128xi32, #tpu.memory_space<vmem>>)
    %dma_wait3A_69 = arith.constant 0 : i32
    %dma_wait3A_70 = tpu.memref_slice %arg4[%dma_wait3A_69] : memref<327680xi32, #tpu.memory_space<hbm>> -> memref<128xi32, #tpu.memory_space<hbm>>
    %dma_wait3A_71 = arith.constant 0 : i32
    %dma_wait3A_72 = tpu.memref_slice %arg4[%dma_wait3A_71] : memref<327680xi32, #tpu.memory_space<hbm>> -> memref<128xi32, #tpu.memory_space<hbm>>
    tpu.wait_dma2 semaphore(%arg18 : memref<!tpu.dma_semaphore, #tpu.memory_space<semaphore_mem>>) src(%dma_wait3A_72 : memref<128xi32, #tpu.memory_space<hbm>>) dst(%arg12 : memref<128xi32, #tpu.memory_space<vmem>>)
    %dma_start3A_73 = arith.constant 0 : i32
    %dma_start3A_74 = arith.constant 0 : i32
    %dma_start3A_75 = tpu.memref_slice %arg2[%dma_start3A_73, %dma_start3A_74] : memref<20480x128xf32, #tpu.memory_space<hbm>> -> memref<20480x128xf32, #tpu.memory_space<hbm>>
    tpu.enqueue_indirect_dma source(%dma_start3A_75 : memref<20480x128xf32, #tpu.memory_space<hbm>>) target(%arg15 : memref<128x128xf32, #tpu.memory_space<vmem>>) offsets(%arg9 : memref<128xi32, #tpu.memory_space<vmem>>) semaphore(%arg21 : memref<!tpu.dma_semaphore, #tpu.memory_space<semaphore_mem>>)
    %dma_wait3A_76 = arith.constant 0 : i32
    %dma_wait3A_77 = arith.constant 0 : i32
    %dma_wait3A_78 = tpu.memref_slice %arg2[%dma_wait3A_76, %dma_wait3A_77] : memref<20480x128xf32, #tpu.memory_space<hbm>> -> memref<128x128xf32, #tpu.memory_space<hbm>>
    %dma_wait3A_79 = arith.constant 0 : i32
    %dma_wait3A_80 = arith.constant 0 : i32
    %dma_wait3A_81 = tpu.memref_slice %arg2[%dma_wait3A_79, %dma_wait3A_80] : memref<20480x128xf32, #tpu.memory_space<hbm>> -> memref<128x128xf32, #tpu.memory_space<hbm>>
    tpu.wait_dma2 semaphore(%arg20 : memref<!tpu.dma_semaphore, #tpu.memory_space<semaphore_mem>>) src(%dma_wait3A_81 : memref<128x128xf32, #tpu.memory_space<hbm>>) dst(%arg14 : memref<128x128xf32, #tpu.memory_space<vmem>>)
    %dma_start3A_82 = arith.constant 0 : i32
    %dma_start3A_83 = arith.constant 0 : i32
    %dma_start3A_84 = tpu.memref_slice %arg6[%dma_start3A_82, %dma_start3A_83] : memref<10112x128xf32, #tpu.memory_space<vmem_shared>> -> memref<10112x128xf32, #tpu.memory_space<vmem_shared>>
    tpu.enqueue_indirect_dma source(%arg14 : memref<128x128xf32, #tpu.memory_space<vmem>>) target(%dma_start3A_84 : memref<10112x128xf32, #tpu.memory_space<vmem_shared>>) offsets(%arg11 : memref<128xi32, #tpu.memory_space<vmem>>) semaphore(%arg23 : memref<!tpu.dma_semaphore, #tpu.memory_space<semaphore_mem>>) {add = true}
    %dma_wait3A_85 = arith.constant 0 : i32
    %dma_wait3A_86 = arith.constant 0 : i32
    %dma_wait3A_87 = tpu.memref_slice %arg6[%dma_wait3A_85, %dma_wait3A_86] : memref<10112x128xf32, #tpu.memory_space<vmem_shared>> -> memref<128x128xf32, #tpu.memory_space<vmem_shared>>
    %dma_wait3A_88 = arith.constant 0 : i32
    %dma_wait3A_89 = arith.constant 0 : i32
    %dma_wait3A_90 = tpu.memref_slice %arg6[%dma_wait3A_88, %dma_wait3A_89] : memref<10112x128xf32, #tpu.memory_space<vmem_shared>> -> memref<128x128xf32, #tpu.memory_space<vmem_shared>>
    tpu.wait_dma2 semaphore(%arg22 : memref<!tpu.dma_semaphore, #tpu.memory_space<semaphore_mem>>) src(%arg13 : memref<128x128xf32, #tpu.memory_space<vmem>>) dst(%dma_wait3A_90 : memref<128x128xf32, #tpu.memory_space<vmem_shared>>)
    %add3A_91 = arith.constant 20352 : i32
    %add3A_92 = arith.addi %add3A_7, %add3A_91 : i32
    %dma_start3A_93 = tpu.memref_slice %arg3[%add3A_92] : memref<655360xi32, #tpu.memory_space<hbm>> -> memref<128xi32, #tpu.memory_space<hbm>>
    %dma_start3A_94 = tpu.memref_slice %arg3[%add3A_92] : memref<655360xi32, #tpu.memory_space<hbm>> -> memref<128xi32, #tpu.memory_space<hbm>>
    tpu.enqueue_dma source(%dma_start3A_94 : memref<128xi32, #tpu.memory_space<hbm>>) target(%arg7 : memref<128xi32, #tpu.memory_space<vmem>>) target_semaphore(%arg16 : memref<!tpu.dma_semaphore, #tpu.memory_space<semaphore_mem>>)
    %add3A_95 = arith.constant 20352 : i32
    %add3A_96 = arith.addi %mul3A_4, %add3A_95 : i32
    %dma_start3A_97 = tpu.memref_slice %arg4[%add3A_96] : memref<327680xi32, #tpu.memory_space<hbm>> -> memref<128xi32, #tpu.memory_space<hbm>>
    %dma_start3A_98 = tpu.memref_slice %arg4[%add3A_96] : memref<327680xi32, #tpu.memory_space<hbm>> -> memref<128xi32, #tpu.memory_space<hbm>>
    tpu.enqueue_dma source(%dma_start3A_98 : memref<128xi32, #tpu.memory_space<hbm>>) target(%arg10 : memref<128xi32, #tpu.memory_space<vmem>>) target_semaphore(%arg16 : memref<!tpu.dma_semaphore, #tpu.memory_space<semaphore_mem>>)
    %dma_wait3A_99 = arith.constant 0 : i32
    %dma_wait3A_100 = arith.constant 0 : i32
    %dma_wait3A_101 = tpu.memref_slice %arg2[%dma_wait3A_99, %dma_wait3A_100] : memref<20480x128xf32, #tpu.memory_space<hbm>> -> memref<128x128xf32, #tpu.memory_space<hbm>>
    %dma_wait3A_102 = arith.constant 0 : i32
    %dma_wait3A_103 = arith.constant 0 : i32
    %dma_wait3A_104 = tpu.memref_slice %arg2[%dma_wait3A_102, %dma_wait3A_103] : memref<20480x128xf32, #tpu.memory_space<hbm>> -> memref<128x128xf32, #tpu.memory_space<hbm>>
    tpu.wait_dma2 semaphore(%arg21 : memref<!tpu.dma_semaphore, #tpu.memory_space<semaphore_mem>>) src(%dma_wait3A_104 : memref<128x128xf32, #tpu.memory_space<hbm>>) dst(%arg15 : memref<128x128xf32, #tpu.memory_space<vmem>>)
    %dma_start3A_105 = arith.constant 0 : i32
    %dma_start3A_106 = arith.constant 0 : i32
    %dma_start3A_107 = tpu.memref_slice %arg6[%dma_start3A_105, %dma_start3A_106] : memref<10112x128xf32, #tpu.memory_space<vmem_shared>> -> memref<10112x128xf32, #tpu.memory_space<vmem_shared>>
    tpu.enqueue_indirect_dma source(%arg15 : memref<128x128xf32, #tpu.memory_space<vmem>>) target(%dma_start3A_107 : memref<10112x128xf32, #tpu.memory_space<vmem_shared>>) offsets(%arg12 : memref<128xi32, #tpu.memory_space<vmem>>) semaphore(%arg24 : memref<!tpu.dma_semaphore, #tpu.memory_space<semaphore_mem>>) {add = true}
    %dma_wait3A_108 = arith.constant 0 : i32
    %dma_wait3A_109 = tpu.memref_slice %arg3[%dma_wait3A_108] : memref<655360xi32, #tpu.memory_space<hbm>> -> memref<128xi32, #tpu.memory_space<hbm>>
    %dma_wait3A_110 = arith.constant 0 : i32
    %dma_wait3A_111 = tpu.memref_slice %arg3[%dma_wait3A_110] : memref<655360xi32, #tpu.memory_space<hbm>> -> memref<128xi32, #tpu.memory_space<hbm>>
    tpu.wait_dma2 semaphore(%arg16 : memref<!tpu.dma_semaphore, #tpu.memory_space<semaphore_mem>>) src(%dma_wait3A_111 : memref<128xi32, #tpu.memory_space<hbm>>) dst(%arg7 : memref<128xi32, #tpu.memory_space<vmem>>)
    %dma_wait3A_112 = arith.constant 0 : i32
    %dma_wait3A_113 = tpu.memref_slice %arg4[%dma_wait3A_112] : memref<327680xi32, #tpu.memory_space<hbm>> -> memref<128xi32, #tpu.memory_space<hbm>>
    %dma_wait3A_114 = arith.constant 0 : i32
    %dma_wait3A_115 = tpu.memref_slice %arg4[%dma_wait3A_114] : memref<327680xi32, #tpu.memory_space<hbm>> -> memref<128xi32, #tpu.memory_space<hbm>>
    tpu.wait_dma2 semaphore(%arg16 : memref<!tpu.dma_semaphore, #tpu.memory_space<semaphore_mem>>) src(%dma_wait3A_115 : memref<128xi32, #tpu.memory_space<hbm>>) dst(%arg10 : memref<128xi32, #tpu.memory_space<vmem>>)
    %dma_start3A_116 = arith.constant 0 : i32
    %dma_start3A_117 = arith.constant 0 : i32
    %dma_start3A_118 = tpu.memref_slice %arg2[%dma_start3A_116, %dma_start3A_117] : memref<20480x128xf32, #tpu.memory_space<hbm>> -> memref<20480x128xf32, #tpu.memory_space<hbm>>
    tpu.enqueue_indirect_dma source(%dma_start3A_118 : memref<20480x128xf32, #tpu.memory_space<hbm>>) target(%arg13 : memref<128x128xf32, #tpu.memory_space<vmem>>) offsets(%arg7 : memref<128xi32, #tpu.memory_space<vmem>>) semaphore(%arg19 : memref<!tpu.dma_semaphore, #tpu.memory_space<semaphore_mem>>)
    %dma_wait3A_119 = arith.constant 0 : i32
    %dma_wait3A_120 = arith.constant 0 : i32
    %dma_wait3A_121 = tpu.memref_slice %arg2[%dma_wait3A_119, %dma_wait3A_120] : memref<20480x128xf32, #tpu.memory_space<hbm>> -> memref<128x128xf32, #tpu.memory_space<hbm>>
    %dma_wait3A_122 = arith.constant 0 : i32
    %dma_wait3A_123 = arith.constant 0 : i32
    %dma_wait3A_124 = tpu.memref_slice %arg2[%dma_wait3A_122, %dma_wait3A_123] : memref<20480x128xf32, #tpu.memory_space<hbm>> -> memref<128x128xf32, #tpu.memory_space<hbm>>
    tpu.wait_dma2 semaphore(%arg19 : memref<!tpu.dma_semaphore, #tpu.memory_space<semaphore_mem>>) src(%dma_wait3A_124 : memref<128x128xf32, #tpu.memory_space<hbm>>) dst(%arg13 : memref<128x128xf32, #tpu.memory_space<vmem>>)
    %dma_start3A_125 = arith.constant 0 : i32
    %dma_start3A_126 = arith.constant 0 : i32
    %dma_start3A_127 = tpu.memref_slice %arg6[%dma_start3A_125, %dma_start3A_126] : memref<10112x128xf32, #tpu.memory_space<vmem_shared>> -> memref<10112x128xf32, #tpu.memory_space<vmem_shared>>
    tpu.enqueue_indirect_dma source(%arg13 : memref<128x128xf32, #tpu.memory_space<vmem>>) target(%dma_start3A_127 : memref<10112x128xf32, #tpu.memory_space<vmem_shared>>) offsets(%arg10 : memref<128xi32, #tpu.memory_space<vmem>>) semaphore(%arg22 : memref<!tpu.dma_semaphore, #tpu.memory_space<semaphore_mem>>) {add = true}
    %dma_wait3A_128 = arith.constant 0 : i32
    %dma_wait3A_129 = arith.constant 0 : i32
    %dma_wait3A_130 = tpu.memref_slice %arg6[%dma_wait3A_128, %dma_wait3A_129] : memref<10112x128xf32, #tpu.memory_space<vmem_shared>> -> memref<128x128xf32, #tpu.memory_space<vmem_shared>>
    %dma_wait3A_131 = arith.constant 0 : i32
    %dma_wait3A_132 = arith.constant 0 : i32
    %dma_wait3A_133 = tpu.memref_slice %arg6[%dma_wait3A_131, %dma_wait3A_132] : memref<10112x128xf32, #tpu.memory_space<vmem_shared>> -> memref<128x128xf32, #tpu.memory_space<vmem_shared>>
    tpu.wait_dma2 semaphore(%arg23 : memref<!tpu.dma_semaphore, #tpu.memory_space<semaphore_mem>>) src(%arg14 : memref<128x128xf32, #tpu.memory_space<vmem>>) dst(%dma_wait3A_133 : memref<128x128xf32, #tpu.memory_space<vmem_shared>>)
    %dma_wait3A_134 = arith.constant 0 : i32
    %dma_wait3A_135 = arith.constant 0 : i32
    %dma_wait3A_136 = tpu.memref_slice %arg6[%dma_wait3A_134, %dma_wait3A_135] : memref<10112x128xf32, #tpu.memory_space<vmem_shared>> -> memref<128x128xf32, #tpu.memory_space<vmem_shared>>
    %dma_wait3A_137 = arith.constant 0 : i32
    %dma_wait3A_138 = arith.constant 0 : i32
    %dma_wait3A_139 = tpu.memref_slice %arg6[%dma_wait3A_137, %dma_wait3A_138] : memref<10112x128xf32, #tpu.memory_space<vmem_shared>> -> memref<128x128xf32, #tpu.memory_space<vmem_shared>>
    tpu.wait_dma2 semaphore(%arg24 : memref<!tpu.dma_semaphore, #tpu.memory_space<semaphore_mem>>) src(%arg15 : memref<128x128xf32, #tpu.memory_space<vmem>>) dst(%dma_wait3A_139 : memref<128x128xf32, #tpu.memory_space<vmem_shared>>)
    %dma_wait3A_140 = arith.constant 0 : i32
    %dma_wait3A_141 = arith.constant 0 : i32
    %dma_wait3A_142 = tpu.memref_slice %arg6[%dma_wait3A_140, %dma_wait3A_141] : memref<10112x128xf32, #tpu.memory_space<vmem_shared>> -> memref<128x128xf32, #tpu.memory_space<vmem_shared>>
    %dma_wait3A_143 = arith.constant 0 : i32
    %dma_wait3A_144 = arith.constant 0 : i32
    %dma_wait3A_145 = tpu.memref_slice %arg6[%dma_wait3A_143, %dma_wait3A_144] : memref<10112x128xf32, #tpu.memory_space<vmem_shared>> -> memref<128x128xf32, #tpu.memory_space<vmem_shared>>
    tpu.wait_dma2 semaphore(%arg22 : memref<!tpu.dma_semaphore, #tpu.memory_space<semaphore_mem>>) src(%arg13 : memref<128x128xf32, #tpu.memory_space<vmem>>) dst(%dma_wait3A_145 : memref<128x128xf32, #tpu.memory_space<vmem_shared>>)
    %barrier3A_146 = arith.constant 0 : index
    tpu.barrier barrier_id(%barrier3A_146)
    %add3A_147 = arith.addi %mul3A_2, %mul3A_0 : i32
    "tpu.region"() ({
      %run_scoped3A = tpu.sem_alloc : memref<!tpu.dma_semaphore, #tpu.memory_space<semaphore_mem>>
      %dma_start3A_148 = arith.constant 0 : i32
      %dma_start3A_149 = tpu.memref_slice %arg5[%add3A_147, %dma_start3A_148] : memref<20480x128xf32, #tpu.memory_space<hbm>> -> memref<632x128xf32, #tpu.memory_space<hbm>>
      %dma_start3A_150 = arith.constant 0 : i32
      %dma_start3A_151 = tpu.memref_slice %arg6[%mul3A_0, %dma_start3A_150] : memref<10112x128xf32, #tpu.memory_space<vmem_shared>> -> memref<632x128xf32, #tpu.memory_space<vmem_shared>>
      tpu.enqueue_dma source(%dma_start3A_151 : memref<632x128xf32, #tpu.memory_space<vmem_shared>>) target(%dma_start3A_149 : memref<632x128xf32, #tpu.memory_space<hbm>>) target_semaphore(%run_scoped3A : memref<!tpu.dma_semaphore, #tpu.memory_space<semaphore_mem>>)
      %dma_wait3A_152 = arith.constant 0 : i32
      %dma_wait3A_153 = tpu.memref_slice %arg5[%add3A_147, %dma_wait3A_152] : memref<20480x128xf32, #tpu.memory_space<hbm>> -> memref<632x128xf32, #tpu.memory_space<hbm>>
      %dma_wait3A_154 = arith.constant 0 : i32
      %dma_wait3A_155 = tpu.memref_slice %arg6[%mul3A_0, %dma_wait3A_154] : memref<10112x128xf32, #tpu.memory_space<vmem_shared>> -> memref<632x128xf32, #tpu.memory_space<vmem_shared>>
      tpu.wait_dma2 semaphore(%run_scoped3A : memref<!tpu.dma_semaphore, #tpu.memory_space<semaphore_mem>>) src(%dma_wait3A_155 : memref<632x128xf32, #tpu.memory_space<vmem_shared>>) dst(%dma_wait3A_153 : memref<632x128xf32, #tpu.memory_space<hbm>>)
      tpu.yield
    }) : () -> ()
    return
  }
}

#map = affine_map<(d0, d1) -> (0)>
#map1 = affine_map<(d0, d1) -> (0, 0)>
module attributes {stable_mosaic.version = 14 : i64} {
  func.func @_sc_degree(%arg0: i32, %arg1: i32, %arg2: memref<327680xi32, #tpu.memory_space<hbm>>, %arg3: memref<128x128xf32, #tpu.memory_space<hbm>>, %arg4: memref<10240x128xf32, #tpu.memory_space<hbm>>, %arg5: memref<20480x128xf32, #tpu.memory_space<hbm>>, %arg6: memref<10240x128xf32, #tpu.memory_space<vmem_shared>>, %arg7: memref<128xi32, #tpu.memory_space<vmem>>, %arg8: memref<128xi32, #tpu.memory_space<vmem>>, %arg9: memref<128x128xf32, #tpu.memory_space<vmem>>, %arg10: memref<!tpu.dma_semaphore, #tpu.memory_space<semaphore_mem>>, %arg11: memref<!tpu.dma_semaphore, #tpu.memory_space<semaphore_mem>>, %arg12: memref<!tpu.dma_semaphore, #tpu.memory_space<semaphore_mem>>, %arg13: memref<!tpu.dma_semaphore, #tpu.memory_space<semaphore_mem>>) attributes {dimension_semantics = [#tpu.dimension_semantics<core_parallel>, #tpu.dimension_semantics<subcore_parallel>], iteration_bounds = array<i64: 2, 16>, scalar_prefetch = 0 : i64, scratch_operands = 8 : i64, tpu.core_type = #tpu.core_type<sc_vector_subcore>, window_params = [{transform_indices = #map}, {transform_indices = #map1}, {transform_indices = #map1}, {transform_indices = #map1}]} {
    %mul3A = arith.constant 640 : i32
    %mul3A_0 = arith.muli %arg1, %mul3A : i32
    "tpu.region"() ({
      %run_scoped3A = tpu.sem_alloc : memref<!tpu.dma_semaphore, #tpu.memory_space<semaphore_mem>>
      tpu.enqueue_dma source(%arg3 : memref<128x128xf32, #tpu.memory_space<hbm>>) target(%arg9 : memref<128x128xf32, #tpu.memory_space<vmem>>) target_semaphore(%run_scoped3A : memref<!tpu.dma_semaphore, #tpu.memory_space<semaphore_mem>>)
      tpu.wait_dma2 semaphore(%run_scoped3A : memref<!tpu.dma_semaphore, #tpu.memory_space<semaphore_mem>>) src(%arg3 : memref<128x128xf32, #tpu.memory_space<hbm>>) dst(%arg9 : memref<128x128xf32, #tpu.memory_space<vmem>>)
      tpu.yield
    }) : () -> ()
    "tpu.region"() ({
      %run_scoped3A = tpu.sem_alloc : memref<!tpu.dma_semaphore, #tpu.memory_space<semaphore_mem>>
      %dma_start3A_45 = arith.constant 0 : i32
      %dma_start3A_46 = tpu.memref_slice %arg6[%mul3A_0, %dma_start3A_45] : memref<10240x128xf32, #tpu.memory_space<vmem_shared>> -> memref<640x128xf32, #tpu.memory_space<vmem_shared>>
      %dma_start3A_47 = arith.constant 0 : i32
      %dma_start3A_48 = tpu.memref_slice %arg4[%mul3A_0, %dma_start3A_47] : memref<10240x128xf32, #tpu.memory_space<hbm>> -> memref<640x128xf32, #tpu.memory_space<hbm>>
      tpu.enqueue_dma source(%dma_start3A_48 : memref<640x128xf32, #tpu.memory_space<hbm>>) target(%dma_start3A_46 : memref<640x128xf32, #tpu.memory_space<vmem_shared>>) target_semaphore(%run_scoped3A : memref<!tpu.dma_semaphore, #tpu.memory_space<semaphore_mem>>)
      %dma_wait3A_49 = arith.constant 0 : i32
      %dma_wait3A_50 = tpu.memref_slice %arg6[%mul3A_0, %dma_wait3A_49] : memref<10240x128xf32, #tpu.memory_space<vmem_shared>> -> memref<640x128xf32, #tpu.memory_space<vmem_shared>>
      %dma_wait3A_51 = arith.constant 0 : i32
      %dma_wait3A_52 = tpu.memref_slice %arg4[%mul3A_0, %dma_wait3A_51] : memref<10240x128xf32, #tpu.memory_space<hbm>> -> memref<640x128xf32, #tpu.memory_space<hbm>>
      tpu.wait_dma2 semaphore(%run_scoped3A : memref<!tpu.dma_semaphore, #tpu.memory_space<semaphore_mem>>) src(%dma_wait3A_52 : memref<640x128xf32, #tpu.memory_space<hbm>>) dst(%dma_wait3A_50 : memref<640x128xf32, #tpu.memory_space<vmem_shared>>)
      tpu.yield
    }) : () -> ()
    %barrier3A = arith.constant 0 : index
    tpu.barrier barrier_id(%barrier3A)
    %mul3A_1 = arith.constant 16 : i32
    %mul3A_2 = arith.muli %arg0, %mul3A_1 : i32
    %add3A = arith.addi %mul3A_2, %arg1 : i32
    %mul3A_3 = arith.constant 10240 : i32
    %mul3A_4 = arith.muli %add3A, %mul3A_3 : i32
    %add3A_5 = arith.constant 0 : i32
    %add3A_6 = arith.addi %mul3A_4, %add3A_5 : i32
    %dma_start3A = tpu.memref_slice %arg2[%add3A_6] : memref<327680xi32, #tpu.memory_space<hbm>> -> memref<128xi32, #tpu.memory_space<hbm>>
    %dma_start3A_7 = tpu.memref_slice %arg2[%add3A_6] : memref<327680xi32, #tpu.memory_space<hbm>> -> memref<128xi32, #tpu.memory_space<hbm>>
    tpu.enqueue_dma source(%dma_start3A_7 : memref<128xi32, #tpu.memory_space<hbm>>) target(%arg7 : memref<128xi32, #tpu.memory_space<vmem>>) target_semaphore(%arg10 : memref<!tpu.dma_semaphore, #tpu.memory_space<semaphore_mem>>)
    %add3A_8 = arith.constant 128 : i32
    %add3A_9 = arith.addi %mul3A_4, %add3A_8 : i32
    %dma_start3A_10 = tpu.memref_slice %arg2[%add3A_9] : memref<327680xi32, #tpu.memory_space<hbm>> -> memref<128xi32, #tpu.memory_space<hbm>>
    %dma_start3A_11 = tpu.memref_slice %arg2[%add3A_9] : memref<327680xi32, #tpu.memory_space<hbm>> -> memref<128xi32, #tpu.memory_space<hbm>>
    tpu.enqueue_dma source(%dma_start3A_11 : memref<128xi32, #tpu.memory_space<hbm>>) target(%arg8 : memref<128xi32, #tpu.memory_space<vmem>>) target_semaphore(%arg11 : memref<!tpu.dma_semaphore, #tpu.memory_space<semaphore_mem>>)
    %dma_wait3A = arith.constant 0 : i32
    %dma_wait3A_12 = tpu.memref_slice %arg2[%dma_wait3A] : memref<327680xi32, #tpu.memory_space<hbm>> -> memref<128xi32, #tpu.memory_space<hbm>>
    %dma_wait3A_13 = arith.constant 0 : i32
    %dma_wait3A_14 = tpu.memref_slice %arg2[%dma_wait3A_13] : memref<327680xi32, #tpu.memory_space<hbm>> -> memref<128xi32, #tpu.memory_space<hbm>>
    tpu.wait_dma2 semaphore(%arg10 : memref<!tpu.dma_semaphore, #tpu.memory_space<semaphore_mem>>) src(%dma_wait3A_14 : memref<128xi32, #tpu.memory_space<hbm>>) dst(%arg7 : memref<128xi32, #tpu.memory_space<vmem>>)
    %scan3A = arith.constant 0 : i32
    %scan3A_15 = arith.constant 39 : i32
    %scan3A_16 = arith.addi %scan3A, %scan3A_15 : i32
    %scan3A_17 = arith.constant 1 : i32
    scf.for %scan3A_45 = %scan3A to %scan3A_16 step %scan3A_17  : i32 {
      %mul3A_46 = arith.constant 1 : i32
      %mul3A_47 = arith.muli %scan3A_45, %mul3A_46 : i32
      %add3A_48 = arith.constant 0 : i32
      %add3A_49 = arith.addi %add3A_48, %mul3A_47 : i32
      %mul3A_50 = arith.constant 2 : i32
      %mul3A_51 = arith.muli %add3A_49, %mul3A_50 : i32
      %dma_start3A_52 = arith.constant 0 : i32
      %dma_start3A_53 = arith.constant 0 : i32
      %dma_start3A_54 = tpu.memref_slice %arg6[%dma_start3A_52, %dma_start3A_53] : memref<10240x128xf32, #tpu.memory_space<vmem_shared>> -> memref<10240x128xf32, #tpu.memory_space<vmem_shared>>
      tpu.enqueue_indirect_dma source(%arg9 : memref<128x128xf32, #tpu.memory_space<vmem>>) target(%dma_start3A_54 : memref<10240x128xf32, #tpu.memory_space<vmem_shared>>) offsets(%arg7 : memref<128xi32, #tpu.memory_space<vmem>>) semaphore(%arg12 : memref<!tpu.dma_semaphore, #tpu.memory_space<semaphore_mem>>) {add = true}
      %dma_wait3A_55 = arith.constant 0 : i32
      %dma_wait3A_56 = tpu.memref_slice %arg2[%dma_wait3A_55] : memref<327680xi32, #tpu.memory_space<hbm>> -> memref<128xi32, #tpu.memory_space<hbm>>
      %dma_wait3A_57 = arith.constant 0 : i32
      %dma_wait3A_58 = tpu.memref_slice %arg2[%dma_wait3A_57] : memref<327680xi32, #tpu.memory_space<hbm>> -> memref<128xi32, #tpu.memory_space<hbm>>
      tpu.wait_dma2 semaphore(%arg11 : memref<!tpu.dma_semaphore, #tpu.memory_space<semaphore_mem>>) src(%dma_wait3A_58 : memref<128xi32, #tpu.memory_space<hbm>>) dst(%arg8 : memref<128xi32, #tpu.memory_space<vmem>>)
      %dma_wait3A_59 = arith.constant 0 : i32
      %dma_wait3A_60 = arith.constant 0 : i32
      %dma_wait3A_61 = tpu.memref_slice %arg6[%dma_wait3A_59, %dma_wait3A_60] : memref<10240x128xf32, #tpu.memory_space<vmem_shared>> -> memref<128x128xf32, #tpu.memory_space<vmem_shared>>
      %dma_wait3A_62 = arith.constant 0 : i32
      %dma_wait3A_63 = arith.constant 0 : i32
      %dma_wait3A_64 = tpu.memref_slice %arg6[%dma_wait3A_62, %dma_wait3A_63] : memref<10240x128xf32, #tpu.memory_space<vmem_shared>> -> memref<128x128xf32, #tpu.memory_space<vmem_shared>>
      tpu.wait_dma2 semaphore(%arg12 : memref<!tpu.dma_semaphore, #tpu.memory_space<semaphore_mem>>) src(%arg9 : memref<128x128xf32, #tpu.memory_space<vmem>>) dst(%dma_wait3A_64 : memref<128x128xf32, #tpu.memory_space<vmem_shared>>)
      %add3A_65 = arith.constant 2 : i32
      %add3A_66 = arith.addi %mul3A_51, %add3A_65 : i32
      %mul3A_67 = arith.constant 128 : i32
      %mul3A_68 = arith.muli %add3A_66, %mul3A_67 : i32
      %add3A_69 = arith.addi %mul3A_4, %mul3A_68 : i32
      %dma_start3A_70 = tpu.memref_slice %arg2[%add3A_69] : memref<327680xi32, #tpu.memory_space<hbm>> -> memref<128xi32, #tpu.memory_space<hbm>>
      %dma_start3A_71 = tpu.memref_slice %arg2[%add3A_69] : memref<327680xi32, #tpu.memory_space<hbm>> -> memref<128xi32, #tpu.memory_space<hbm>>
      tpu.enqueue_dma source(%dma_start3A_71 : memref<128xi32, #tpu.memory_space<hbm>>) target(%arg7 : memref<128xi32, #tpu.memory_space<vmem>>) target_semaphore(%arg10 : memref<!tpu.dma_semaphore, #tpu.memory_space<semaphore_mem>>)
      %dma_start3A_72 = arith.constant 0 : i32
      %dma_start3A_73 = arith.constant 0 : i32
      %dma_start3A_74 = tpu.memref_slice %arg6[%dma_start3A_72, %dma_start3A_73] : memref<10240x128xf32, #tpu.memory_space<vmem_shared>> -> memref<10240x128xf32, #tpu.memory_space<vmem_shared>>
      tpu.enqueue_indirect_dma source(%arg9 : memref<128x128xf32, #tpu.memory_space<vmem>>) target(%dma_start3A_74 : memref<10240x128xf32, #tpu.memory_space<vmem_shared>>) offsets(%arg8 : memref<128xi32, #tpu.memory_space<vmem>>) semaphore(%arg13 : memref<!tpu.dma_semaphore, #tpu.memory_space<semaphore_mem>>) {add = true}
      %dma_wait3A_75 = arith.constant 0 : i32
      %dma_wait3A_76 = arith.constant 0 : i32
      %dma_wait3A_77 = tpu.memref_slice %arg6[%dma_wait3A_75, %dma_wait3A_76] : memref<10240x128xf32, #tpu.memory_space<vmem_shared>> -> memref<128x128xf32, #tpu.memory_space<vmem_shared>>
      %dma_wait3A_78 = arith.constant 0 : i32
      %dma_wait3A_79 = arith.constant 0 : i32
      %dma_wait3A_80 = tpu.memref_slice %arg6[%dma_wait3A_78, %dma_wait3A_79] : memref<10240x128xf32, #tpu.memory_space<vmem_shared>> -> memref<128x128xf32, #tpu.memory_space<vmem_shared>>
      tpu.wait_dma2 semaphore(%arg13 : memref<!tpu.dma_semaphore, #tpu.memory_space<semaphore_mem>>) src(%arg9 : memref<128x128xf32, #tpu.memory_space<vmem>>) dst(%dma_wait3A_80 : memref<128x128xf32, #tpu.memory_space<vmem_shared>>)
      %add3A_81 = arith.constant 3 : i32
      %add3A_82 = arith.addi %mul3A_51, %add3A_81 : i32
      %mul3A_83 = arith.constant 128 : i32
      %mul3A_84 = arith.muli %add3A_82, %mul3A_83 : i32
      %add3A_85 = arith.addi %mul3A_4, %mul3A_84 : i32
      %dma_start3A_86 = tpu.memref_slice %arg2[%add3A_85] : memref<327680xi32, #tpu.memory_space<hbm>> -> memref<128xi32, #tpu.memory_space<hbm>>
      %dma_start3A_87 = tpu.memref_slice %arg2[%add3A_85] : memref<327680xi32, #tpu.memory_space<hbm>> -> memref<128xi32, #tpu.memory_space<hbm>>
      tpu.enqueue_dma source(%dma_start3A_87 : memref<128xi32, #tpu.memory_space<hbm>>) target(%arg8 : memref<128xi32, #tpu.memory_space<vmem>>) target_semaphore(%arg11 : memref<!tpu.dma_semaphore, #tpu.memory_space<semaphore_mem>>)
      %dma_wait3A_88 = arith.constant 0 : i32
      %dma_wait3A_89 = tpu.memref_slice %arg2[%dma_wait3A_88] : memref<327680xi32, #tpu.memory_space<hbm>> -> memref<128xi32, #tpu.memory_space<hbm>>
      %dma_wait3A_90 = arith.constant 0 : i32
      %dma_wait3A_91 = tpu.memref_slice %arg2[%dma_wait3A_90] : memref<327680xi32, #tpu.memory_space<hbm>> -> memref<128xi32, #tpu.memory_space<hbm>>
      tpu.wait_dma2 semaphore(%arg10 : memref<!tpu.dma_semaphore, #tpu.memory_space<semaphore_mem>>) src(%dma_wait3A_91 : memref<128xi32, #tpu.memory_space<hbm>>) dst(%arg7 : memref<128xi32, #tpu.memory_space<vmem>>)
    }
    %scan3A_18 = arith.constant 39 : i32
    %dma_start3A_19 = arith.constant 0 : i32
    %dma_start3A_20 = arith.constant 0 : i32
    %dma_start3A_21 = tpu.memref_slice %arg6[%dma_start3A_19, %dma_start3A_20] : memref<10240x128xf32, #tpu.memory_space<vmem_shared>> -> memref<10240x128xf32, #tpu.memory_space<vmem_shared>>
    tpu.enqueue_indirect_dma source(%arg9 : memref<128x128xf32, #tpu.memory_space<vmem>>) target(%dma_start3A_21 : memref<10240x128xf32, #tpu.memory_space<vmem_shared>>) offsets(%arg7 : memref<128xi32, #tpu.memory_space<vmem>>) semaphore(%arg12 : memref<!tpu.dma_semaphore, #tpu.memory_space<semaphore_mem>>) {add = true}
    %dma_wait3A_22 = arith.constant 0 : i32
    %dma_wait3A_23 = tpu.memref_slice %arg2[%dma_wait3A_22] : memref<327680xi32, #tpu.memory_space<hbm>> -> memref<128xi32, #tpu.memory_space<hbm>>
    %dma_wait3A_24 = arith.constant 0 : i32
    %dma_wait3A_25 = tpu.memref_slice %arg2[%dma_wait3A_24] : memref<327680xi32, #tpu.memory_space<hbm>> -> memref<128xi32, #tpu.memory_space<hbm>>
    tpu.wait_dma2 semaphore(%arg11 : memref<!tpu.dma_semaphore, #tpu.memory_space<semaphore_mem>>) src(%dma_wait3A_25 : memref<128xi32, #tpu.memory_space<hbm>>) dst(%arg8 : memref<128xi32, #tpu.memory_space<vmem>>)
    %dma_start3A_26 = arith.constant 0 : i32
    %dma_start3A_27 = arith.constant 0 : i32
    %dma_start3A_28 = tpu.memref_slice %arg6[%dma_start3A_26, %dma_start3A_27] : memref<10240x128xf32, #tpu.memory_space<vmem_shared>> -> memref<10240x128xf32, #tpu.memory_space<vmem_shared>>
    tpu.enqueue_indirect_dma source(%arg9 : memref<128x128xf32, #tpu.memory_space<vmem>>) target(%dma_start3A_28 : memref<10240x128xf32, #tpu.memory_space<vmem_shared>>) offsets(%arg8 : memref<128xi32, #tpu.memory_space<vmem>>) semaphore(%arg13 : memref<!tpu.dma_semaphore, #tpu.memory_space<semaphore_mem>>) {add = true}
    %dma_wait3A_29 = arith.constant 0 : i32
    %dma_wait3A_30 = arith.constant 0 : i32
    %dma_wait3A_31 = tpu.memref_slice %arg6[%dma_wait3A_29, %dma_wait3A_30] : memref<10240x128xf32, #tpu.memory_space<vmem_shared>> -> memref<128x128xf32, #tpu.memory_space<vmem_shared>>
    %dma_wait3A_32 = arith.constant 0 : i32
    %dma_wait3A_33 = arith.constant 0 : i32
    %dma_wait3A_34 = tpu.memref_slice %arg6[%dma_wait3A_32, %dma_wait3A_33] : memref<10240x128xf32, #tpu.memory_space<vmem_shared>> -> memref<128x128xf32, #tpu.memory_space<vmem_shared>>
    tpu.wait_dma2 semaphore(%arg12 : memref<!tpu.dma_semaphore, #tpu.memory_space<semaphore_mem>>) src(%arg9 : memref<128x128xf32, #tpu.memory_space<vmem>>) dst(%dma_wait3A_34 : memref<128x128xf32, #tpu.memory_space<vmem_shared>>)
    %dma_wait3A_35 = arith.constant 0 : i32
    %dma_wait3A_36 = arith.constant 0 : i32
    %dma_wait3A_37 = tpu.memref_slice %arg6[%dma_wait3A_35, %dma_wait3A_36] : memref<10240x128xf32, #tpu.memory_space<vmem_shared>> -> memref<128x128xf32, #tpu.memory_space<vmem_shared>>
    %dma_wait3A_38 = arith.constant 0 : i32
    %dma_wait3A_39 = arith.constant 0 : i32
    %dma_wait3A_40 = tpu.memref_slice %arg6[%dma_wait3A_38, %dma_wait3A_39] : memref<10240x128xf32, #tpu.memory_space<vmem_shared>> -> memref<128x128xf32, #tpu.memory_space<vmem_shared>>
    tpu.wait_dma2 semaphore(%arg13 : memref<!tpu.dma_semaphore, #tpu.memory_space<semaphore_mem>>) src(%arg9 : memref<128x128xf32, #tpu.memory_space<vmem>>) dst(%dma_wait3A_40 : memref<128x128xf32, #tpu.memory_space<vmem_shared>>)
    %barrier3A_41 = arith.constant 0 : index
    tpu.barrier barrier_id(%barrier3A_41)
    %mul3A_42 = arith.constant 10240 : i32
    %mul3A_43 = arith.muli %arg0, %mul3A_42 : i32
    %add3A_44 = arith.addi %mul3A_43, %mul3A_0 : i32
    "tpu.region"() ({
      %run_scoped3A = tpu.sem_alloc : memref<!tpu.dma_semaphore, #tpu.memory_space<semaphore_mem>>
      %dma_start3A_45 = arith.constant 0 : i32
      %dma_start3A_46 = tpu.memref_slice %arg5[%add3A_44, %dma_start3A_45] : memref<20480x128xf32, #tpu.memory_space<hbm>> -> memref<640x128xf32, #tpu.memory_space<hbm>>
      %dma_start3A_47 = arith.constant 0 : i32
      %dma_start3A_48 = tpu.memref_slice %arg6[%mul3A_0, %dma_start3A_47] : memref<10240x128xf32, #tpu.memory_space<vmem_shared>> -> memref<640x128xf32, #tpu.memory_space<vmem_shared>>
      tpu.enqueue_dma source(%dma_start3A_48 : memref<640x128xf32, #tpu.memory_space<vmem_shared>>) target(%dma_start3A_46 : memref<640x128xf32, #tpu.memory_space<hbm>>) target_semaphore(%run_scoped3A : memref<!tpu.dma_semaphore, #tpu.memory_space<semaphore_mem>>)
      %dma_wait3A_49 = arith.constant 0 : i32
      %dma_wait3A_50 = tpu.memref_slice %arg5[%add3A_44, %dma_wait3A_49] : memref<20480x128xf32, #tpu.memory_space<hbm>> -> memref<640x128xf32, #tpu.memory_space<hbm>>
      %dma_wait3A_51 = arith.constant 0 : i32
      %dma_wait3A_52 = tpu.memref_slice %arg6[%mul3A_0, %dma_wait3A_51] : memref<10240x128xf32, #tpu.memory_space<vmem_shared>> -> memref<640x128xf32, #tpu.memory_space<vmem_shared>>
      tpu.wait_dma2 semaphore(%run_scoped3A : memref<!tpu.dma_semaphore, #tpu.memory_space<semaphore_mem>>) src(%dma_wait3A_52 : memref<640x128xf32, #tpu.memory_space<vmem_shared>>) dst(%dma_wait3A_50 : memref<640x128xf32, #tpu.memory_space<hbm>>)
      tpu.yield
    }) : () -> ()
    return
  }
}

#map = affine_map<(d0, d1) -> (0, 0)>
#map1 = affine_map<(d0, d1) -> (0)>
module attributes {stable_mosaic.version = 14 : i64} {
  func.func @_sc_aggregate(%arg0: i32, %arg1: i32, %arg2: memref<20480x128xf32, #tpu.memory_space<hbm>>, %arg3: memref<655360xi32, #tpu.memory_space<hbm>>, %arg4: memref<327680xi32, #tpu.memory_space<hbm>>, %arg5: memref<20480x128xf32, #tpu.memory_space<hbm>>, %arg6: memref<10112x128xf32, #tpu.memory_space<vmem_shared>>, %arg7: memref<128xi32, #tpu.memory_space<vmem>>, %arg8: memref<128xi32, #tpu.memory_space<vmem>>, %arg9: memref<128xi32, #tpu.memory_space<vmem>>, %arg10: memref<128xi32, #tpu.memory_space<vmem>>, %arg11: memref<128xi32, #tpu.memory_space<vmem>>, %arg12: memref<128xi32, #tpu.memory_space<vmem>>, %arg13: memref<128x128xf32, #tpu.memory_space<vmem>>, %arg14: memref<128x128xf32, #tpu.memory_space<vmem>>, %arg15: memref<128x128xf32, #tpu.memory_space<vmem>>, %arg16: memref<!tpu.dma_semaphore, #tpu.memory_space<semaphore_mem>>, %arg17: memref<!tpu.dma_semaphore, #tpu.memory_space<semaphore_mem>>, %arg18: memref<!tpu.dma_semaphore, #tpu.memory_space<semaphore_mem>>, %arg19: memref<!tpu.dma_semaphore, #tpu.memory_space<semaphore_mem>>, %arg20: memref<!tpu.dma_semaphore, #tpu.memory_space<semaphore_mem>>, %arg21: memref<!tpu.dma_semaphore, #tpu.memory_space<semaphore_mem>>, %arg22: memref<!tpu.dma_semaphore, #tpu.memory_space<semaphore_mem>>, %arg23: memref<!tpu.dma_semaphore, #tpu.memory_space<semaphore_mem>>, %arg24: memref<!tpu.dma_semaphore, #tpu.memory_space<semaphore_mem>>) attributes {dimension_semantics = [#tpu.dimension_semantics<core_parallel>, #tpu.dimension_semantics<subcore_parallel>], iteration_bounds = array<i64: 2, 16>, scalar_prefetch = 0 : i64, scratch_operands = 19 : i64, tpu.core_type = #tpu.core_type<sc_vector_subcore>, window_params = [{transform_indices = #map}, {transform_indices = #map1}, {transform_indices = #map1}, {transform_indices = #map}]} {
    %mul3A = arith.constant 632 : i32
    %mul3A_0 = arith.muli %arg1, %mul3A : i32
    %mul3A_1 = arith.constant 10240 : i32
    %mul3A_2 = arith.muli %arg0, %mul3A_1 : i32
    %add3A = arith.addi %mul3A_2, %mul3A_0 : i32
    "tpu.region"() ({
      %run_scoped3A = tpu.sem_alloc : memref<!tpu.dma_semaphore, #tpu.memory_space<semaphore_mem>>
      %dma_start3A_148 = arith.constant 0 : i32
      %dma_start3A_149 = tpu.memref_slice %arg6[%mul3A_0, %dma_start3A_148] : memref<10112x128xf32, #tpu.memory_space<vmem_shared>> -> memref<632x128xf32, #tpu.memory_space<vmem_shared>>
      %dma_start3A_150 = arith.constant 0 : i32
      %dma_start3A_151 = tpu.memref_slice %arg2[%add3A, %dma_start3A_150] : memref<20480x128xf32, #tpu.memory_space<hbm>> -> memref<632x128xf32, #tpu.memory_space<hbm>>
      tpu.enqueue_dma source(%dma_start3A_151 : memref<632x128xf32, #tpu.memory_space<hbm>>) target(%dma_start3A_149 : memref<632x128xf32, #tpu.memory_space<vmem_shared>>) target_semaphore(%run_scoped3A : memref<!tpu.dma_semaphore, #tpu.memory_space<semaphore_mem>>)
      %dma_wait3A_152 = arith.constant 0 : i32
      %dma_wait3A_153 = tpu.memref_slice %arg6[%mul3A_0, %dma_wait3A_152] : memref<10112x128xf32, #tpu.memory_space<vmem_shared>> -> memref<632x128xf32, #tpu.memory_space<vmem_shared>>
      %dma_wait3A_154 = arith.constant 0 : i32
      %dma_wait3A_155 = tpu.memref_slice %arg2[%add3A, %dma_wait3A_154] : memref<20480x128xf32, #tpu.memory_space<hbm>> -> memref<632x128xf32, #tpu.memory_space<hbm>>
      tpu.wait_dma2 semaphore(%run_scoped3A : memref<!tpu.dma_semaphore, #tpu.memory_space<semaphore_mem>>) src(%dma_wait3A_155 : memref<632x128xf32, #tpu.memory_space<hbm>>) dst(%dma_wait3A_153 : memref<632x128xf32, #tpu.memory_space<vmem_shared>>)
      tpu.yield
    }) : () -> ()
    %barrier3A = arith.constant 0 : index
    tpu.barrier barrier_id(%barrier3A)
    %mul3A_3 = arith.constant 20480 : i32
    %mul3A_4 = arith.muli %arg1, %mul3A_3 : i32
    %mul3A_5 = arith.constant 327680 : i32
    %mul3A_6 = arith.muli %arg0, %mul3A_5 : i32
    %add3A_7 = arith.addi %mul3A_6, %mul3A_4 : i32
    %add3A_8 = arith.constant 0 : i32
    %add3A_9 = arith.addi %add3A_7, %add3A_8 : i32
    %dma_start3A = tpu.memref_slice %arg3[%add3A_9] : memref<655360xi32, #tpu.memory_space<hbm>> -> memref<128xi32, #tpu.memory_space<hbm>>
    %dma_start3A_10 = tpu.memref_slice %arg3[%add3A_9] : memref<655360xi32, #tpu.memory_space<hbm>> -> memref<128xi32, #tpu.memory_space<hbm>>
    tpu.enqueue_dma source(%dma_start3A_10 : memref<128xi32, #tpu.memory_space<hbm>>) target(%arg7 : memref<128xi32, #tpu.memory_space<vmem>>) target_semaphore(%arg16 : memref<!tpu.dma_semaphore, #tpu.memory_space<semaphore_mem>>)
    %add3A_11 = arith.constant 0 : i32
    %add3A_12 = arith.addi %mul3A_4, %add3A_11 : i32
    %dma_start3A_13 = tpu.memref_slice %arg4[%add3A_12] : memref<327680xi32, #tpu.memory_space<hbm>> -> memref<128xi32, #tpu.memory_space<hbm>>
    %dma_start3A_14 = tpu.memref_slice %arg4[%add3A_12] : memref<327680xi32, #tpu.memory_space<hbm>> -> memref<128xi32, #tpu.memory_space<hbm>>
    tpu.enqueue_dma source(%dma_start3A_14 : memref<128xi32, #tpu.memory_space<hbm>>) target(%arg10 : memref<128xi32, #tpu.memory_space<vmem>>) target_semaphore(%arg16 : memref<!tpu.dma_semaphore, #tpu.memory_space<semaphore_mem>>)
    %add3A_15 = arith.constant 128 : i32
    %add3A_16 = arith.addi %add3A_7, %add3A_15 : i32
    %dma_start3A_17 = tpu.memref_slice %arg3[%add3A_16] : memref<655360xi32, #tpu.memory_space<hbm>> -> memref<128xi32, #tpu.memory_space<hbm>>
    %dma_start3A_18 = tpu.memref_slice %arg3[%add3A_16] : memref<655360xi32, #tpu.memory_space<hbm>> -> memref<128xi32, #tpu.memory_space<hbm>>
    tpu.enqueue_dma source(%dma_start3A_18 : memref<128xi32, #tpu.memory_space<hbm>>) target(%arg8 : memref<128xi32, #tpu.memory_space<vmem>>) target_semaphore(%arg17 : memref<!tpu.dma_semaphore, #tpu.memory_space<semaphore_mem>>)
    %add3A_19 = arith.constant 128 : i32
    %add3A_20 = arith.addi %mul3A_4, %add3A_19 : i32
    %dma_start3A_21 = tpu.memref_slice %arg4[%add3A_20] : memref<327680xi32, #tpu.memory_space<hbm>> -> memref<128xi32, #tpu.memory_space<hbm>>
    %dma_start3A_22 = tpu.memref_slice %arg4[%add3A_20] : memref<327680xi32, #tpu.memory_space<hbm>> -> memref<128xi32, #tpu.memory_space<hbm>>
    tpu.enqueue_dma source(%dma_start3A_22 : memref<128xi32, #tpu.memory_space<hbm>>) target(%arg11 : memref<128xi32, #tpu.memory_space<vmem>>) target_semaphore(%arg17 : memref<!tpu.dma_semaphore, #tpu.memory_space<semaphore_mem>>)
    %add3A_23 = arith.constant 256 : i32
    %add3A_24 = arith.addi %add3A_7, %add3A_23 : i32
    %dma_start3A_25 = tpu.memref_slice %arg3[%add3A_24] : memref<655360xi32, #tpu.memory_space<hbm>> -> memref<128xi32, #tpu.memory_space<hbm>>
    %dma_start3A_26 = tpu.memref_slice %arg3[%add3A_24] : memref<655360xi32, #tpu.memory_space<hbm>> -> memref<128xi32, #tpu.memory_space<hbm>>
    tpu.enqueue_dma source(%dma_start3A_26 : memref<128xi32, #tpu.memory_space<hbm>>) target(%arg9 : memref<128xi32, #tpu.memory_space<vmem>>) target_semaphore(%arg18 : memref<!tpu.dma_semaphore, #tpu.memory_space<semaphore_mem>>)
    %add3A_27 = arith.constant 256 : i32
    %add3A_28 = arith.addi %mul3A_4, %add3A_27 : i32
    %dma_start3A_29 = tpu.memref_slice %arg4[%add3A_28] : memref<327680xi32, #tpu.memory_space<hbm>> -> memref<128xi32, #tpu.memory_space<hbm>>
    %dma_start3A_30 = tpu.memref_slice %arg4[%add3A_28] : memref<327680xi32, #tpu.memory_space<hbm>> -> memref<128xi32, #tpu.memory_space<hbm>>
    tpu.enqueue_dma source(%dma_start3A_30 : memref<128xi32, #tpu.memory_space<hbm>>) target(%arg12 : memref<128xi32, #tpu.memory_space<vmem>>) target_semaphore(%arg18 : memref<!tpu.dma_semaphore, #tpu.memory_space<semaphore_mem>>)
    %dma_wait3A = arith.constant 0 : i32
    %dma_wait3A_31 = tpu.memref_slice %arg3[%dma_wait3A] : memref<655360xi32, #tpu.memory_space<hbm>> -> memref<128xi32, #tpu.memory_space<hbm>>
    %dma_wait3A_32 = arith.constant 0 : i32
    %dma_wait3A_33 = tpu.memref_slice %arg3[%dma_wait3A_32] : memref<655360xi32, #tpu.memory_space<hbm>> -> memref<128xi32, #tpu.memory_space<hbm>>
    tpu.wait_dma2 semaphore(%arg16 : memref<!tpu.dma_semaphore, #tpu.memory_space<semaphore_mem>>) src(%dma_wait3A_33 : memref<128xi32, #tpu.memory_space<hbm>>) dst(%arg7 : memref<128xi32, #tpu.memory_space<vmem>>)
    %dma_wait3A_34 = arith.constant 0 : i32
    %dma_wait3A_35 = tpu.memref_slice %arg4[%dma_wait3A_34] : memref<327680xi32, #tpu.memory_space<hbm>> -> memref<128xi32, #tpu.memory_space<hbm>>
    %dma_wait3A_36 = arith.constant 0 : i32
    %dma_wait3A_37 = tpu.memref_slice %arg4[%dma_wait3A_36] : memref<327680xi32, #tpu.memory_space<hbm>> -> memref<128xi32, #tpu.memory_space<hbm>>
    tpu.wait_dma2 semaphore(%arg16 : memref<!tpu.dma_semaphore, #tpu.memory_space<semaphore_mem>>) src(%dma_wait3A_37 : memref<128xi32, #tpu.memory_space<hbm>>) dst(%arg10 : memref<128xi32, #tpu.memory_space<vmem>>)
    %dma_start3A_38 = arith.constant 0 : i32
    %dma_start3A_39 = arith.constant 0 : i32
    %dma_start3A_40 = tpu.memref_slice %arg2[%dma_start3A_38, %dma_start3A_39] : memref<20480x128xf32, #tpu.memory_space<hbm>> -> memref<20480x128xf32, #tpu.memory_space<hbm>>
    tpu.enqueue_indirect_dma source(%dma_start3A_40 : memref<20480x128xf32, #tpu.memory_space<hbm>>) target(%arg13 : memref<128x128xf32, #tpu.memory_space<vmem>>) offsets(%arg7 : memref<128xi32, #tpu.memory_space<vmem>>) semaphore(%arg19 : memref<!tpu.dma_semaphore, #tpu.memory_space<semaphore_mem>>)
    %dma_wait3A_41 = arith.constant 0 : i32
    %dma_wait3A_42 = tpu.memref_slice %arg3[%dma_wait3A_41] : memref<655360xi32, #tpu.memory_space<hbm>> -> memref<128xi32, #tpu.memory_space<hbm>>
    %dma_wait3A_43 = arith.constant 0 : i32
    %dma_wait3A_44 = tpu.memref_slice %arg3[%dma_wait3A_43] : memref<655360xi32, #tpu.memory_space<hbm>> -> memref<128xi32, #tpu.memory_space<hbm>>
    tpu.wait_dma2 semaphore(%arg17 : memref<!tpu.dma_semaphore, #tpu.memory_space<semaphore_mem>>) src(%dma_wait3A_44 : memref<128xi32, #tpu.memory_space<hbm>>) dst(%arg8 : memref<128xi32, #tpu.memory_space<vmem>>)
    %dma_wait3A_45 = arith.constant 0 : i32
    %dma_wait3A_46 = tpu.memref_slice %arg4[%dma_wait3A_45] : memref<327680xi32, #tpu.memory_space<hbm>> -> memref<128xi32, #tpu.memory_space<hbm>>
    %dma_wait3A_47 = arith.constant 0 : i32
    %dma_wait3A_48 = tpu.memref_slice %arg4[%dma_wait3A_47] : memref<327680xi32, #tpu.memory_space<hbm>> -> memref<128xi32, #tpu.memory_space<hbm>>
    tpu.wait_dma2 semaphore(%arg17 : memref<!tpu.dma_semaphore, #tpu.memory_space<semaphore_mem>>) src(%dma_wait3A_48 : memref<128xi32, #tpu.memory_space<hbm>>) dst(%arg11 : memref<128xi32, #tpu.memory_space<vmem>>)
    %dma_start3A_49 = arith.constant 0 : i32
    %dma_start3A_50 = arith.constant 0 : i32
    %dma_start3A_51 = tpu.memref_slice %arg2[%dma_start3A_49, %dma_start3A_50] : memref<20480x128xf32, #tpu.memory_space<hbm>> -> memref<20480x128xf32, #tpu.memory_space<hbm>>
    tpu.enqueue_indirect_dma source(%dma_start3A_51 : memref<20480x128xf32, #tpu.memory_space<hbm>>) target(%arg14 : memref<128x128xf32, #tpu.memory_space<vmem>>) offsets(%arg8 : memref<128xi32, #tpu.memory_space<vmem>>) semaphore(%arg20 : memref<!tpu.dma_semaphore, #tpu.memory_space<semaphore_mem>>)
    %scan3A = arith.constant 0 : i32
    %scan3A_52 = arith.constant 52 : i32
    %scan3A_53 = arith.addi %scan3A, %scan3A_52 : i32
    %scan3A_54 = arith.constant 1 : i32
    scf.for %scan3A_148 = %scan3A to %scan3A_53 step %scan3A_54  : i32 {
      %mul3A_149 = arith.constant 1 : i32
      %mul3A_150 = arith.muli %scan3A_148, %mul3A_149 : i32
      %add3A_151 = arith.constant 0 : i32
      %add3A_152 = arith.addi %add3A_151, %mul3A_150 : i32
      %mul3A_153 = arith.constant 3 : i32
      %mul3A_154 = arith.muli %add3A_152, %mul3A_153 : i32
      %dma_wait3A_155 = arith.constant 0 : i32
      %dma_wait3A_156 = arith.constant 0 : i32
      %dma_wait3A_157 = tpu.memref_slice %arg2[%dma_wait3A_155, %dma_wait3A_156] : memref<20480x128xf32, #tpu.memory_space<hbm>> -> memref<128x128xf32, #tpu.memory_space<hbm>>
      %dma_wait3A_158 = arith.constant 0 : i32
      %dma_wait3A_159 = arith.constant 0 : i32
      %dma_wait3A_160 = tpu.memref_slice %arg2[%dma_wait3A_158, %dma_wait3A_159] : memref<20480x128xf32, #tpu.memory_space<hbm>> -> memref<128x128xf32, #tpu.memory_space<hbm>>
      tpu.wait_dma2 semaphore(%arg19 : memref<!tpu.dma_semaphore, #tpu.memory_space<semaphore_mem>>) src(%dma_wait3A_160 : memref<128x128xf32, #tpu.memory_space<hbm>>) dst(%arg13 : memref<128x128xf32, #tpu.memory_space<vmem>>)
      %dma_start3A_161 = arith.constant 0 : i32
      %dma_start3A_162 = arith.constant 0 : i32
      %dma_start3A_163 = tpu.memref_slice %arg6[%dma_start3A_161, %dma_start3A_162] : memref<10112x128xf32, #tpu.memory_space<vmem_shared>> -> memref<10112x128xf32, #tpu.memory_space<vmem_shared>>
      tpu.enqueue_indirect_dma source(%arg13 : memref<128x128xf32, #tpu.memory_space<vmem>>) target(%dma_start3A_163 : memref<10112x128xf32, #tpu.memory_space<vmem_shared>>) offsets(%arg10 : memref<128xi32, #tpu.memory_space<vmem>>) semaphore(%arg22 : memref<!tpu.dma_semaphore, #tpu.memory_space<semaphore_mem>>) {add = true}
      %dma_wait3A_164 = arith.constant 0 : i32
      %dma_wait3A_165 = tpu.memref_slice %arg3[%dma_wait3A_164] : memref<655360xi32, #tpu.memory_space<hbm>> -> memref<128xi32, #tpu.memory_space<hbm>>
      %dma_wait3A_166 = arith.constant 0 : i32
      %dma_wait3A_167 = tpu.memref_slice %arg3[%dma_wait3A_166] : memref<655360xi32, #tpu.memory_space<hbm>> -> memref<128xi32, #tpu.memory_space<hbm>>
      tpu.wait_dma2 semaphore(%arg18 : memref<!tpu.dma_semaphore, #tpu.memory_space<semaphore_mem>>) src(%dma_wait3A_167 : memref<128xi32, #tpu.memory_space<hbm>>) dst(%arg9 : memref<128xi32, #tpu.memory_space<vmem>>)
      %dma_wait3A_168 = arith.constant 0 : i32
      %dma_wait3A_169 = tpu.memref_slice %arg4[%dma_wait3A_168] : memref<327680xi32, #tpu.memory_space<hbm>> -> memref<128xi32, #tpu.memory_space<hbm>>
      %dma_wait3A_170 = arith.constant 0 : i32
      %dma_wait3A_171 = tpu.memref_slice %arg4[%dma_wait3A_170] : memref<327680xi32, #tpu.memory_space<hbm>> -> memref<128xi32, #tpu.memory_space<hbm>>
      tpu.wait_dma2 semaphore(%arg18 : memref<!tpu.dma_semaphore, #tpu.memory_space<semaphore_mem>>) src(%dma_wait3A_171 : memref<128xi32, #tpu.memory_space<hbm>>) dst(%arg12 : memref<128xi32, #tpu.memory_space<vmem>>)
      %add3A_172 = arith.constant 2 : i32
      %add3A_173 = arith.addi %mul3A_154, %add3A_172 : i32
      %dma_start3A_174 = arith.constant 0 : i32
      %dma_start3A_175 = arith.constant 0 : i32
      %dma_start3A_176 = tpu.memref_slice %arg2[%dma_start3A_174, %dma_start3A_175] : memref<20480x128xf32, #tpu.memory_space<hbm>> -> memref<20480x128xf32, #tpu.memory_space<hbm>>
      tpu.enqueue_indirect_dma source(%dma_start3A_176 : memref<20480x128xf32, #tpu.memory_space<hbm>>) target(%arg15 : memref<128x128xf32, #tpu.memory_space<vmem>>) offsets(%arg9 : memref<128xi32, #tpu.memory_space<vmem>>) semaphore(%arg21 : memref<!tpu.dma_semaphore, #tpu.memory_space<semaphore_mem>>)
      %dma_wait3A_177 = arith.constant 0 : i32
      %dma_wait3A_178 = arith.constant 0 : i32
      %dma_wait3A_179 = tpu.memref_slice %arg2[%dma_wait3A_177, %dma_wait3A_178] : memref<20480x128xf32, #tpu.memory_space<hbm>> -> memref<128x128xf32, #tpu.memory_space<hbm>>
      %dma_wait3A_180 = arith.constant 0 : i32
      %dma_wait3A_181 = arith.constant 0 : i32
      %dma_wait3A_182 = tpu.memref_slice %arg2[%dma_wait3A_180, %dma_wait3A_181] : memref<20480x128xf32, #tpu.memory_space<hbm>> -> memref<128x128xf32, #tpu.memory_space<hbm>>
      tpu.wait_dma2 semaphore(%arg20 : memref<!tpu.dma_semaphore, #tpu.memory_space<semaphore_mem>>) src(%dma_wait3A_182 : memref<128x128xf32, #tpu.memory_space<hbm>>) dst(%arg14 : memref<128x128xf32, #tpu.memory_space<vmem>>)
      %dma_start3A_183 = arith.constant 0 : i32
      %dma_start3A_184 = arith.constant 0 : i32
      %dma_start3A_185 = tpu.memref_slice %arg6[%dma_start3A_183, %dma_start3A_184] : memref<10112x128xf32, #tpu.memory_space<vmem_shared>> -> memref<10112x128xf32, #tpu.memory_space<vmem_shared>>
      tpu.enqueue_indirect_dma source(%arg14 : memref<128x128xf32, #tpu.memory_space<vmem>>) target(%dma_start3A_185 : memref<10112x128xf32, #tpu.memory_space<vmem_shared>>) offsets(%arg11 : memref<128xi32, #tpu.memory_space<vmem>>) semaphore(%arg23 : memref<!tpu.dma_semaphore, #tpu.memory_space<semaphore_mem>>) {add = true}
      %dma_wait3A_186 = arith.constant 0 : i32
      %dma_wait3A_187 = arith.constant 0 : i32
      %dma_wait3A_188 = tpu.memref_slice %arg6[%dma_wait3A_186, %dma_wait3A_187] : memref<10112x128xf32, #tpu.memory_space<vmem_shared>> -> memref<128x128xf32, #tpu.memory_space<vmem_shared>>
      %dma_wait3A_189 = arith.constant 0 : i32
      %dma_wait3A_190 = arith.constant 0 : i32
      %dma_wait3A_191 = tpu.memref_slice %arg6[%dma_wait3A_189, %dma_wait3A_190] : memref<10112x128xf32, #tpu.memory_space<vmem_shared>> -> memref<128x128xf32, #tpu.memory_space<vmem_shared>>
      tpu.wait_dma2 semaphore(%arg22 : memref<!tpu.dma_semaphore, #tpu.memory_space<semaphore_mem>>) src(%arg13 : memref<128x128xf32, #tpu.memory_space<vmem>>) dst(%dma_wait3A_191 : memref<128x128xf32, #tpu.memory_space<vmem_shared>>)
      %add3A_192 = arith.constant 3 : i32
      %add3A_193 = arith.addi %mul3A_154, %add3A_192 : i32
      %mul3A_194 = arith.constant 128 : i32
      %mul3A_195 = arith.muli %add3A_193, %mul3A_194 : i32
      %add3A_196 = arith.addi %add3A_7, %mul3A_195 : i32
      %dma_start3A_197 = tpu.memref_slice %arg3[%add3A_196] : memref<655360xi32, #tpu.memory_space<hbm>> -> memref<128xi32, #tpu.memory_space<hbm>>
      %dma_start3A_198 = tpu.memref_slice %arg3[%add3A_196] : memref<655360xi32, #tpu.memory_space<hbm>> -> memref<128xi32, #tpu.memory_space<hbm>>
      tpu.enqueue_dma source(%dma_start3A_198 : memref<128xi32, #tpu.memory_space<hbm>>) target(%arg7 : memref<128xi32, #tpu.memory_space<vmem>>) target_semaphore(%arg16 : memref<!tpu.dma_semaphore, #tpu.memory_space<semaphore_mem>>)
      %mul3A_199 = arith.constant 128 : i32
      %mul3A_200 = arith.muli %add3A_193, %mul3A_199 : i32
      %add3A_201 = arith.addi %mul3A_4, %mul3A_200 : i32
      %dma_start3A_202 = tpu.memref_slice %arg4[%add3A_201] : memref<327680xi32, #tpu.memory_space<hbm>> -> memref<128xi32, #tpu.memory_space<hbm>>
      %dma_start3A_203 = tpu.memref_slice %arg4[%add3A_201] : memref<327680xi32, #tpu.memory_space<hbm>> -> memref<128xi32, #tpu.memory_space<hbm>>
      tpu.enqueue_dma source(%dma_start3A_203 : memref<128xi32, #tpu.memory_space<hbm>>) target(%arg10 : memref<128xi32, #tpu.memory_space<vmem>>) target_semaphore(%arg16 : memref<!tpu.dma_semaphore, #tpu.memory_space<semaphore_mem>>)
      %dma_wait3A_204 = arith.constant 0 : i32
      %dma_wait3A_205 = arith.constant 0 : i32
      %dma_wait3A_206 = tpu.memref_slice %arg2[%dma_wait3A_204, %dma_wait3A_205] : memref<20480x128xf32, #tpu.memory_space<hbm>> -> memref<128x128xf32, #tpu.memory_space<hbm>>
      %dma_wait3A_207 = arith.constant 0 : i32
      %dma_wait3A_208 = arith.constant 0 : i32
      %dma_wait3A_209 = tpu.memref_slice %arg2[%dma_wait3A_207, %dma_wait3A_208] : memref<20480x128xf32, #tpu.memory_space<hbm>> -> memref<128x128xf32, #tpu.memory_space<hbm>>
      tpu.wait_dma2 semaphore(%arg21 : memref<!tpu.dma_semaphore, #tpu.memory_space<semaphore_mem>>) src(%dma_wait3A_209 : memref<128x128xf32, #tpu.memory_space<hbm>>) dst(%arg15 : memref<128x128xf32, #tpu.memory_space<vmem>>)
      %dma_start3A_210 = arith.constant 0 : i32
      %dma_start3A_211 = arith.constant 0 : i32
      %dma_start3A_212 = tpu.memref_slice %arg6[%dma_start3A_210, %dma_start3A_211] : memref<10112x128xf32, #tpu.memory_space<vmem_shared>> -> memref<10112x128xf32, #tpu.memory_space<vmem_shared>>
      tpu.enqueue_indirect_dma source(%arg15 : memref<128x128xf32, #tpu.memory_space<vmem>>) target(%dma_start3A_212 : memref<10112x128xf32, #tpu.memory_space<vmem_shared>>) offsets(%arg12 : memref<128xi32, #tpu.memory_space<vmem>>) semaphore(%arg24 : memref<!tpu.dma_semaphore, #tpu.memory_space<semaphore_mem>>) {add = true}
      %dma_wait3A_213 = arith.constant 0 : i32
      %dma_wait3A_214 = arith.constant 0 : i32
      %dma_wait3A_215 = tpu.memref_slice %arg6[%dma_wait3A_213, %dma_wait3A_214] : memref<10112x128xf32, #tpu.memory_space<vmem_shared>> -> memref<128x128xf32, #tpu.memory_space<vmem_shared>>
      %dma_wait3A_216 = arith.constant 0 : i32
      %dma_wait3A_217 = arith.constant 0 : i32
      %dma_wait3A_218 = tpu.memref_slice %arg6[%dma_wait3A_216, %dma_wait3A_217] : memref<10112x128xf32, #tpu.memory_space<vmem_shared>> -> memref<128x128xf32, #tpu.memory_space<vmem_shared>>
      tpu.wait_dma2 semaphore(%arg23 : memref<!tpu.dma_semaphore, #tpu.memory_space<semaphore_mem>>) src(%arg14 : memref<128x128xf32, #tpu.memory_space<vmem>>) dst(%dma_wait3A_218 : memref<128x128xf32, #tpu.memory_space<vmem_shared>>)
      %add3A_219 = arith.constant 4 : i32
      %add3A_220 = arith.addi %mul3A_154, %add3A_219 : i32
      %mul3A_221 = arith.constant 128 : i32
      %mul3A_222 = arith.muli %add3A_220, %mul3A_221 : i32
      %add3A_223 = arith.addi %add3A_7, %mul3A_222 : i32
      %dma_start3A_224 = tpu.memref_slice %arg3[%add3A_223] : memref<655360xi32, #tpu.memory_space<hbm>> -> memref<128xi32, #tpu.memory_space<hbm>>
      %dma_start3A_225 = tpu.memref_slice %arg3[%add3A_223] : memref<655360xi32, #tpu.memory_space<hbm>> -> memref<128xi32, #tpu.memory_space<hbm>>
      tpu.enqueue_dma source(%dma_start3A_225 : memref<128xi32, #tpu.memory_space<hbm>>) target(%arg8 : memref<128xi32, #tpu.memory_space<vmem>>) target_semaphore(%arg17 : memref<!tpu.dma_semaphore, #tpu.memory_space<semaphore_mem>>)
      %mul3A_226 = arith.constant 128 : i32
      %mul3A_227 = arith.muli %add3A_220, %mul3A_226 : i32
      %add3A_228 = arith.addi %mul3A_4, %mul3A_227 : i32
      %dma_start3A_229 = tpu.memref_slice %arg4[%add3A_228] : memref<327680xi32, #tpu.memory_space<hbm>> -> memref<128xi32, #tpu.memory_space<hbm>>
      %dma_start3A_230 = tpu.memref_slice %arg4[%add3A_228] : memref<327680xi32, #tpu.memory_space<hbm>> -> memref<128xi32, #tpu.memory_space<hbm>>
      tpu.enqueue_dma source(%dma_start3A_230 : memref<128xi32, #tpu.memory_space<hbm>>) target(%arg11 : memref<128xi32, #tpu.memory_space<vmem>>) target_semaphore(%arg17 : memref<!tpu.dma_semaphore, #tpu.memory_space<semaphore_mem>>)
      %dma_wait3A_231 = arith.constant 0 : i32
      %dma_wait3A_232 = arith.constant 0 : i32
      %dma_wait3A_233 = tpu.memref_slice %arg6[%dma_wait3A_231, %dma_wait3A_232] : memref<10112x128xf32, #tpu.memory_space<vmem_shared>> -> memref<128x128xf32, #tpu.memory_space<vmem_shared>>
      %dma_wait3A_234 = arith.constant 0 : i32
      %dma_wait3A_235 = arith.constant 0 : i32
      %dma_wait3A_236 = tpu.memref_slice %arg6[%dma_wait3A_234, %dma_wait3A_235] : memref<10112x128xf32, #tpu.memory_space<vmem_shared>> -> memref<128x128xf32, #tpu.memory_space<vmem_shared>>
      tpu.wait_dma2 semaphore(%arg24 : memref<!tpu.dma_semaphore, #tpu.memory_space<semaphore_mem>>) src(%arg15 : memref<128x128xf32, #tpu.memory_space<vmem>>) dst(%dma_wait3A_236 : memref<128x128xf32, #tpu.memory_space<vmem_shared>>)
      %add3A_237 = arith.constant 5 : i32
      %add3A_238 = arith.addi %mul3A_154, %add3A_237 : i32
      %mul3A_239 = arith.constant 128 : i32
      %mul3A_240 = arith.muli %add3A_238, %mul3A_239 : i32
      %add3A_241 = arith.addi %add3A_7, %mul3A_240 : i32
      %dma_start3A_242 = tpu.memref_slice %arg3[%add3A_241] : memref<655360xi32, #tpu.memory_space<hbm>> -> memref<128xi32, #tpu.memory_space<hbm>>
      %dma_start3A_243 = tpu.memref_slice %arg3[%add3A_241] : memref<655360xi32, #tpu.memory_space<hbm>> -> memref<128xi32, #tpu.memory_space<hbm>>
      tpu.enqueue_dma source(%dma_start3A_243 : memref<128xi32, #tpu.memory_space<hbm>>) target(%arg9 : memref<128xi32, #tpu.memory_space<vmem>>) target_semaphore(%arg18 : memref<!tpu.dma_semaphore, #tpu.memory_space<semaphore_mem>>)
      %mul3A_244 = arith.constant 128 : i32
      %mul3A_245 = arith.muli %add3A_238, %mul3A_244 : i32
      %add3A_246 = arith.addi %mul3A_4, %mul3A_245 : i32
      %dma_start3A_247 = tpu.memref_slice %arg4[%add3A_246] : memref<327680xi32, #tpu.memory_space<hbm>> -> memref<128xi32, #tpu.memory_space<hbm>>
      %dma_start3A_248 = tpu.memref_slice %arg4[%add3A_246] : memref<327680xi32, #tpu.memory_space<hbm>> -> memref<128xi32, #tpu.memory_space<hbm>>
      tpu.enqueue_dma source(%dma_start3A_248 : memref<128xi32, #tpu.memory_space<hbm>>) target(%arg12 : memref<128xi32, #tpu.memory_space<vmem>>) target_semaphore(%arg18 : memref<!tpu.dma_semaphore, #tpu.memory_space<semaphore_mem>>)
      %dma_wait3A_249 = arith.constant 0 : i32
      %dma_wait3A_250 = tpu.memref_slice %arg3[%dma_wait3A_249] : memref<655360xi32, #tpu.memory_space<hbm>> -> memref<128xi32, #tpu.memory_space<hbm>>
      %dma_wait3A_251 = arith.constant 0 : i32
      %dma_wait3A_252 = tpu.memref_slice %arg3[%dma_wait3A_251] : memref<655360xi32, #tpu.memory_space<hbm>> -> memref<128xi32, #tpu.memory_space<hbm>>
      tpu.wait_dma2 semaphore(%arg16 : memref<!tpu.dma_semaphore, #tpu.memory_space<semaphore_mem>>) src(%dma_wait3A_252 : memref<128xi32, #tpu.memory_space<hbm>>) dst(%arg7 : memref<128xi32, #tpu.memory_space<vmem>>)
      %dma_wait3A_253 = arith.constant 0 : i32
      %dma_wait3A_254 = tpu.memref_slice %arg4[%dma_wait3A_253] : memref<327680xi32, #tpu.memory_space<hbm>> -> memref<128xi32, #tpu.memory_space<hbm>>
      %dma_wait3A_255 = arith.constant 0 : i32
      %dma_wait3A_256 = tpu.memref_slice %arg4[%dma_wait3A_255] : memref<327680xi32, #tpu.memory_space<hbm>> -> memref<128xi32, #tpu.memory_space<hbm>>
      tpu.wait_dma2 semaphore(%arg16 : memref<!tpu.dma_semaphore, #tpu.memory_space<semaphore_mem>>) src(%dma_wait3A_256 : memref<128xi32, #tpu.memory_space<hbm>>) dst(%arg10 : memref<128xi32, #tpu.memory_space<vmem>>)
      %add3A_257 = arith.constant 3 : i32
      %add3A_258 = arith.addi %mul3A_154, %add3A_257 : i32
      %dma_start3A_259 = arith.constant 0 : i32
      %dma_start3A_260 = arith.constant 0 : i32
      %dma_start3A_261 = tpu.memref_slice %arg2[%dma_start3A_259, %dma_start3A_260] : memref<20480x128xf32, #tpu.memory_space<hbm>> -> memref<20480x128xf32, #tpu.memory_space<hbm>>
      tpu.enqueue_indirect_dma source(%dma_start3A_261 : memref<20480x128xf32, #tpu.memory_space<hbm>>) target(%arg13 : memref<128x128xf32, #tpu.memory_space<vmem>>) offsets(%arg7 : memref<128xi32, #tpu.memory_space<vmem>>) semaphore(%arg19 : memref<!tpu.dma_semaphore, #tpu.memory_space<semaphore_mem>>)
      %dma_wait3A_262 = arith.constant 0 : i32
      %dma_wait3A_263 = tpu.memref_slice %arg3[%dma_wait3A_262] : memref<655360xi32, #tpu.memory_space<hbm>> -> memref<128xi32, #tpu.memory_space<hbm>>
      %dma_wait3A_264 = arith.constant 0 : i32
      %dma_wait3A_265 = tpu.memref_slice %arg3[%dma_wait3A_264] : memref<655360xi32, #tpu.memory_space<hbm>> -> memref<128xi32, #tpu.memory_space<hbm>>
      tpu.wait_dma2 semaphore(%arg17 : memref<!tpu.dma_semaphore, #tpu.memory_space<semaphore_mem>>) src(%dma_wait3A_265 : memref<128xi32, #tpu.memory_space<hbm>>) dst(%arg8 : memref<128xi32, #tpu.memory_space<vmem>>)
      %dma_wait3A_266 = arith.constant 0 : i32
      %dma_wait3A_267 = tpu.memref_slice %arg4[%dma_wait3A_266] : memref<327680xi32, #tpu.memory_space<hbm>> -> memref<128xi32, #tpu.memory_space<hbm>>
      %dma_wait3A_268 = arith.constant 0 : i32
      %dma_wait3A_269 = tpu.memref_slice %arg4[%dma_wait3A_268] : memref<327680xi32, #tpu.memory_space<hbm>> -> memref<128xi32, #tpu.memory_space<hbm>>
      tpu.wait_dma2 semaphore(%arg17 : memref<!tpu.dma_semaphore, #tpu.memory_space<semaphore_mem>>) src(%dma_wait3A_269 : memref<128xi32, #tpu.memory_space<hbm>>) dst(%arg11 : memref<128xi32, #tpu.memory_space<vmem>>)
      %add3A_270 = arith.constant 4 : i32
      %add3A_271 = arith.addi %mul3A_154, %add3A_270 : i32
      %dma_start3A_272 = arith.constant 0 : i32
      %dma_start3A_273 = arith.constant 0 : i32
      %dma_start3A_274 = tpu.memref_slice %arg2[%dma_start3A_272, %dma_start3A_273] : memref<20480x128xf32, #tpu.memory_space<hbm>> -> memref<20480x128xf32, #tpu.memory_space<hbm>>
      tpu.enqueue_indirect_dma source(%dma_start3A_274 : memref<20480x128xf32, #tpu.memory_space<hbm>>) target(%arg14 : memref<128x128xf32, #tpu.memory_space<vmem>>) offsets(%arg8 : memref<128xi32, #tpu.memory_space<vmem>>) semaphore(%arg20 : memref<!tpu.dma_semaphore, #tpu.memory_space<semaphore_mem>>)
    }
    %scan3A_55 = arith.constant 52 : i32
    %dma_wait3A_56 = arith.constant 0 : i32
    %dma_wait3A_57 = arith.constant 0 : i32
    %dma_wait3A_58 = tpu.memref_slice %arg2[%dma_wait3A_56, %dma_wait3A_57] : memref<20480x128xf32, #tpu.memory_space<hbm>> -> memref<128x128xf32, #tpu.memory_space<hbm>>
    %dma_wait3A_59 = arith.constant 0 : i32
    %dma_wait3A_60 = arith.constant 0 : i32
    %dma_wait3A_61 = tpu.memref_slice %arg2[%dma_wait3A_59, %dma_wait3A_60] : memref<20480x128xf32, #tpu.memory_space<hbm>> -> memref<128x128xf32, #tpu.memory_space<hbm>>
    tpu.wait_dma2 semaphore(%arg19 : memref<!tpu.dma_semaphore, #tpu.memory_space<semaphore_mem>>) src(%dma_wait3A_61 : memref<128x128xf32, #tpu.memory_space<hbm>>) dst(%arg13 : memref<128x128xf32, #tpu.memory_space<vmem>>)
    %dma_start3A_62 = arith.constant 0 : i32
    %dma_start3A_63 = arith.constant 0 : i32
    %dma_start3A_64 = tpu.memref_slice %arg6[%dma_start3A_62, %dma_start3A_63] : memref<10112x128xf32, #tpu.memory_space<vmem_shared>> -> memref<10112x128xf32, #tpu.memory_space<vmem_shared>>
    tpu.enqueue_indirect_dma source(%arg13 : memref<128x128xf32, #tpu.memory_space<vmem>>) target(%dma_start3A_64 : memref<10112x128xf32, #tpu.memory_space<vmem_shared>>) offsets(%arg10 : memref<128xi32, #tpu.memory_space<vmem>>) semaphore(%arg22 : memref<!tpu.dma_semaphore, #tpu.memory_space<semaphore_mem>>) {add = true}
    %dma_wait3A_65 = arith.constant 0 : i32
    %dma_wait3A_66 = tpu.memref_slice %arg3[%dma_wait3A_65] : memref<655360xi32, #tpu.memory_space<hbm>> -> memref<128xi32, #tpu.memory_space<hbm>>
    %dma_wait3A_67 = arith.constant 0 : i32
    %dma_wait3A_68 = tpu.memref_slice %arg3[%dma_wait3A_67] : memref<655360xi32, #tpu.memory_space<hbm>> -> memref<128xi32, #tpu.memory_space<hbm>>
    tpu.wait_dma2 semaphore(%arg18 : memref<!tpu.dma_semaphore, #tpu.memory_space<semaphore_mem>>) src(%dma_wait3A_68 : memref<128xi32, #tpu.memory_space<hbm>>) dst(%arg9 : memref<128xi32, #tpu.memory_space<vmem>>)
    %dma_wait3A_69 = arith.constant 0 : i32
    %dma_wait3A_70 = tpu.memref_slice %arg4[%dma_wait3A_69] : memref<327680xi32, #tpu.memory_space<hbm>> -> memref<128xi32, #tpu.memory_space<hbm>>
    %dma_wait3A_71 = arith.constant 0 : i32
    %dma_wait3A_72 = tpu.memref_slice %arg4[%dma_wait3A_71] : memref<327680xi32, #tpu.memory_space<hbm>> -> memref<128xi32, #tpu.memory_space<hbm>>
    tpu.wait_dma2 semaphore(%arg18 : memref<!tpu.dma_semaphore, #tpu.memory_space<semaphore_mem>>) src(%dma_wait3A_72 : memref<128xi32, #tpu.memory_space<hbm>>) dst(%arg12 : memref<128xi32, #tpu.memory_space<vmem>>)
    %dma_start3A_73 = arith.constant 0 : i32
    %dma_start3A_74 = arith.constant 0 : i32
    %dma_start3A_75 = tpu.memref_slice %arg2[%dma_start3A_73, %dma_start3A_74] : memref<20480x128xf32, #tpu.memory_space<hbm>> -> memref<20480x128xf32, #tpu.memory_space<hbm>>
    tpu.enqueue_indirect_dma source(%dma_start3A_75 : memref<20480x128xf32, #tpu.memory_space<hbm>>) target(%arg15 : memref<128x128xf32, #tpu.memory_space<vmem>>) offsets(%arg9 : memref<128xi32, #tpu.memory_space<vmem>>) semaphore(%arg21 : memref<!tpu.dma_semaphore, #tpu.memory_space<semaphore_mem>>)
    %dma_wait3A_76 = arith.constant 0 : i32
    %dma_wait3A_77 = arith.constant 0 : i32
    %dma_wait3A_78 = tpu.memref_slice %arg2[%dma_wait3A_76, %dma_wait3A_77] : memref<20480x128xf32, #tpu.memory_space<hbm>> -> memref<128x128xf32, #tpu.memory_space<hbm>>
    %dma_wait3A_79 = arith.constant 0 : i32
    %dma_wait3A_80 = arith.constant 0 : i32
    %dma_wait3A_81 = tpu.memref_slice %arg2[%dma_wait3A_79, %dma_wait3A_80] : memref<20480x128xf32, #tpu.memory_space<hbm>> -> memref<128x128xf32, #tpu.memory_space<hbm>>
    tpu.wait_dma2 semaphore(%arg20 : memref<!tpu.dma_semaphore, #tpu.memory_space<semaphore_mem>>) src(%dma_wait3A_81 : memref<128x128xf32, #tpu.memory_space<hbm>>) dst(%arg14 : memref<128x128xf32, #tpu.memory_space<vmem>>)
    %dma_start3A_82 = arith.constant 0 : i32
    %dma_start3A_83 = arith.constant 0 : i32
    %dma_start3A_84 = tpu.memref_slice %arg6[%dma_start3A_82, %dma_start3A_83] : memref<10112x128xf32, #tpu.memory_space<vmem_shared>> -> memref<10112x128xf32, #tpu.memory_space<vmem_shared>>
    tpu.enqueue_indirect_dma source(%arg14 : memref<128x128xf32, #tpu.memory_space<vmem>>) target(%dma_start3A_84 : memref<10112x128xf32, #tpu.memory_space<vmem_shared>>) offsets(%arg11 : memref<128xi32, #tpu.memory_space<vmem>>) semaphore(%arg23 : memref<!tpu.dma_semaphore, #tpu.memory_space<semaphore_mem>>) {add = true}
    %dma_wait3A_85 = arith.constant 0 : i32
    %dma_wait3A_86 = arith.constant 0 : i32
    %dma_wait3A_87 = tpu.memref_slice %arg6[%dma_wait3A_85, %dma_wait3A_86] : memref<10112x128xf32, #tpu.memory_space<vmem_shared>> -> memref<128x128xf32, #tpu.memory_space<vmem_shared>>
    %dma_wait3A_88 = arith.constant 0 : i32
    %dma_wait3A_89 = arith.constant 0 : i32
    %dma_wait3A_90 = tpu.memref_slice %arg6[%dma_wait3A_88, %dma_wait3A_89] : memref<10112x128xf32, #tpu.memory_space<vmem_shared>> -> memref<128x128xf32, #tpu.memory_space<vmem_shared>>
    tpu.wait_dma2 semaphore(%arg22 : memref<!tpu.dma_semaphore, #tpu.memory_space<semaphore_mem>>) src(%arg13 : memref<128x128xf32, #tpu.memory_space<vmem>>) dst(%dma_wait3A_90 : memref<128x128xf32, #tpu.memory_space<vmem_shared>>)
    %add3A_91 = arith.constant 20352 : i32
    %add3A_92 = arith.addi %add3A_7, %add3A_91 : i32
    %dma_start3A_93 = tpu.memref_slice %arg3[%add3A_92] : memref<655360xi32, #tpu.memory_space<hbm>> -> memref<128xi32, #tpu.memory_space<hbm>>
    %dma_start3A_94 = tpu.memref_slice %arg3[%add3A_92] : memref<655360xi32, #tpu.memory_space<hbm>> -> memref<128xi32, #tpu.memory_space<hbm>>
    tpu.enqueue_dma source(%dma_start3A_94 : memref<128xi32, #tpu.memory_space<hbm>>) target(%arg7 : memref<128xi32, #tpu.memory_space<vmem>>) target_semaphore(%arg16 : memref<!tpu.dma_semaphore, #tpu.memory_space<semaphore_mem>>)
    %add3A_95 = arith.constant 20352 : i32
    %add3A_96 = arith.addi %mul3A_4, %add3A_95 : i32
    %dma_start3A_97 = tpu.memref_slice %arg4[%add3A_96] : memref<327680xi32, #tpu.memory_space<hbm>> -> memref<128xi32, #tpu.memory_space<hbm>>
    %dma_start3A_98 = tpu.memref_slice %arg4[%add3A_96] : memref<327680xi32, #tpu.memory_space<hbm>> -> memref<128xi32, #tpu.memory_space<hbm>>
    tpu.enqueue_dma source(%dma_start3A_98 : memref<128xi32, #tpu.memory_space<hbm>>) target(%arg10 : memref<128xi32, #tpu.memory_space<vmem>>) target_semaphore(%arg16 : memref<!tpu.dma_semaphore, #tpu.memory_space<semaphore_mem>>)
    %dma_wait3A_99 = arith.constant 0 : i32
    %dma_wait3A_100 = arith.constant 0 : i32
    %dma_wait3A_101 = tpu.memref_slice %arg2[%dma_wait3A_99, %dma_wait3A_100] : memref<20480x128xf32, #tpu.memory_space<hbm>> -> memref<128x128xf32, #tpu.memory_space<hbm>>
    %dma_wait3A_102 = arith.constant 0 : i32
    %dma_wait3A_103 = arith.constant 0 : i32
    %dma_wait3A_104 = tpu.memref_slice %arg2[%dma_wait3A_102, %dma_wait3A_103] : memref<20480x128xf32, #tpu.memory_space<hbm>> -> memref<128x128xf32, #tpu.memory_space<hbm>>
    tpu.wait_dma2 semaphore(%arg21 : memref<!tpu.dma_semaphore, #tpu.memory_space<semaphore_mem>>) src(%dma_wait3A_104 : memref<128x128xf32, #tpu.memory_space<hbm>>) dst(%arg15 : memref<128x128xf32, #tpu.memory_space<vmem>>)
    %dma_start3A_105 = arith.constant 0 : i32
    %dma_start3A_106 = arith.constant 0 : i32
    %dma_start3A_107 = tpu.memref_slice %arg6[%dma_start3A_105, %dma_start3A_106] : memref<10112x128xf32, #tpu.memory_space<vmem_shared>> -> memref<10112x128xf32, #tpu.memory_space<vmem_shared>>
    tpu.enqueue_indirect_dma source(%arg15 : memref<128x128xf32, #tpu.memory_space<vmem>>) target(%dma_start3A_107 : memref<10112x128xf32, #tpu.memory_space<vmem_shared>>) offsets(%arg12 : memref<128xi32, #tpu.memory_space<vmem>>) semaphore(%arg24 : memref<!tpu.dma_semaphore, #tpu.memory_space<semaphore_mem>>) {add = true}
    %dma_wait3A_108 = arith.constant 0 : i32
    %dma_wait3A_109 = tpu.memref_slice %arg3[%dma_wait3A_108] : memref<655360xi32, #tpu.memory_space<hbm>> -> memref<128xi32, #tpu.memory_space<hbm>>
    %dma_wait3A_110 = arith.constant 0 : i32
    %dma_wait3A_111 = tpu.memref_slice %arg3[%dma_wait3A_110] : memref<655360xi32, #tpu.memory_space<hbm>> -> memref<128xi32, #tpu.memory_space<hbm>>
    tpu.wait_dma2 semaphore(%arg16 : memref<!tpu.dma_semaphore, #tpu.memory_space<semaphore_mem>>) src(%dma_wait3A_111 : memref<128xi32, #tpu.memory_space<hbm>>) dst(%arg7 : memref<128xi32, #tpu.memory_space<vmem>>)
    %dma_wait3A_112 = arith.constant 0 : i32
    %dma_wait3A_113 = tpu.memref_slice %arg4[%dma_wait3A_112] : memref<327680xi32, #tpu.memory_space<hbm>> -> memref<128xi32, #tpu.memory_space<hbm>>
    %dma_wait3A_114 = arith.constant 0 : i32
    %dma_wait3A_115 = tpu.memref_slice %arg4[%dma_wait3A_114] : memref<327680xi32, #tpu.memory_space<hbm>> -> memref<128xi32, #tpu.memory_space<hbm>>
    tpu.wait_dma2 semaphore(%arg16 : memref<!tpu.dma_semaphore, #tpu.memory_space<semaphore_mem>>) src(%dma_wait3A_115 : memref<128xi32, #tpu.memory_space<hbm>>) dst(%arg10 : memref<128xi32, #tpu.memory_space<vmem>>)
    %dma_start3A_116 = arith.constant 0 : i32
    %dma_start3A_117 = arith.constant 0 : i32
    %dma_start3A_118 = tpu.memref_slice %arg2[%dma_start3A_116, %dma_start3A_117] : memref<20480x128xf32, #tpu.memory_space<hbm>> -> memref<20480x128xf32, #tpu.memory_space<hbm>>
    tpu.enqueue_indirect_dma source(%dma_start3A_118 : memref<20480x128xf32, #tpu.memory_space<hbm>>) target(%arg13 : memref<128x128xf32, #tpu.memory_space<vmem>>) offsets(%arg7 : memref<128xi32, #tpu.memory_space<vmem>>) semaphore(%arg19 : memref<!tpu.dma_semaphore, #tpu.memory_space<semaphore_mem>>)
    %dma_wait3A_119 = arith.constant 0 : i32
    %dma_wait3A_120 = arith.constant 0 : i32
    %dma_wait3A_121 = tpu.memref_slice %arg2[%dma_wait3A_119, %dma_wait3A_120] : memref<20480x128xf32, #tpu.memory_space<hbm>> -> memref<128x128xf32, #tpu.memory_space<hbm>>
    %dma_wait3A_122 = arith.constant 0 : i32
    %dma_wait3A_123 = arith.constant 0 : i32
    %dma_wait3A_124 = tpu.memref_slice %arg2[%dma_wait3A_122, %dma_wait3A_123] : memref<20480x128xf32, #tpu.memory_space<hbm>> -> memref<128x128xf32, #tpu.memory_space<hbm>>
    tpu.wait_dma2 semaphore(%arg19 : memref<!tpu.dma_semaphore, #tpu.memory_space<semaphore_mem>>) src(%dma_wait3A_124 : memref<128x128xf32, #tpu.memory_space<hbm>>) dst(%arg13 : memref<128x128xf32, #tpu.memory_space<vmem>>)
    %dma_start3A_125 = arith.constant 0 : i32
    %dma_start3A_126 = arith.constant 0 : i32
    %dma_start3A_127 = tpu.memref_slice %arg6[%dma_start3A_125, %dma_start3A_126] : memref<10112x128xf32, #tpu.memory_space<vmem_shared>> -> memref<10112x128xf32, #tpu.memory_space<vmem_shared>>
    tpu.enqueue_indirect_dma source(%arg13 : memref<128x128xf32, #tpu.memory_space<vmem>>) target(%dma_start3A_127 : memref<10112x128xf32, #tpu.memory_space<vmem_shared>>) offsets(%arg10 : memref<128xi32, #tpu.memory_space<vmem>>) semaphore(%arg22 : memref<!tpu.dma_semaphore, #tpu.memory_space<semaphore_mem>>) {add = true}
    %dma_wait3A_128 = arith.constant 0 : i32
    %dma_wait3A_129 = arith.constant 0 : i32
    %dma_wait3A_130 = tpu.memref_slice %arg6[%dma_wait3A_128, %dma_wait3A_129] : memref<10112x128xf32, #tpu.memory_space<vmem_shared>> -> memref<128x128xf32, #tpu.memory_space<vmem_shared>>
    %dma_wait3A_131 = arith.constant 0 : i32
    %dma_wait3A_132 = arith.constant 0 : i32
    %dma_wait3A_133 = tpu.memref_slice %arg6[%dma_wait3A_131, %dma_wait3A_132] : memref<10112x128xf32, #tpu.memory_space<vmem_shared>> -> memref<128x128xf32, #tpu.memory_space<vmem_shared>>
    tpu.wait_dma2 semaphore(%arg23 : memref<!tpu.dma_semaphore, #tpu.memory_space<semaphore_mem>>) src(%arg14 : memref<128x128xf32, #tpu.memory_space<vmem>>) dst(%dma_wait3A_133 : memref<128x128xf32, #tpu.memory_space<vmem_shared>>)
    %dma_wait3A_134 = arith.constant 0 : i32
    %dma_wait3A_135 = arith.constant 0 : i32
    %dma_wait3A_136 = tpu.memref_slice %arg6[%dma_wait3A_134, %dma_wait3A_135] : memref<10112x128xf32, #tpu.memory_space<vmem_shared>> -> memref<128x128xf32, #tpu.memory_space<vmem_shared>>
    %dma_wait3A_137 = arith.constant 0 : i32
    %dma_wait3A_138 = arith.constant 0 : i32
    %dma_wait3A_139 = tpu.memref_slice %arg6[%dma_wait3A_137, %dma_wait3A_138] : memref<10112x128xf32, #tpu.memory_space<vmem_shared>> -> memref<128x128xf32, #tpu.memory_space<vmem_shared>>
    tpu.wait_dma2 semaphore(%arg24 : memref<!tpu.dma_semaphore, #tpu.memory_space<semaphore_mem>>) src(%arg15 : memref<128x128xf32, #tpu.memory_space<vmem>>) dst(%dma_wait3A_139 : memref<128x128xf32, #tpu.memory_space<vmem_shared>>)
    %dma_wait3A_140 = arith.constant 0 : i32
    %dma_wait3A_141 = arith.constant 0 : i32
    %dma_wait3A_142 = tpu.memref_slice %arg6[%dma_wait3A_140, %dma_wait3A_141] : memref<10112x128xf32, #tpu.memory_space<vmem_shared>> -> memref<128x128xf32, #tpu.memory_space<vmem_shared>>
    %dma_wait3A_143 = arith.constant 0 : i32
    %dma_wait3A_144 = arith.constant 0 : i32
    %dma_wait3A_145 = tpu.memref_slice %arg6[%dma_wait3A_143, %dma_wait3A_144] : memref<10112x128xf32, #tpu.memory_space<vmem_shared>> -> memref<128x128xf32, #tpu.memory_space<vmem_shared>>
    tpu.wait_dma2 semaphore(%arg22 : memref<!tpu.dma_semaphore, #tpu.memory_space<semaphore_mem>>) src(%arg13 : memref<128x128xf32, #tpu.memory_space<vmem>>) dst(%dma_wait3A_145 : memref<128x128xf32, #tpu.memory_space<vmem_shared>>)
    %barrier3A_146 = arith.constant 0 : index
    tpu.barrier barrier_id(%barrier3A_146)
    %add3A_147 = arith.addi %mul3A_2, %mul3A_0 : i32
    "tpu.region"() ({
      %run_scoped3A = tpu.sem_alloc : memref<!tpu.dma_semaphore, #tpu.memory_space<semaphore_mem>>
      %dma_start3A_148 = arith.constant 0 : i32
      %dma_start3A_149 = tpu.memref_slice %arg5[%add3A_147, %dma_start3A_148] : memref<20480x128xf32, #tpu.memory_space<hbm>> -> memref<632x128xf32, #tpu.memory_space<hbm>>
      %dma_start3A_150 = arith.constant 0 : i32
      %dma_start3A_151 = tpu.memref_slice %arg6[%mul3A_0, %dma_start3A_150] : memref<10112x128xf32, #tpu.memory_space<vmem_shared>> -> memref<632x128xf32, #tpu.memory_space<vmem_shared>>
      tpu.enqueue_dma source(%dma_start3A_151 : memref<632x128xf32, #tpu.memory_space<vmem_shared>>) target(%dma_start3A_149 : memref<632x128xf32, #tpu.memory_space<hbm>>) target_semaphore(%run_scoped3A : memref<!tpu.dma_semaphore, #tpu.memory_space<semaphore_mem>>)
      %dma_wait3A_152 = arith.constant 0 : i32
      %dma_wait3A_153 = tpu.memref_slice %arg5[%add3A_147, %dma_wait3A_152] : memref<20480x128xf32, #tpu.memory_space<hbm>> -> memref<632x128xf32, #tpu.memory_space<hbm>>
      %dma_wait3A_154 = arith.constant 0 : i32
      %dma_wait3A_155 = tpu.memref_slice %arg6[%mul3A_0, %dma_wait3A_154] : memref<10112x128xf32, #tpu.memory_space<vmem_shared>> -> memref<632x128xf32, #tpu.memory_space<vmem_shared>>
      tpu.wait_dma2 semaphore(%run_scoped3A : memref<!tpu.dma_semaphore, #tpu.memory_space<semaphore_mem>>) src(%dma_wait3A_155 : memref<632x128xf32, #tpu.memory_space<vmem_shared>>) dst(%dma_wait3A_153 : memref<632x128xf32, #tpu.memory_space<hbm>>)
      tpu.yield
    }) : () -> ()
    return
  }
}

#map = affine_map<(d0, d1) -> (0, 0)>
#map1 = affine_map<(d0, d1) -> (0)>
module attributes {stable_mosaic.version = 14 : i64} {
  func.func @_sc_aggregate(%arg0: i32, %arg1: i32, %arg2: memref<20480x128xf32, #tpu.memory_space<hbm>>, %arg3: memref<655360xi32, #tpu.memory_space<hbm>>, %arg4: memref<327680xi32, #tpu.memory_space<hbm>>, %arg5: memref<20480x128xf32, #tpu.memory_space<hbm>>, %arg6: memref<10112x128xf32, #tpu.memory_space<vmem_shared>>, %arg7: memref<128xi32, #tpu.memory_space<vmem>>, %arg8: memref<128xi32, #tpu.memory_space<vmem>>, %arg9: memref<128xi32, #tpu.memory_space<vmem>>, %arg10: memref<128xi32, #tpu.memory_space<vmem>>, %arg11: memref<128xi32, #tpu.memory_space<vmem>>, %arg12: memref<128xi32, #tpu.memory_space<vmem>>, %arg13: memref<128x128xf32, #tpu.memory_space<vmem>>, %arg14: memref<128x128xf32, #tpu.memory_space<vmem>>, %arg15: memref<128x128xf32, #tpu.memory_space<vmem>>, %arg16: memref<!tpu.dma_semaphore, #tpu.memory_space<semaphore_mem>>, %arg17: memref<!tpu.dma_semaphore, #tpu.memory_space<semaphore_mem>>, %arg18: memref<!tpu.dma_semaphore, #tpu.memory_space<semaphore_mem>>, %arg19: memref<!tpu.dma_semaphore, #tpu.memory_space<semaphore_mem>>, %arg20: memref<!tpu.dma_semaphore, #tpu.memory_space<semaphore_mem>>, %arg21: memref<!tpu.dma_semaphore, #tpu.memory_space<semaphore_mem>>, %arg22: memref<!tpu.dma_semaphore, #tpu.memory_space<semaphore_mem>>, %arg23: memref<!tpu.dma_semaphore, #tpu.memory_space<semaphore_mem>>, %arg24: memref<!tpu.dma_semaphore, #tpu.memory_space<semaphore_mem>>) attributes {dimension_semantics = [#tpu.dimension_semantics<core_parallel>, #tpu.dimension_semantics<subcore_parallel>], iteration_bounds = array<i64: 2, 16>, scalar_prefetch = 0 : i64, scratch_operands = 19 : i64, tpu.core_type = #tpu.core_type<sc_vector_subcore>, window_params = [{transform_indices = #map}, {transform_indices = #map1}, {transform_indices = #map1}, {transform_indices = #map}]} {
    %mul3A = arith.constant 632 : i32
    %mul3A_0 = arith.muli %arg1, %mul3A : i32
    %mul3A_1 = arith.constant 10240 : i32
    %mul3A_2 = arith.muli %arg0, %mul3A_1 : i32
    %add3A = arith.addi %mul3A_2, %mul3A_0 : i32
    "tpu.region"() ({
      %run_scoped3A = tpu.sem_alloc : memref<!tpu.dma_semaphore, #tpu.memory_space<semaphore_mem>>
      %dma_start3A_148 = arith.constant 0 : i32
      %dma_start3A_149 = tpu.memref_slice %arg6[%mul3A_0, %dma_start3A_148] : memref<10112x128xf32, #tpu.memory_space<vmem_shared>> -> memref<632x128xf32, #tpu.memory_space<vmem_shared>>
      %dma_start3A_150 = arith.constant 0 : i32
      %dma_start3A_151 = tpu.memref_slice %arg2[%add3A, %dma_start3A_150] : memref<20480x128xf32, #tpu.memory_space<hbm>> -> memref<632x128xf32, #tpu.memory_space<hbm>>
      tpu.enqueue_dma source(%dma_start3A_151 : memref<632x128xf32, #tpu.memory_space<hbm>>) target(%dma_start3A_149 : memref<632x128xf32, #tpu.memory_space<vmem_shared>>) target_semaphore(%run_scoped3A : memref<!tpu.dma_semaphore, #tpu.memory_space<semaphore_mem>>)
      %dma_wait3A_152 = arith.constant 0 : i32
      %dma_wait3A_153 = tpu.memref_slice %arg6[%mul3A_0, %dma_wait3A_152] : memref<10112x128xf32, #tpu.memory_space<vmem_shared>> -> memref<632x128xf32, #tpu.memory_space<vmem_shared>>
      %dma_wait3A_154 = arith.constant 0 : i32
      %dma_wait3A_155 = tpu.memref_slice %arg2[%add3A, %dma_wait3A_154] : memref<20480x128xf32, #tpu.memory_space<hbm>> -> memref<632x128xf32, #tpu.memory_space<hbm>>
      tpu.wait_dma2 semaphore(%run_scoped3A : memref<!tpu.dma_semaphore, #tpu.memory_space<semaphore_mem>>) src(%dma_wait3A_155 : memref<632x128xf32, #tpu.memory_space<hbm>>) dst(%dma_wait3A_153 : memref<632x128xf32, #tpu.memory_space<vmem_shared>>)
      tpu.yield
    }) : () -> ()
    %barrier3A = arith.constant 0 : index
    tpu.barrier barrier_id(%barrier3A)
    %mul3A_3 = arith.constant 20480 : i32
    %mul3A_4 = arith.muli %arg1, %mul3A_3 : i32
    %mul3A_5 = arith.constant 327680 : i32
    %mul3A_6 = arith.muli %arg0, %mul3A_5 : i32
    %add3A_7 = arith.addi %mul3A_6, %mul3A_4 : i32
    %add3A_8 = arith.constant 0 : i32
    %add3A_9 = arith.addi %add3A_7, %add3A_8 : i32
    %dma_start3A = tpu.memref_slice %arg3[%add3A_9] : memref<655360xi32, #tpu.memory_space<hbm>> -> memref<128xi32, #tpu.memory_space<hbm>>
    %dma_start3A_10 = tpu.memref_slice %arg3[%add3A_9] : memref<655360xi32, #tpu.memory_space<hbm>> -> memref<128xi32, #tpu.memory_space<hbm>>
    tpu.enqueue_dma source(%dma_start3A_10 : memref<128xi32, #tpu.memory_space<hbm>>) target(%arg7 : memref<128xi32, #tpu.memory_space<vmem>>) target_semaphore(%arg16 : memref<!tpu.dma_semaphore, #tpu.memory_space<semaphore_mem>>)
    %add3A_11 = arith.constant 0 : i32
    %add3A_12 = arith.addi %mul3A_4, %add3A_11 : i32
    %dma_start3A_13 = tpu.memref_slice %arg4[%add3A_12] : memref<327680xi32, #tpu.memory_space<hbm>> -> memref<128xi32, #tpu.memory_space<hbm>>
    %dma_start3A_14 = tpu.memref_slice %arg4[%add3A_12] : memref<327680xi32, #tpu.memory_space<hbm>> -> memref<128xi32, #tpu.memory_space<hbm>>
    tpu.enqueue_dma source(%dma_start3A_14 : memref<128xi32, #tpu.memory_space<hbm>>) target(%arg10 : memref<128xi32, #tpu.memory_space<vmem>>) target_semaphore(%arg16 : memref<!tpu.dma_semaphore, #tpu.memory_space<semaphore_mem>>)
    %add3A_15 = arith.constant 128 : i32
    %add3A_16 = arith.addi %add3A_7, %add3A_15 : i32
    %dma_start3A_17 = tpu.memref_slice %arg3[%add3A_16] : memref<655360xi32, #tpu.memory_space<hbm>> -> memref<128xi32, #tpu.memory_space<hbm>>
    %dma_start3A_18 = tpu.memref_slice %arg3[%add3A_16] : memref<655360xi32, #tpu.memory_space<hbm>> -> memref<128xi32, #tpu.memory_space<hbm>>
    tpu.enqueue_dma source(%dma_start3A_18 : memref<128xi32, #tpu.memory_space<hbm>>) target(%arg8 : memref<128xi32, #tpu.memory_space<vmem>>) target_semaphore(%arg17 : memref<!tpu.dma_semaphore, #tpu.memory_space<semaphore_mem>>)
    %add3A_19 = arith.constant 128 : i32
    %add3A_20 = arith.addi %mul3A_4, %add3A_19 : i32
    %dma_start3A_21 = tpu.memref_slice %arg4[%add3A_20] : memref<327680xi32, #tpu.memory_space<hbm>> -> memref<128xi32, #tpu.memory_space<hbm>>
    %dma_start3A_22 = tpu.memref_slice %arg4[%add3A_20] : memref<327680xi32, #tpu.memory_space<hbm>> -> memref<128xi32, #tpu.memory_space<hbm>>
    tpu.enqueue_dma source(%dma_start3A_22 : memref<128xi32, #tpu.memory_space<hbm>>) target(%arg11 : memref<128xi32, #tpu.memory_space<vmem>>) target_semaphore(%arg17 : memref<!tpu.dma_semaphore, #tpu.memory_space<semaphore_mem>>)
    %add3A_23 = arith.constant 256 : i32
    %add3A_24 = arith.addi %add3A_7, %add3A_23 : i32
    %dma_start3A_25 = tpu.memref_slice %arg3[%add3A_24] : memref<655360xi32, #tpu.memory_space<hbm>> -> memref<128xi32, #tpu.memory_space<hbm>>
    %dma_start3A_26 = tpu.memref_slice %arg3[%add3A_24] : memref<655360xi32, #tpu.memory_space<hbm>> -> memref<128xi32, #tpu.memory_space<hbm>>
    tpu.enqueue_dma source(%dma_start3A_26 : memref<128xi32, #tpu.memory_space<hbm>>) target(%arg9 : memref<128xi32, #tpu.memory_space<vmem>>) target_semaphore(%arg18 : memref<!tpu.dma_semaphore, #tpu.memory_space<semaphore_mem>>)
    %add3A_27 = arith.constant 256 : i32
    %add3A_28 = arith.addi %mul3A_4, %add3A_27 : i32
    %dma_start3A_29 = tpu.memref_slice %arg4[%add3A_28] : memref<327680xi32, #tpu.memory_space<hbm>> -> memref<128xi32, #tpu.memory_space<hbm>>
    %dma_start3A_30 = tpu.memref_slice %arg4[%add3A_28] : memref<327680xi32, #tpu.memory_space<hbm>> -> memref<128xi32, #tpu.memory_space<hbm>>
    tpu.enqueue_dma source(%dma_start3A_30 : memref<128xi32, #tpu.memory_space<hbm>>) target(%arg12 : memref<128xi32, #tpu.memory_space<vmem>>) target_semaphore(%arg18 : memref<!tpu.dma_semaphore, #tpu.memory_space<semaphore_mem>>)
    %dma_wait3A = arith.constant 0 : i32
    %dma_wait3A_31 = tpu.memref_slice %arg3[%dma_wait3A] : memref<655360xi32, #tpu.memory_space<hbm>> -> memref<128xi32, #tpu.memory_space<hbm>>
    %dma_wait3A_32 = arith.constant 0 : i32
    %dma_wait3A_33 = tpu.memref_slice %arg3[%dma_wait3A_32] : memref<655360xi32, #tpu.memory_space<hbm>> -> memref<128xi32, #tpu.memory_space<hbm>>
    tpu.wait_dma2 semaphore(%arg16 : memref<!tpu.dma_semaphore, #tpu.memory_space<semaphore_mem>>) src(%dma_wait3A_33 : memref<128xi32, #tpu.memory_space<hbm>>) dst(%arg7 : memref<128xi32, #tpu.memory_space<vmem>>)
    %dma_wait3A_34 = arith.constant 0 : i32
    %dma_wait3A_35 = tpu.memref_slice %arg4[%dma_wait3A_34] : memref<327680xi32, #tpu.memory_space<hbm>> -> memref<128xi32, #tpu.memory_space<hbm>>
    %dma_wait3A_36 = arith.constant 0 : i32
    %dma_wait3A_37 = tpu.memref_slice %arg4[%dma_wait3A_36] : memref<327680xi32, #tpu.memory_space<hbm>> -> memref<128xi32, #tpu.memory_space<hbm>>
    tpu.wait_dma2 semaphore(%arg16 : memref<!tpu.dma_semaphore, #tpu.memory_space<semaphore_mem>>) src(%dma_wait3A_37 : memref<128xi32, #tpu.memory_space<hbm>>) dst(%arg10 : memref<128xi32, #tpu.memory_space<vmem>>)
    %dma_start3A_38 = arith.constant 0 : i32
    %dma_start3A_39 = arith.constant 0 : i32
    %dma_start3A_40 = tpu.memref_slice %arg2[%dma_start3A_38, %dma_start3A_39] : memref<20480x128xf32, #tpu.memory_space<hbm>> -> memref<20480x128xf32, #tpu.memory_space<hbm>>
    tpu.enqueue_indirect_dma source(%dma_start3A_40 : memref<20480x128xf32, #tpu.memory_space<hbm>>) target(%arg13 : memref<128x128xf32, #tpu.memory_space<vmem>>) offsets(%arg7 : memref<128xi32, #tpu.memory_space<vmem>>) semaphore(%arg19 : memref<!tpu.dma_semaphore, #tpu.memory_space<semaphore_mem>>)
    %dma_wait3A_41 = arith.constant 0 : i32
    %dma_wait3A_42 = tpu.memref_slice %arg3[%dma_wait3A_41] : memref<655360xi32, #tpu.memory_space<hbm>> -> memref<128xi32, #tpu.memory_space<hbm>>
    %dma_wait3A_43 = arith.constant 0 : i32
    %dma_wait3A_44 = tpu.memref_slice %arg3[%dma_wait3A_43] : memref<655360xi32, #tpu.memory_space<hbm>> -> memref<128xi32, #tpu.memory_space<hbm>>
    tpu.wait_dma2 semaphore(%arg17 : memref<!tpu.dma_semaphore, #tpu.memory_space<semaphore_mem>>) src(%dma_wait3A_44 : memref<128xi32, #tpu.memory_space<hbm>>) dst(%arg8 : memref<128xi32, #tpu.memory_space<vmem>>)
    %dma_wait3A_45 = arith.constant 0 : i32
    %dma_wait3A_46 = tpu.memref_slice %arg4[%dma_wait3A_45] : memref<327680xi32, #tpu.memory_space<hbm>> -> memref<128xi32, #tpu.memory_space<hbm>>
    %dma_wait3A_47 = arith.constant 0 : i32
    %dma_wait3A_48 = tpu.memref_slice %arg4[%dma_wait3A_47] : memref<327680xi32, #tpu.memory_space<hbm>> -> memref<128xi32, #tpu.memory_space<hbm>>
    tpu.wait_dma2 semaphore(%arg17 : memref<!tpu.dma_semaphore, #tpu.memory_space<semaphore_mem>>) src(%dma_wait3A_48 : memref<128xi32, #tpu.memory_space<hbm>>) dst(%arg11 : memref<128xi32, #tpu.memory_space<vmem>>)
    %dma_start3A_49 = arith.constant 0 : i32
    %dma_start3A_50 = arith.constant 0 : i32
    %dma_start3A_51 = tpu.memref_slice %arg2[%dma_start3A_49, %dma_start3A_50] : memref<20480x128xf32, #tpu.memory_space<hbm>> -> memref<20480x128xf32, #tpu.memory_space<hbm>>
    tpu.enqueue_indirect_dma source(%dma_start3A_51 : memref<20480x128xf32, #tpu.memory_space<hbm>>) target(%arg14 : memref<128x128xf32, #tpu.memory_space<vmem>>) offsets(%arg8 : memref<128xi32, #tpu.memory_space<vmem>>) semaphore(%arg20 : memref<!tpu.dma_semaphore, #tpu.memory_space<semaphore_mem>>)
    %scan3A = arith.constant 0 : i32
    %scan3A_52 = arith.constant 52 : i32
    %scan3A_53 = arith.addi %scan3A, %scan3A_52 : i32
    %scan3A_54 = arith.constant 1 : i32
    scf.for %scan3A_148 = %scan3A to %scan3A_53 step %scan3A_54  : i32 {
      %mul3A_149 = arith.constant 1 : i32
      %mul3A_150 = arith.muli %scan3A_148, %mul3A_149 : i32
      %add3A_151 = arith.constant 0 : i32
      %add3A_152 = arith.addi %add3A_151, %mul3A_150 : i32
      %mul3A_153 = arith.constant 3 : i32
      %mul3A_154 = arith.muli %add3A_152, %mul3A_153 : i32
      %dma_wait3A_155 = arith.constant 0 : i32
      %dma_wait3A_156 = arith.constant 0 : i32
      %dma_wait3A_157 = tpu.memref_slice %arg2[%dma_wait3A_155, %dma_wait3A_156] : memref<20480x128xf32, #tpu.memory_space<hbm>> -> memref<128x128xf32, #tpu.memory_space<hbm>>
      %dma_wait3A_158 = arith.constant 0 : i32
      %dma_wait3A_159 = arith.constant 0 : i32
      %dma_wait3A_160 = tpu.memref_slice %arg2[%dma_wait3A_158, %dma_wait3A_159] : memref<20480x128xf32, #tpu.memory_space<hbm>> -> memref<128x128xf32, #tpu.memory_space<hbm>>
      tpu.wait_dma2 semaphore(%arg19 : memref<!tpu.dma_semaphore, #tpu.memory_space<semaphore_mem>>) src(%dma_wait3A_160 : memref<128x128xf32, #tpu.memory_space<hbm>>) dst(%arg13 : memref<128x128xf32, #tpu.memory_space<vmem>>)
      %dma_start3A_161 = arith.constant 0 : i32
      %dma_start3A_162 = arith.constant 0 : i32
      %dma_start3A_163 = tpu.memref_slice %arg6[%dma_start3A_161, %dma_start3A_162] : memref<10112x128xf32, #tpu.memory_space<vmem_shared>> -> memref<10112x128xf32, #tpu.memory_space<vmem_shared>>
      tpu.enqueue_indirect_dma source(%arg13 : memref<128x128xf32, #tpu.memory_space<vmem>>) target(%dma_start3A_163 : memref<10112x128xf32, #tpu.memory_space<vmem_shared>>) offsets(%arg10 : memref<128xi32, #tpu.memory_space<vmem>>) semaphore(%arg22 : memref<!tpu.dma_semaphore, #tpu.memory_space<semaphore_mem>>) {add = true}
      %dma_wait3A_164 = arith.constant 0 : i32
      %dma_wait3A_165 = tpu.memref_slice %arg3[%dma_wait3A_164] : memref<655360xi32, #tpu.memory_space<hbm>> -> memref<128xi32, #tpu.memory_space<hbm>>
      %dma_wait3A_166 = arith.constant 0 : i32
      %dma_wait3A_167 = tpu.memref_slice %arg3[%dma_wait3A_166] : memref<655360xi32, #tpu.memory_space<hbm>> -> memref<128xi32, #tpu.memory_space<hbm>>
      tpu.wait_dma2 semaphore(%arg18 : memref<!tpu.dma_semaphore, #tpu.memory_space<semaphore_mem>>) src(%dma_wait3A_167 : memref<128xi32, #tpu.memory_space<hbm>>) dst(%arg9 : memref<128xi32, #tpu.memory_space<vmem>>)
      %dma_wait3A_168 = arith.constant 0 : i32
      %dma_wait3A_169 = tpu.memref_slice %arg4[%dma_wait3A_168] : memref<327680xi32, #tpu.memory_space<hbm>> -> memref<128xi32, #tpu.memory_space<hbm>>
      %dma_wait3A_170 = arith.constant 0 : i32
      %dma_wait3A_171 = tpu.memref_slice %arg4[%dma_wait3A_170] : memref<327680xi32, #tpu.memory_space<hbm>> -> memref<128xi32, #tpu.memory_space<hbm>>
      tpu.wait_dma2 semaphore(%arg18 : memref<!tpu.dma_semaphore, #tpu.memory_space<semaphore_mem>>) src(%dma_wait3A_171 : memref<128xi32, #tpu.memory_space<hbm>>) dst(%arg12 : memref<128xi32, #tpu.memory_space<vmem>>)
      %add3A_172 = arith.constant 2 : i32
      %add3A_173 = arith.addi %mul3A_154, %add3A_172 : i32
      %dma_start3A_174 = arith.constant 0 : i32
      %dma_start3A_175 = arith.constant 0 : i32
      %dma_start3A_176 = tpu.memref_slice %arg2[%dma_start3A_174, %dma_start3A_175] : memref<20480x128xf32, #tpu.memory_space<hbm>> -> memref<20480x128xf32, #tpu.memory_space<hbm>>
      tpu.enqueue_indirect_dma source(%dma_start3A_176 : memref<20480x128xf32, #tpu.memory_space<hbm>>) target(%arg15 : memref<128x128xf32, #tpu.memory_space<vmem>>) offsets(%arg9 : memref<128xi32, #tpu.memory_space<vmem>>) semaphore(%arg21 : memref<!tpu.dma_semaphore, #tpu.memory_space<semaphore_mem>>)
      %dma_wait3A_177 = arith.constant 0 : i32
      %dma_wait3A_178 = arith.constant 0 : i32
      %dma_wait3A_179 = tpu.memref_slice %arg2[%dma_wait3A_177, %dma_wait3A_178] : memref<20480x128xf32, #tpu.memory_space<hbm>> -> memref<128x128xf32, #tpu.memory_space<hbm>>
      %dma_wait3A_180 = arith.constant 0 : i32
      %dma_wait3A_181 = arith.constant 0 : i32
      %dma_wait3A_182 = tpu.memref_slice %arg2[%dma_wait3A_180, %dma_wait3A_181] : memref<20480x128xf32, #tpu.memory_space<hbm>> -> memref<128x128xf32, #tpu.memory_space<hbm>>
      tpu.wait_dma2 semaphore(%arg20 : memref<!tpu.dma_semaphore, #tpu.memory_space<semaphore_mem>>) src(%dma_wait3A_182 : memref<128x128xf32, #tpu.memory_space<hbm>>) dst(%arg14 : memref<128x128xf32, #tpu.memory_space<vmem>>)
      %dma_start3A_183 = arith.constant 0 : i32
      %dma_start3A_184 = arith.constant 0 : i32
      %dma_start3A_185 = tpu.memref_slice %arg6[%dma_start3A_183, %dma_start3A_184] : memref<10112x128xf32, #tpu.memory_space<vmem_shared>> -> memref<10112x128xf32, #tpu.memory_space<vmem_shared>>
      tpu.enqueue_indirect_dma source(%arg14 : memref<128x128xf32, #tpu.memory_space<vmem>>) target(%dma_start3A_185 : memref<10112x128xf32, #tpu.memory_space<vmem_shared>>) offsets(%arg11 : memref<128xi32, #tpu.memory_space<vmem>>) semaphore(%arg23 : memref<!tpu.dma_semaphore, #tpu.memory_space<semaphore_mem>>) {add = true}
      %dma_wait3A_186 = arith.constant 0 : i32
      %dma_wait3A_187 = arith.constant 0 : i32
      %dma_wait3A_188 = tpu.memref_slice %arg6[%dma_wait3A_186, %dma_wait3A_187] : memref<10112x128xf32, #tpu.memory_space<vmem_shared>> -> memref<128x128xf32, #tpu.memory_space<vmem_shared>>
      %dma_wait3A_189 = arith.constant 0 : i32
      %dma_wait3A_190 = arith.constant 0 : i32
      %dma_wait3A_191 = tpu.memref_slice %arg6[%dma_wait3A_189, %dma_wait3A_190] : memref<10112x128xf32, #tpu.memory_space<vmem_shared>> -> memref<128x128xf32, #tpu.memory_space<vmem_shared>>
      tpu.wait_dma2 semaphore(%arg22 : memref<!tpu.dma_semaphore, #tpu.memory_space<semaphore_mem>>) src(%arg13 : memref<128x128xf32, #tpu.memory_space<vmem>>) dst(%dma_wait3A_191 : memref<128x128xf32, #tpu.memory_space<vmem_shared>>)
      %add3A_192 = arith.constant 3 : i32
      %add3A_193 = arith.addi %mul3A_154, %add3A_192 : i32
      %mul3A_194 = arith.constant 128 : i32
      %mul3A_195 = arith.muli %add3A_193, %mul3A_194 : i32
      %add3A_196 = arith.addi %add3A_7, %mul3A_195 : i32
      %dma_start3A_197 = tpu.memref_slice %arg3[%add3A_196] : memref<655360xi32, #tpu.memory_space<hbm>> -> memref<128xi32, #tpu.memory_space<hbm>>
      %dma_start3A_198 = tpu.memref_slice %arg3[%add3A_196] : memref<655360xi32, #tpu.memory_space<hbm>> -> memref<128xi32, #tpu.memory_space<hbm>>
      tpu.enqueue_dma source(%dma_start3A_198 : memref<128xi32, #tpu.memory_space<hbm>>) target(%arg7 : memref<128xi32, #tpu.memory_space<vmem>>) target_semaphore(%arg16 : memref<!tpu.dma_semaphore, #tpu.memory_space<semaphore_mem>>)
      %mul3A_199 = arith.constant 128 : i32
      %mul3A_200 = arith.muli %add3A_193, %mul3A_199 : i32
      %add3A_201 = arith.addi %mul3A_4, %mul3A_200 : i32
      %dma_start3A_202 = tpu.memref_slice %arg4[%add3A_201] : memref<327680xi32, #tpu.memory_space<hbm>> -> memref<128xi32, #tpu.memory_space<hbm>>
      %dma_start3A_203 = tpu.memref_slice %arg4[%add3A_201] : memref<327680xi32, #tpu.memory_space<hbm>> -> memref<128xi32, #tpu.memory_space<hbm>>
      tpu.enqueue_dma source(%dma_start3A_203 : memref<128xi32, #tpu.memory_space<hbm>>) target(%arg10 : memref<128xi32, #tpu.memory_space<vmem>>) target_semaphore(%arg16 : memref<!tpu.dma_semaphore, #tpu.memory_space<semaphore_mem>>)
      %dma_wait3A_204 = arith.constant 0 : i32
      %dma_wait3A_205 = arith.constant 0 : i32
      %dma_wait3A_206 = tpu.memref_slice %arg2[%dma_wait3A_204, %dma_wait3A_205] : memref<20480x128xf32, #tpu.memory_space<hbm>> -> memref<128x128xf32, #tpu.memory_space<hbm>>
      %dma_wait3A_207 = arith.constant 0 : i32
      %dma_wait3A_208 = arith.constant 0 : i32
      %dma_wait3A_209 = tpu.memref_slice %arg2[%dma_wait3A_207, %dma_wait3A_208] : memref<20480x128xf32, #tpu.memory_space<hbm>> -> memref<128x128xf32, #tpu.memory_space<hbm>>
      tpu.wait_dma2 semaphore(%arg21 : memref<!tpu.dma_semaphore, #tpu.memory_space<semaphore_mem>>) src(%dma_wait3A_209 : memref<128x128xf32, #tpu.memory_space<hbm>>) dst(%arg15 : memref<128x128xf32, #tpu.memory_space<vmem>>)
      %dma_start3A_210 = arith.constant 0 : i32
      %dma_start3A_211 = arith.constant 0 : i32
      %dma_start3A_212 = tpu.memref_slice %arg6[%dma_start3A_210, %dma_start3A_211] : memref<10112x128xf32, #tpu.memory_space<vmem_shared>> -> memref<10112x128xf32, #tpu.memory_space<vmem_shared>>
      tpu.enqueue_indirect_dma source(%arg15 : memref<128x128xf32, #tpu.memory_space<vmem>>) target(%dma_start3A_212 : memref<10112x128xf32, #tpu.memory_space<vmem_shared>>) offsets(%arg12 : memref<128xi32, #tpu.memory_space<vmem>>) semaphore(%arg24 : memref<!tpu.dma_semaphore, #tpu.memory_space<semaphore_mem>>) {add = true}
      %dma_wait3A_213 = arith.constant 0 : i32
      %dma_wait3A_214 = arith.constant 0 : i32
      %dma_wait3A_215 = tpu.memref_slice %arg6[%dma_wait3A_213, %dma_wait3A_214] : memref<10112x128xf32, #tpu.memory_space<vmem_shared>> -> memref<128x128xf32, #tpu.memory_space<vmem_shared>>
      %dma_wait3A_216 = arith.constant 0 : i32
      %dma_wait3A_217 = arith.constant 0 : i32
      %dma_wait3A_218 = tpu.memref_slice %arg6[%dma_wait3A_216, %dma_wait3A_217] : memref<10112x128xf32, #tpu.memory_space<vmem_shared>> -> memref<128x128xf32, #tpu.memory_space<vmem_shared>>
      tpu.wait_dma2 semaphore(%arg23 : memref<!tpu.dma_semaphore, #tpu.memory_space<semaphore_mem>>) src(%arg14 : memref<128x128xf32, #tpu.memory_space<vmem>>) dst(%dma_wait3A_218 : memref<128x128xf32, #tpu.memory_space<vmem_shared>>)
      %add3A_219 = arith.constant 4 : i32
      %add3A_220 = arith.addi %mul3A_154, %add3A_219 : i32
      %mul3A_221 = arith.constant 128 : i32
      %mul3A_222 = arith.muli %add3A_220, %mul3A_221 : i32
      %add3A_223 = arith.addi %add3A_7, %mul3A_222 : i32
      %dma_start3A_224 = tpu.memref_slice %arg3[%add3A_223] : memref<655360xi32, #tpu.memory_space<hbm>> -> memref<128xi32, #tpu.memory_space<hbm>>
      %dma_start3A_225 = tpu.memref_slice %arg3[%add3A_223] : memref<655360xi32, #tpu.memory_space<hbm>> -> memref<128xi32, #tpu.memory_space<hbm>>
      tpu.enqueue_dma source(%dma_start3A_225 : memref<128xi32, #tpu.memory_space<hbm>>) target(%arg8 : memref<128xi32, #tpu.memory_space<vmem>>) target_semaphore(%arg17 : memref<!tpu.dma_semaphore, #tpu.memory_space<semaphore_mem>>)
      %mul3A_226 = arith.constant 128 : i32
      %mul3A_227 = arith.muli %add3A_220, %mul3A_226 : i32
      %add3A_228 = arith.addi %mul3A_4, %mul3A_227 : i32
      %dma_start3A_229 = tpu.memref_slice %arg4[%add3A_228] : memref<327680xi32, #tpu.memory_space<hbm>> -> memref<128xi32, #tpu.memory_space<hbm>>
      %dma_start3A_230 = tpu.memref_slice %arg4[%add3A_228] : memref<327680xi32, #tpu.memory_space<hbm>> -> memref<128xi32, #tpu.memory_space<hbm>>
      tpu.enqueue_dma source(%dma_start3A_230 : memref<128xi32, #tpu.memory_space<hbm>>) target(%arg11 : memref<128xi32, #tpu.memory_space<vmem>>) target_semaphore(%arg17 : memref<!tpu.dma_semaphore, #tpu.memory_space<semaphore_mem>>)
      %dma_wait3A_231 = arith.constant 0 : i32
      %dma_wait3A_232 = arith.constant 0 : i32
      %dma_wait3A_233 = tpu.memref_slice %arg6[%dma_wait3A_231, %dma_wait3A_232] : memref<10112x128xf32, #tpu.memory_space<vmem_shared>> -> memref<128x128xf32, #tpu.memory_space<vmem_shared>>
      %dma_wait3A_234 = arith.constant 0 : i32
      %dma_wait3A_235 = arith.constant 0 : i32
      %dma_wait3A_236 = tpu.memref_slice %arg6[%dma_wait3A_234, %dma_wait3A_235] : memref<10112x128xf32, #tpu.memory_space<vmem_shared>> -> memref<128x128xf32, #tpu.memory_space<vmem_shared>>
      tpu.wait_dma2 semaphore(%arg24 : memref<!tpu.dma_semaphore, #tpu.memory_space<semaphore_mem>>) src(%arg15 : memref<128x128xf32, #tpu.memory_space<vmem>>) dst(%dma_wait3A_236 : memref<128x128xf32, #tpu.memory_space<vmem_shared>>)
      %add3A_237 = arith.constant 5 : i32
      %add3A_238 = arith.addi %mul3A_154, %add3A_237 : i32
      %mul3A_239 = arith.constant 128 : i32
      %mul3A_240 = arith.muli %add3A_238, %mul3A_239 : i32
      %add3A_241 = arith.addi %add3A_7, %mul3A_240 : i32
      %dma_start3A_242 = tpu.memref_slice %arg3[%add3A_241] : memref<655360xi32, #tpu.memory_space<hbm>> -> memref<128xi32, #tpu.memory_space<hbm>>
      %dma_start3A_243 = tpu.memref_slice %arg3[%add3A_241] : memref<655360xi32, #tpu.memory_space<hbm>> -> memref<128xi32, #tpu.memory_space<hbm>>
      tpu.enqueue_dma source(%dma_start3A_243 : memref<128xi32, #tpu.memory_space<hbm>>) target(%arg9 : memref<128xi32, #tpu.memory_space<vmem>>) target_semaphore(%arg18 : memref<!tpu.dma_semaphore, #tpu.memory_space<semaphore_mem>>)
      %mul3A_244 = arith.constant 128 : i32
      %mul3A_245 = arith.muli %add3A_238, %mul3A_244 : i32
      %add3A_246 = arith.addi %mul3A_4, %mul3A_245 : i32
      %dma_start3A_247 = tpu.memref_slice %arg4[%add3A_246] : memref<327680xi32, #tpu.memory_space<hbm>> -> memref<128xi32, #tpu.memory_space<hbm>>
      %dma_start3A_248 = tpu.memref_slice %arg4[%add3A_246] : memref<327680xi32, #tpu.memory_space<hbm>> -> memref<128xi32, #tpu.memory_space<hbm>>
      tpu.enqueue_dma source(%dma_start3A_248 : memref<128xi32, #tpu.memory_space<hbm>>) target(%arg12 : memref<128xi32, #tpu.memory_space<vmem>>) target_semaphore(%arg18 : memref<!tpu.dma_semaphore, #tpu.memory_space<semaphore_mem>>)
      %dma_wait3A_249 = arith.constant 0 : i32
      %dma_wait3A_250 = tpu.memref_slice %arg3[%dma_wait3A_249] : memref<655360xi32, #tpu.memory_space<hbm>> -> memref<128xi32, #tpu.memory_space<hbm>>
      %dma_wait3A_251 = arith.constant 0 : i32
      %dma_wait3A_252 = tpu.memref_slice %arg3[%dma_wait3A_251] : memref<655360xi32, #tpu.memory_space<hbm>> -> memref<128xi32, #tpu.memory_space<hbm>>
      tpu.wait_dma2 semaphore(%arg16 : memref<!tpu.dma_semaphore, #tpu.memory_space<semaphore_mem>>) src(%dma_wait3A_252 : memref<128xi32, #tpu.memory_space<hbm>>) dst(%arg7 : memref<128xi32, #tpu.memory_space<vmem>>)
      %dma_wait3A_253 = arith.constant 0 : i32
      %dma_wait3A_254 = tpu.memref_slice %arg4[%dma_wait3A_253] : memref<327680xi32, #tpu.memory_space<hbm>> -> memref<128xi32, #tpu.memory_space<hbm>>
      %dma_wait3A_255 = arith.constant 0 : i32
      %dma_wait3A_256 = tpu.memref_slice %arg4[%dma_wait3A_255] : memref<327680xi32, #tpu.memory_space<hbm>> -> memref<128xi32, #tpu.memory_space<hbm>>
      tpu.wait_dma2 semaphore(%arg16 : memref<!tpu.dma_semaphore, #tpu.memory_space<semaphore_mem>>) src(%dma_wait3A_256 : memref<128xi32, #tpu.memory_space<hbm>>) dst(%arg10 : memref<128xi32, #tpu.memory_space<vmem>>)
      %add3A_257 = arith.constant 3 : i32
      %add3A_258 = arith.addi %mul3A_154, %add3A_257 : i32
      %dma_start3A_259 = arith.constant 0 : i32
      %dma_start3A_260 = arith.constant 0 : i32
      %dma_start3A_261 = tpu.memref_slice %arg2[%dma_start3A_259, %dma_start3A_260] : memref<20480x128xf32, #tpu.memory_space<hbm>> -> memref<20480x128xf32, #tpu.memory_space<hbm>>
      tpu.enqueue_indirect_dma source(%dma_start3A_261 : memref<20480x128xf32, #tpu.memory_space<hbm>>) target(%arg13 : memref<128x128xf32, #tpu.memory_space<vmem>>) offsets(%arg7 : memref<128xi32, #tpu.memory_space<vmem>>) semaphore(%arg19 : memref<!tpu.dma_semaphore, #tpu.memory_space<semaphore_mem>>)
      %dma_wait3A_262 = arith.constant 0 : i32
      %dma_wait3A_263 = tpu.memref_slice %arg3[%dma_wait3A_262] : memref<655360xi32, #tpu.memory_space<hbm>> -> memref<128xi32, #tpu.memory_space<hbm>>
      %dma_wait3A_264 = arith.constant 0 : i32
      %dma_wait3A_265 = tpu.memref_slice %arg3[%dma_wait3A_264] : memref<655360xi32, #tpu.memory_space<hbm>> -> memref<128xi32, #tpu.memory_space<hbm>>
      tpu.wait_dma2 semaphore(%arg17 : memref<!tpu.dma_semaphore, #tpu.memory_space<semaphore_mem>>) src(%dma_wait3A_265 : memref<128xi32, #tpu.memory_space<hbm>>) dst(%arg8 : memref<128xi32, #tpu.memory_space<vmem>>)
      %dma_wait3A_266 = arith.constant 0 : i32
      %dma_wait3A_267 = tpu.memref_slice %arg4[%dma_wait3A_266] : memref<327680xi32, #tpu.memory_space<hbm>> -> memref<128xi32, #tpu.memory_space<hbm>>
      %dma_wait3A_268 = arith.constant 0 : i32
      %dma_wait3A_269 = tpu.memref_slice %arg4[%dma_wait3A_268] : memref<327680xi32, #tpu.memory_space<hbm>> -> memref<128xi32, #tpu.memory_space<hbm>>
      tpu.wait_dma2 semaphore(%arg17 : memref<!tpu.dma_semaphore, #tpu.memory_space<semaphore_mem>>) src(%dma_wait3A_269 : memref<128xi32, #tpu.memory_space<hbm>>) dst(%arg11 : memref<128xi32, #tpu.memory_space<vmem>>)
      %add3A_270 = arith.constant 4 : i32
      %add3A_271 = arith.addi %mul3A_154, %add3A_270 : i32
      %dma_start3A_272 = arith.constant 0 : i32
      %dma_start3A_273 = arith.constant 0 : i32
      %dma_start3A_274 = tpu.memref_slice %arg2[%dma_start3A_272, %dma_start3A_273] : memref<20480x128xf32, #tpu.memory_space<hbm>> -> memref<20480x128xf32, #tpu.memory_space<hbm>>
      tpu.enqueue_indirect_dma source(%dma_start3A_274 : memref<20480x128xf32, #tpu.memory_space<hbm>>) target(%arg14 : memref<128x128xf32, #tpu.memory_space<vmem>>) offsets(%arg8 : memref<128xi32, #tpu.memory_space<vmem>>) semaphore(%arg20 : memref<!tpu.dma_semaphore, #tpu.memory_space<semaphore_mem>>)
    }
    %scan3A_55 = arith.constant 52 : i32
    %dma_wait3A_56 = arith.constant 0 : i32
    %dma_wait3A_57 = arith.constant 0 : i32
    %dma_wait3A_58 = tpu.memref_slice %arg2[%dma_wait3A_56, %dma_wait3A_57] : memref<20480x128xf32, #tpu.memory_space<hbm>> -> memref<128x128xf32, #tpu.memory_space<hbm>>
    %dma_wait3A_59 = arith.constant 0 : i32
    %dma_wait3A_60 = arith.constant 0 : i32
    %dma_wait3A_61 = tpu.memref_slice %arg2[%dma_wait3A_59, %dma_wait3A_60] : memref<20480x128xf32, #tpu.memory_space<hbm>> -> memref<128x128xf32, #tpu.memory_space<hbm>>
    tpu.wait_dma2 semaphore(%arg19 : memref<!tpu.dma_semaphore, #tpu.memory_space<semaphore_mem>>) src(%dma_wait3A_61 : memref<128x128xf32, #tpu.memory_space<hbm>>) dst(%arg13 : memref<128x128xf32, #tpu.memory_space<vmem>>)
    %dma_start3A_62 = arith.constant 0 : i32
    %dma_start3A_63 = arith.constant 0 : i32
    %dma_start3A_64 = tpu.memref_slice %arg6[%dma_start3A_62, %dma_start3A_63] : memref<10112x128xf32, #tpu.memory_space<vmem_shared>> -> memref<10112x128xf32, #tpu.memory_space<vmem_shared>>
    tpu.enqueue_indirect_dma source(%arg13 : memref<128x128xf32, #tpu.memory_space<vmem>>) target(%dma_start3A_64 : memref<10112x128xf32, #tpu.memory_space<vmem_shared>>) offsets(%arg10 : memref<128xi32, #tpu.memory_space<vmem>>) semaphore(%arg22 : memref<!tpu.dma_semaphore, #tpu.memory_space<semaphore_mem>>) {add = true}
    %dma_wait3A_65 = arith.constant 0 : i32
    %dma_wait3A_66 = tpu.memref_slice %arg3[%dma_wait3A_65] : memref<655360xi32, #tpu.memory_space<hbm>> -> memref<128xi32, #tpu.memory_space<hbm>>
    %dma_wait3A_67 = arith.constant 0 : i32
    %dma_wait3A_68 = tpu.memref_slice %arg3[%dma_wait3A_67] : memref<655360xi32, #tpu.memory_space<hbm>> -> memref<128xi32, #tpu.memory_space<hbm>>
    tpu.wait_dma2 semaphore(%arg18 : memref<!tpu.dma_semaphore, #tpu.memory_space<semaphore_mem>>) src(%dma_wait3A_68 : memref<128xi32, #tpu.memory_space<hbm>>) dst(%arg9 : memref<128xi32, #tpu.memory_space<vmem>>)
    %dma_wait3A_69 = arith.constant 0 : i32
    %dma_wait3A_70 = tpu.memref_slice %arg4[%dma_wait3A_69] : memref<327680xi32, #tpu.memory_space<hbm>> -> memref<128xi32, #tpu.memory_space<hbm>>
    %dma_wait3A_71 = arith.constant 0 : i32
    %dma_wait3A_72 = tpu.memref_slice %arg4[%dma_wait3A_71] : memref<327680xi32, #tpu.memory_space<hbm>> -> memref<128xi32, #tpu.memory_space<hbm>>
    tpu.wait_dma2 semaphore(%arg18 : memref<!tpu.dma_semaphore, #tpu.memory_space<semaphore_mem>>) src(%dma_wait3A_72 : memref<128xi32, #tpu.memory_space<hbm>>) dst(%arg12 : memref<128xi32, #tpu.memory_space<vmem>>)
    %dma_start3A_73 = arith.constant 0 : i32
    %dma_start3A_74 = arith.constant 0 : i32
    %dma_start3A_75 = tpu.memref_slice %arg2[%dma_start3A_73, %dma_start3A_74] : memref<20480x128xf32, #tpu.memory_space<hbm>> -> memref<20480x128xf32, #tpu.memory_space<hbm>>
    tpu.enqueue_indirect_dma source(%dma_start3A_75 : memref<20480x128xf32, #tpu.memory_space<hbm>>) target(%arg15 : memref<128x128xf32, #tpu.memory_space<vmem>>) offsets(%arg9 : memref<128xi32, #tpu.memory_space<vmem>>) semaphore(%arg21 : memref<!tpu.dma_semaphore, #tpu.memory_space<semaphore_mem>>)
    %dma_wait3A_76 = arith.constant 0 : i32
    %dma_wait3A_77 = arith.constant 0 : i32
    %dma_wait3A_78 = tpu.memref_slice %arg2[%dma_wait3A_76, %dma_wait3A_77] : memref<20480x128xf32, #tpu.memory_space<hbm>> -> memref<128x128xf32, #tpu.memory_space<hbm>>
    %dma_wait3A_79 = arith.constant 0 : i32
    %dma_wait3A_80 = arith.constant 0 : i32
    %dma_wait3A_81 = tpu.memref_slice %arg2[%dma_wait3A_79, %dma_wait3A_80] : memref<20480x128xf32, #tpu.memory_space<hbm>> -> memref<128x128xf32, #tpu.memory_space<hbm>>
    tpu.wait_dma2 semaphore(%arg20 : memref<!tpu.dma_semaphore, #tpu.memory_space<semaphore_mem>>) src(%dma_wait3A_81 : memref<128x128xf32, #tpu.memory_space<hbm>>) dst(%arg14 : memref<128x128xf32, #tpu.memory_space<vmem>>)
    %dma_start3A_82 = arith.constant 0 : i32
    %dma_start3A_83 = arith.constant 0 : i32
    %dma_start3A_84 = tpu.memref_slice %arg6[%dma_start3A_82, %dma_start3A_83] : memref<10112x128xf32, #tpu.memory_space<vmem_shared>> -> memref<10112x128xf32, #tpu.memory_space<vmem_shared>>
    tpu.enqueue_indirect_dma source(%arg14 : memref<128x128xf32, #tpu.memory_space<vmem>>) target(%dma_start3A_84 : memref<10112x128xf32, #tpu.memory_space<vmem_shared>>) offsets(%arg11 : memref<128xi32, #tpu.memory_space<vmem>>) semaphore(%arg23 : memref<!tpu.dma_semaphore, #tpu.memory_space<semaphore_mem>>) {add = true}
    %dma_wait3A_85 = arith.constant 0 : i32
    %dma_wait3A_86 = arith.constant 0 : i32
    %dma_wait3A_87 = tpu.memref_slice %arg6[%dma_wait3A_85, %dma_wait3A_86] : memref<10112x128xf32, #tpu.memory_space<vmem_shared>> -> memref<128x128xf32, #tpu.memory_space<vmem_shared>>
    %dma_wait3A_88 = arith.constant 0 : i32
    %dma_wait3A_89 = arith.constant 0 : i32
    %dma_wait3A_90 = tpu.memref_slice %arg6[%dma_wait3A_88, %dma_wait3A_89] : memref<10112x128xf32, #tpu.memory_space<vmem_shared>> -> memref<128x128xf32, #tpu.memory_space<vmem_shared>>
    tpu.wait_dma2 semaphore(%arg22 : memref<!tpu.dma_semaphore, #tpu.memory_space<semaphore_mem>>) src(%arg13 : memref<128x128xf32, #tpu.memory_space<vmem>>) dst(%dma_wait3A_90 : memref<128x128xf32, #tpu.memory_space<vmem_shared>>)
    %add3A_91 = arith.constant 20352 : i32
    %add3A_92 = arith.addi %add3A_7, %add3A_91 : i32
    %dma_start3A_93 = tpu.memref_slice %arg3[%add3A_92] : memref<655360xi32, #tpu.memory_space<hbm>> -> memref<128xi32, #tpu.memory_space<hbm>>
    %dma_start3A_94 = tpu.memref_slice %arg3[%add3A_92] : memref<655360xi32, #tpu.memory_space<hbm>> -> memref<128xi32, #tpu.memory_space<hbm>>
    tpu.enqueue_dma source(%dma_start3A_94 : memref<128xi32, #tpu.memory_space<hbm>>) target(%arg7 : memref<128xi32, #tpu.memory_space<vmem>>) target_semaphore(%arg16 : memref<!tpu.dma_semaphore, #tpu.memory_space<semaphore_mem>>)
    %add3A_95 = arith.constant 20352 : i32
    %add3A_96 = arith.addi %mul3A_4, %add3A_95 : i32
    %dma_start3A_97 = tpu.memref_slice %arg4[%add3A_96] : memref<327680xi32, #tpu.memory_space<hbm>> -> memref<128xi32, #tpu.memory_space<hbm>>
    %dma_start3A_98 = tpu.memref_slice %arg4[%add3A_96] : memref<327680xi32, #tpu.memory_space<hbm>> -> memref<128xi32, #tpu.memory_space<hbm>>
    tpu.enqueue_dma source(%dma_start3A_98 : memref<128xi32, #tpu.memory_space<hbm>>) target(%arg10 : memref<128xi32, #tpu.memory_space<vmem>>) target_semaphore(%arg16 : memref<!tpu.dma_semaphore, #tpu.memory_space<semaphore_mem>>)
    %dma_wait3A_99 = arith.constant 0 : i32
    %dma_wait3A_100 = arith.constant 0 : i32
    %dma_wait3A_101 = tpu.memref_slice %arg2[%dma_wait3A_99, %dma_wait3A_100] : memref<20480x128xf32, #tpu.memory_space<hbm>> -> memref<128x128xf32, #tpu.memory_space<hbm>>
    %dma_wait3A_102 = arith.constant 0 : i32
    %dma_wait3A_103 = arith.constant 0 : i32
    %dma_wait3A_104 = tpu.memref_slice %arg2[%dma_wait3A_102, %dma_wait3A_103] : memref<20480x128xf32, #tpu.memory_space<hbm>> -> memref<128x128xf32, #tpu.memory_space<hbm>>
    tpu.wait_dma2 semaphore(%arg21 : memref<!tpu.dma_semaphore, #tpu.memory_space<semaphore_mem>>) src(%dma_wait3A_104 : memref<128x128xf32, #tpu.memory_space<hbm>>) dst(%arg15 : memref<128x128xf32, #tpu.memory_space<vmem>>)
    %dma_start3A_105 = arith.constant 0 : i32
    %dma_start3A_106 = arith.constant 0 : i32
    %dma_start3A_107 = tpu.memref_slice %arg6[%dma_start3A_105, %dma_start3A_106] : memref<10112x128xf32, #tpu.memory_space<vmem_shared>> -> memref<10112x128xf32, #tpu.memory_space<vmem_shared>>
    tpu.enqueue_indirect_dma source(%arg15 : memref<128x128xf32, #tpu.memory_space<vmem>>) target(%dma_start3A_107 : memref<10112x128xf32, #tpu.memory_space<vmem_shared>>) offsets(%arg12 : memref<128xi32, #tpu.memory_space<vmem>>) semaphore(%arg24 : memref<!tpu.dma_semaphore, #tpu.memory_space<semaphore_mem>>) {add = true}
    %dma_wait3A_108 = arith.constant 0 : i32
    %dma_wait3A_109 = tpu.memref_slice %arg3[%dma_wait3A_108] : memref<655360xi32, #tpu.memory_space<hbm>> -> memref<128xi32, #tpu.memory_space<hbm>>
    %dma_wait3A_110 = arith.constant 0 : i32
    %dma_wait3A_111 = tpu.memref_slice %arg3[%dma_wait3A_110] : memref<655360xi32, #tpu.memory_space<hbm>> -> memref<128xi32, #tpu.memory_space<hbm>>
    tpu.wait_dma2 semaphore(%arg16 : memref<!tpu.dma_semaphore, #tpu.memory_space<semaphore_mem>>) src(%dma_wait3A_111 : memref<128xi32, #tpu.memory_space<hbm>>) dst(%arg7 : memref<128xi32, #tpu.memory_space<vmem>>)
    %dma_wait3A_112 = arith.constant 0 : i32
    %dma_wait3A_113 = tpu.memref_slice %arg4[%dma_wait3A_112] : memref<327680xi32, #tpu.memory_space<hbm>> -> memref<128xi32, #tpu.memory_space<hbm>>
    %dma_wait3A_114 = arith.constant 0 : i32
    %dma_wait3A_115 = tpu.memref_slice %arg4[%dma_wait3A_114] : memref<327680xi32, #tpu.memory_space<hbm>> -> memref<128xi32, #tpu.memory_space<hbm>>
    tpu.wait_dma2 semaphore(%arg16 : memref<!tpu.dma_semaphore, #tpu.memory_space<semaphore_mem>>) src(%dma_wait3A_115 : memref<128xi32, #tpu.memory_space<hbm>>) dst(%arg10 : memref<128xi32, #tpu.memory_space<vmem>>)
    %dma_start3A_116 = arith.constant 0 : i32
    %dma_start3A_117 = arith.constant 0 : i32
    %dma_start3A_118 = tpu.memref_slice %arg2[%dma_start3A_116, %dma_start3A_117] : memref<20480x128xf32, #tpu.memory_space<hbm>> -> memref<20480x128xf32, #tpu.memory_space<hbm>>
    tpu.enqueue_indirect_dma source(%dma_start3A_118 : memref<20480x128xf32, #tpu.memory_space<hbm>>) target(%arg13 : memref<128x128xf32, #tpu.memory_space<vmem>>) offsets(%arg7 : memref<128xi32, #tpu.memory_space<vmem>>) semaphore(%arg19 : memref<!tpu.dma_semaphore, #tpu.memory_space<semaphore_mem>>)
    %dma_wait3A_119 = arith.constant 0 : i32
    %dma_wait3A_120 = arith.constant 0 : i32
    %dma_wait3A_121 = tpu.memref_slice %arg2[%dma_wait3A_119, %dma_wait3A_120] : memref<20480x128xf32, #tpu.memory_space<hbm>> -> memref<128x128xf32, #tpu.memory_space<hbm>>
    %dma_wait3A_122 = arith.constant 0 : i32
    %dma_wait3A_123 = arith.constant 0 : i32
    %dma_wait3A_124 = tpu.memref_slice %arg2[%dma_wait3A_122, %dma_wait3A_123] : memref<20480x128xf32, #tpu.memory_space<hbm>> -> memref<128x128xf32, #tpu.memory_space<hbm>>
    tpu.wait_dma2 semaphore(%arg19 : memref<!tpu.dma_semaphore, #tpu.memory_space<semaphore_mem>>) src(%dma_wait3A_124 : memref<128x128xf32, #tpu.memory_space<hbm>>) dst(%arg13 : memref<128x128xf32, #tpu.memory_space<vmem>>)
    %dma_start3A_125 = arith.constant 0 : i32
    %dma_start3A_126 = arith.constant 0 : i32
    %dma_start3A_127 = tpu.memref_slice %arg6[%dma_start3A_125, %dma_start3A_126] : memref<10112x128xf32, #tpu.memory_space<vmem_shared>> -> memref<10112x128xf32, #tpu.memory_space<vmem_shared>>
    tpu.enqueue_indirect_dma source(%arg13 : memref<128x128xf32, #tpu.memory_space<vmem>>) target(%dma_start3A_127 : memref<10112x128xf32, #tpu.memory_space<vmem_shared>>) offsets(%arg10 : memref<128xi32, #tpu.memory_space<vmem>>) semaphore(%arg22 : memref<!tpu.dma_semaphore, #tpu.memory_space<semaphore_mem>>) {add = true}
    %dma_wait3A_128 = arith.constant 0 : i32
    %dma_wait3A_129 = arith.constant 0 : i32
    %dma_wait3A_130 = tpu.memref_slice %arg6[%dma_wait3A_128, %dma_wait3A_129] : memref<10112x128xf32, #tpu.memory_space<vmem_shared>> -> memref<128x128xf32, #tpu.memory_space<vmem_shared>>
    %dma_wait3A_131 = arith.constant 0 : i32
    %dma_wait3A_132 = arith.constant 0 : i32
    %dma_wait3A_133 = tpu.memref_slice %arg6[%dma_wait3A_131, %dma_wait3A_132] : memref<10112x128xf32, #tpu.memory_space<vmem_shared>> -> memref<128x128xf32, #tpu.memory_space<vmem_shared>>
    tpu.wait_dma2 semaphore(%arg23 : memref<!tpu.dma_semaphore, #tpu.memory_space<semaphore_mem>>) src(%arg14 : memref<128x128xf32, #tpu.memory_space<vmem>>) dst(%dma_wait3A_133 : memref<128x128xf32, #tpu.memory_space<vmem_shared>>)
    %dma_wait3A_134 = arith.constant 0 : i32
    %dma_wait3A_135 = arith.constant 0 : i32
    %dma_wait3A_136 = tpu.memref_slice %arg6[%dma_wait3A_134, %dma_wait3A_135] : memref<10112x128xf32, #tpu.memory_space<vmem_shared>> -> memref<128x128xf32, #tpu.memory_space<vmem_shared>>
    %dma_wait3A_137 = arith.constant 0 : i32
    %dma_wait3A_138 = arith.constant 0 : i32
    %dma_wait3A_139 = tpu.memref_slice %arg6[%dma_wait3A_137, %dma_wait3A_138] : memref<10112x128xf32, #tpu.memory_space<vmem_shared>> -> memref<128x128xf32, #tpu.memory_space<vmem_shared>>
    tpu.wait_dma2 semaphore(%arg24 : memref<!tpu.dma_semaphore, #tpu.memory_space<semaphore_mem>>) src(%arg15 : memref<128x128xf32, #tpu.memory_space<vmem>>) dst(%dma_wait3A_139 : memref<128x128xf32, #tpu.memory_space<vmem_shared>>)
    %dma_wait3A_140 = arith.constant 0 : i32
    %dma_wait3A_141 = arith.constant 0 : i32
    %dma_wait3A_142 = tpu.memref_slice %arg6[%dma_wait3A_140, %dma_wait3A_141] : memref<10112x128xf32, #tpu.memory_space<vmem_shared>> -> memref<128x128xf32, #tpu.memory_space<vmem_shared>>
    %dma_wait3A_143 = arith.constant 0 : i32
    %dma_wait3A_144 = arith.constant 0 : i32
    %dma_wait3A_145 = tpu.memref_slice %arg6[%dma_wait3A_143, %dma_wait3A_144] : memref<10112x128xf32, #tpu.memory_space<vmem_shared>> -> memref<128x128xf32, #tpu.memory_space<vmem_shared>>
    tpu.wait_dma2 semaphore(%arg22 : memref<!tpu.dma_semaphore, #tpu.memory_space<semaphore_mem>>) src(%arg13 : memref<128x128xf32, #tpu.memory_space<vmem>>) dst(%dma_wait3A_145 : memref<128x128xf32, #tpu.memory_space<vmem_shared>>)
    %barrier3A_146 = arith.constant 0 : index
    tpu.barrier barrier_id(%barrier3A_146)
    %add3A_147 = arith.addi %mul3A_2, %mul3A_0 : i32
    "tpu.region"() ({
      %run_scoped3A = tpu.sem_alloc : memref<!tpu.dma_semaphore, #tpu.memory_space<semaphore_mem>>
      %dma_start3A_148 = arith.constant 0 : i32
      %dma_start3A_149 = tpu.memref_slice %arg5[%add3A_147, %dma_start3A_148] : memref<20480x128xf32, #tpu.memory_space<hbm>> -> memref<632x128xf32, #tpu.memory_space<hbm>>
      %dma_start3A_150 = arith.constant 0 : i32
      %dma_start3A_151 = tpu.memref_slice %arg6[%mul3A_0, %dma_start3A_150] : memref<10112x128xf32, #tpu.memory_space<vmem_shared>> -> memref<632x128xf32, #tpu.memory_space<vmem_shared>>
      tpu.enqueue_dma source(%dma_start3A_151 : memref<632x128xf32, #tpu.memory_space<vmem_shared>>) target(%dma_start3A_149 : memref<632x128xf32, #tpu.memory_space<hbm>>) target_semaphore(%run_scoped3A : memref<!tpu.dma_semaphore, #tpu.memory_space<semaphore_mem>>)
      %dma_wait3A_152 = arith.constant 0 : i32
      %dma_wait3A_153 = tpu.memref_slice %arg5[%add3A_147, %dma_wait3A_152] : memref<20480x128xf32, #tpu.memory_space<hbm>> -> memref<632x128xf32, #tpu.memory_space<hbm>>
      %dma_wait3A_154 = arith.constant 0 : i32
      %dma_wait3A_155 = tpu.memref_slice %arg6[%mul3A_0, %dma_wait3A_154] : memref<10112x128xf32, #tpu.memory_space<vmem_shared>> -> memref<632x128xf32, #tpu.memory_space<vmem_shared>>
      tpu.wait_dma2 semaphore(%run_scoped3A : memref<!tpu.dma_semaphore, #tpu.memory_space<semaphore_mem>>) src(%dma_wait3A_155 : memref<632x128xf32, #tpu.memory_space<vmem_shared>>) dst(%dma_wait3A_153 : memref<632x128xf32, #tpu.memory_space<hbm>>)
      tpu.yield
    }) : () -> ()
    return
  }
}

module attributes {stable_mosaic.version = 14 : i64} {
  func.func @_dinv_body(%arg0: memref<20480x128xf32, #tpu.memory_space<vmem>>, %arg1: memref<10240x1xf32, #tpu.memory_space<vmem>>) attributes {dimension_semantics = [], scalar_prefetch = 0 : i64, scratch_operands = 0 : i64, tpu.core_type = #tpu.core_type<tc>} {
    %get3A = arith.constant 0 : index
    %get3A_0 = arith.constant 0 : index
    %get3A_1 = vector.load %arg0[%get3A, %get3A_0] : memref<20480x128xf32, #tpu.memory_space<vmem>>, vector<10240x1xf32>
    %get3A_2 = arith.constant 10240 : index
    %get3A_3 = arith.constant 0 : index
    %get3A_4 = vector.load %arg0[%get3A_2, %get3A_3] : memref<20480x128xf32, #tpu.memory_space<vmem>>, vector<10240x1xf32>
    %add3A = arith.addf %get3A_1, %get3A_4 : vector<10240x1xf32>
    %add3A_5 = arith.constant 1.000000e+00 : f32
    %add3A_6 = vector.broadcast %add3A_5 : f32 to vector<10240x1xf32>
    %add3A_7 = arith.addf %add3A, %add3A_6 : vector<10240x1xf32>
    %iota3A = tpu.iota {dimensions = array<i32: 0>} : vector<10240x1xi32>
    %lt3A = arith.constant 10000 : i32
    %lt3A_8 = vector.broadcast %lt3A : i32 to vector<10240x1xi32>
    %lt3A_9 = arith.cmpi slt, %iota3A, %lt3A_8 : vector<10240x1xi32>
    %rsqrt3A = math.rsqrt %add3A_7 : vector<10240x1xf32>
    %jit3A = arith.constant 0.000000e+00 : f32
    %broadcast_in_dim3A = vector.broadcast %jit3A : f32 to vector<10240x1xf32>
    %select_n3A = arith.select %lt3A_9, %rsqrt3A, %broadcast_in_dim3A : vector<10240x1xi1>, vector<10240x1xf32>
    %swap3A = arith.constant 0 : index
    %swap3A_10 = arith.constant 0 : index
    %swap3A_11 = vector.load %arg1[%swap3A, %swap3A_10] : memref<10240x1xf32, #tpu.memory_space<vmem>>, vector<10240x1xf32>
    tpu.vector_store %arg1[%swap3A, %swap3A_10], %select_n3A {strides = array<i32>} : memref<10240x1xf32, #tpu.memory_space<vmem>>, vector<10240x1xf32>,
    return
  }
}

module attributes {stable_mosaic.version = 14 : i64} {
  func.func @_mm1_body(%arg0: i32, %arg1: memref<512x256xf32, #tpu.memory_space<vmem>>, %arg2: memref<256x128xf32, #tpu.memory_space<vmem>>, %arg3: memref<512x1xf32, #tpu.memory_space<vmem>>, %arg4: memref<512x128xf32, #tpu.memory_space<vmem>>) attributes {dimension_semantics = [#tpu.dimension_semantics<arbitrary>], iteration_bounds = array<i64: 40>, scalar_prefetch = 0 : i64, scratch_operands = 0 : i64, tpu.core_type = #tpu.core_type<tc>, window_params = [{transform_indices = @transform_0, window_bounds = array<i64: 512, 256>}, {transform_indices = @transform_1, window_bounds = array<i64: 256, 128>}, {transform_indices = @transform_2, window_bounds = array<i64: 512, 1>}, {transform_indices = @transform_3, window_bounds = array<i64: 512, 128>}]} {
    %get3A = arith.constant 0 : index
    %get3A_0 = arith.constant 0 : index
    %get3A_1 = vector.load %arg1[%get3A, %get3A_0] : memref<512x256xf32, #tpu.memory_space<vmem>>, vector<512x256xf32>
    %get3A_2 = arith.constant 0 : index
    %get3A_3 = arith.constant 0 : index
    %get3A_4 = vector.load %arg2[%get3A_2, %get3A_3] : memref<256x128xf32, #tpu.memory_space<vmem>>, vector<256x128xf32>
    %dot_general3A = arith.constant dense<0.000000e+00> : vector<512x128xf32>
    %dot_general3A_5 = tpu.matmul %get3A_1, %get3A_4, %dot_general3A {dimension_numbers = #tpu.dot_dimension_numbers<[1], [0], [0], [1], [0, 0, 1, 1], [], []>, transpose_lhs_hint = false} : vector<512x256xf32>, vector<256x128xf32>, vector<512x128xf32> -> vector<512x128xf32>
    %get3A_6 = arith.constant 0 : index
    %get3A_7 = arith.constant 0 : index
    %get3A_8 = vector.load %arg3[%get3A_6, %get3A_7] : memref<512x1xf32, #tpu.memory_space<vmem>>, vector<512x1xf32>
    %mul3A = vector.broadcast %get3A_8 : vector<512x1xf32> to vector<512x128xf32>
    %mul3A_9 = arith.mulf %dot_general3A_5, %mul3A : vector<512x128xf32>
    %swap3A = arith.constant 0 : index
    %swap3A_10 = arith.constant 0 : index
    %swap3A_11 = vector.load %arg4[%swap3A, %swap3A_10] : memref<512x128xf32, #tpu.memory_space<vmem>>, vector<512x128xf32>
    tpu.vector_store %arg4[%swap3A, %swap3A_10], %mul3A_9 {strides = array<i32>} : memref<512x128xf32, #tpu.memory_space<vmem>>, vector<512x128xf32>,
    return
  }
  func.func @transform_0(%arg0: i32) -> (i32, i32) {
    %jit3A = arith.constant 20 : i32
    %eq3A = arith.constant 0 : i32
    %eq3A_0 = arith.cmpi eq, %jit3A, %eq3A : i32
    %jit3A_1 = arith.constant 1 : i32
    %select_n3A = arith.select %eq3A_0, %jit3A_1, %jit3A : i32
    %rem3A = arith.remsi %arg0, %select_n3A : i32
    %ne3A = arith.constant 0 : i32
    %ne3A_2 = arith.cmpi ne, %rem3A, %ne3A : i32
    %lt3A = arith.constant 0 : i32
    %lt3A_3 = arith.cmpi slt, %rem3A, %lt3A : i32
    %lt3A_4 = arith.constant 0 : i32
    %lt3A_5 = arith.cmpi slt, %select_n3A, %lt3A_4 : i32
    %ne3A_6 = arith.xori %lt3A_3, %lt3A_5 : i1
    %and3A = arith.andi %ne3A_6, %ne3A_2 : i1
    %add3A = arith.addi %rem3A, %select_n3A : i32
    %select_n3A_7 = arith.select %and3A, %add3A, %rem3A : i32
    %c0_i32 = arith.constant 0 : i32
    %c0_i32_8 = arith.constant 0 : i32
    return %select_n3A_7, %c0_i32 : i32, i32
  }
  func.func @transform_1(%arg0: i32) -> (i32, i32) {
    %jit3A = arith.constant 20 : i32
    %div3A = arith.divsi %arg0, %jit3A : i32
    %sign3A = arith.constant 0 : i32
    %sign3A_0 = arith.cmpi sgt, %arg0, %sign3A : i32
    %sign3A_1 = arith.extui %sign3A_0 : i1 to i32
    %sign3A_2 = arith.constant 0 : i32
    %sign3A_3 = arith.cmpi slt, %arg0, %sign3A_2 : i32
    %sign3A_4 = arith.extui %sign3A_3 : i1 to i32
    %sign3A_5 = arith.subi %sign3A_1, %sign3A_4 : i32
    %sign3A_6 = arith.constant 0 : i32
    %sign3A_7 = arith.cmpi sgt, %jit3A, %sign3A_6 : i32
    %sign3A_8 = arith.extui %sign3A_7 : i1 to i32
    %sign3A_9 = arith.constant 0 : i32
    %sign3A_10 = arith.cmpi slt, %jit3A, %sign3A_9 : i32
    %sign3A_11 = arith.extui %sign3A_10 : i1 to i32
    %sign3A_12 = arith.subi %sign3A_8, %sign3A_11 : i32
    %ne3A = arith.cmpi ne, %sign3A_5, %sign3A_12 : i32
    %rem3A = arith.remsi %arg0, %jit3A : i32
    %ne3A_13 = arith.constant 0 : i32
    %ne3A_14 = arith.cmpi ne, %rem3A, %ne3A_13 : i32
    %and3A = arith.andi %ne3A, %ne3A_14 : i1
    %sub3A = arith.constant 1 : i32
    %sub3A_15 = arith.subi %div3A, %sub3A : i32
    %select_n3A = arith.select %and3A, %sub3A_15, %div3A : i32
    %c0_i32 = arith.constant 0 : i32
    %c0_i32_16 = arith.constant 0 : i32
    return %c0_i32, %select_n3A : i32, i32
  }
  func.func @transform_2(%arg0: i32) -> (i32, i32) {
    %jit3A = arith.constant 20 : i32
    %eq3A = arith.constant 0 : i32
    %eq3A_0 = arith.cmpi eq, %jit3A, %eq3A : i32
    %jit3A_1 = arith.constant 1 : i32
    %select_n3A = arith.select %eq3A_0, %jit3A_1, %jit3A : i32
    %rem3A = arith.remsi %arg0, %select_n3A : i32
    %ne3A = arith.constant 0 : i32
    %ne3A_2 = arith.cmpi ne, %rem3A, %ne3A : i32
    %lt3A = arith.constant 0 : i32
    %lt3A_3 = arith.cmpi slt, %rem3A, %lt3A : i32
    %lt3A_4 = arith.constant 0 : i32
    %lt3A_5 = arith.cmpi slt, %select_n3A, %lt3A_4 : i32
    %ne3A_6 = arith.xori %lt3A_3, %lt3A_5 : i1
    %and3A = arith.andi %ne3A_6, %ne3A_2 : i1
    %add3A = arith.addi %rem3A, %select_n3A : i32
    %select_n3A_7 = arith.select %and3A, %add3A, %rem3A : i32
    %c0_i32 = arith.constant 0 : i32
    %c0_i32_8 = arith.constant 0 : i32
    return %select_n3A_7, %c0_i32 : i32, i32
  }
  func.func @transform_3(%arg0: i32) -> (i32, i32) {
    %c0_i32 = arith.constant 0 : i32
    %c0_i32_0 = arith.constant 0 : i32
    return %arg0, %c0_i32 : i32, i32
  }
}

module attributes {stable_mosaic.version = 14 : i64} {
  func.func @_mid_body(%arg0: i32, %arg1: memref<512x128xf32, #tpu.memory_space<vmem>>, %arg2: memref<512x128xf32, #tpu.memory_space<vmem>>, %arg3: memref<512x1xf32, #tpu.memory_space<vmem>>, %arg4: memref<1x256xf32, #tpu.memory_space<vmem>>, %arg5: memref<256x128xf32, #tpu.memory_space<vmem>>, %arg6: memref<512x128xf32, #tpu.memory_space<vmem>>) attributes {dimension_semantics = [#tpu.dimension_semantics<arbitrary>], iteration_bounds = array<i64: 40>, scalar_prefetch = 0 : i64, scratch_operands = 0 : i64, tpu.core_type = #tpu.core_type<tc>, window_params = [{transform_indices = @transform_0, window_bounds = array<i64: 512, 128>}, {transform_indices = @transform_1, window_bounds = array<i64: 512, 128>}, {transform_indices = @transform_2, window_bounds = array<i64: 512, 1>}, {pipeline_mode = #tpu.pipeline_mode<synchronous>, transform_indices = @transform_3, window_bounds = array<i64: 1, 256>}, {transform_indices = @transform_4, window_bounds = array<i64: 256, 128>}, {transform_indices = @transform_5, window_bounds = array<i64: 512, 128>}]} {
    %get3A = arith.constant 0 : index
    %get3A_0 = arith.constant 0 : index
    %get3A_1 = vector.load %arg1[%get3A, %get3A_0] : memref<512x128xf32, #tpu.memory_space<vmem>>, vector<512x128xf32>
    %get3A_2 = arith.constant 0 : index
    %get3A_3 = arith.constant 0 : index
    %get3A_4 = vector.load %arg2[%get3A_2, %get3A_3] : memref<512x128xf32, #tpu.memory_space<vmem>>, vector<512x128xf32>
    %concatenate3A = tpu.concatenate %get3A_1, %get3A_4 in 1 : vector<512x128xf32>, vector<512x128xf32> -> vector<512x256xf32>
    %get3A_5 = arith.constant 0 : index
    %get3A_6 = arith.constant 0 : index
    %get3A_7 = vector.load %arg3[%get3A_5, %get3A_6] : memref<512x1xf32, #tpu.memory_space<vmem>>, vector<512x1xf32>
    %mul3A = vector.broadcast %get3A_7 : vector<512x1xf32> to vector<512x256xf32>
    %mul3A_8 = arith.mulf %concatenate3A, %mul3A : vector<512x256xf32>
    %get3A_9 = arith.constant 0 : index
    %get3A_10 = arith.constant 0 : index
    %get3A_11 = vector.load %arg4[%get3A_9, %get3A_10] : memref<1x256xf32, #tpu.memory_space<vmem>>, vector<1x256xf32>
    %add3A = vector.broadcast %get3A_11 : vector<1x256xf32> to vector<512x256xf32>
    %add3A_12 = arith.addf %mul3A_8, %add3A : vector<512x256xf32>
    %max3A = arith.constant 0.000000e+00 : f32
    %max3A_13 = vector.broadcast %max3A : f32 to vector<512x256xf32>
    %max3A_14 = arith.maximumf %add3A_12, %max3A_13 : vector<512x256xf32>
    %get3A_15 = arith.constant 0 : index
    %get3A_16 = arith.constant 0 : index
    %get3A_17 = vector.load %arg5[%get3A_15, %get3A_16] : memref<256x128xf32, #tpu.memory_space<vmem>>, vector<256x128xf32>
    %dot_general3A = arith.constant dense<0.000000e+00> : vector<512x128xf32>
    %dot_general3A_18 = tpu.matmul %max3A_14, %get3A_17, %dot_general3A {dimension_numbers = #tpu.dot_dimension_numbers<[1], [0], [0], [1], [0, 0, 1, 1], [], []>, transpose_lhs_hint = false} : vector<512x256xf32>, vector<256x128xf32>, vector<512x128xf32> -> vector<512x128xf32>
    %get3A_19 = arith.constant 0 : index
    %get3A_20 = arith.constant 0 : index
    %get3A_21 = vector.load %arg3[%get3A_19, %get3A_20] : memref<512x1xf32, #tpu.memory_space<vmem>>, vector<512x1xf32>
    %mul3A_22 = vector.broadcast %get3A_21 : vector<512x1xf32> to vector<512x128xf32>
    %mul3A_23 = arith.mulf %dot_general3A_18, %mul3A_22 : vector<512x128xf32>
    %swap3A = arith.constant 0 : index
    %swap3A_24 = arith.constant 0 : index
    %swap3A_25 = vector.load %arg6[%swap3A, %swap3A_24] : memref<512x128xf32, #tpu.memory_space<vmem>>, vector<512x128xf32>
    tpu.vector_store %arg6[%swap3A, %swap3A_24], %mul3A_23 {strides = array<i32>} : memref<512x128xf32, #tpu.memory_space<vmem>>, vector<512x128xf32>,
    return
  }
  func.func @transform_0(%arg0: i32) -> (i32, i32) {
    %jit3A = arith.constant 20 : i32
    %eq3A = arith.constant 0 : i32
    %eq3A_0 = arith.cmpi eq, %jit3A, %eq3A : i32
    %jit3A_1 = arith.constant 1 : i32
    %select_n3A = arith.select %eq3A_0, %jit3A_1, %jit3A : i32
    %rem3A = arith.remsi %arg0, %select_n3A : i32
    %ne3A = arith.constant 0 : i32
    %ne3A_2 = arith.cmpi ne, %rem3A, %ne3A : i32
    %lt3A = arith.constant 0 : i32
    %lt3A_3 = arith.cmpi slt, %rem3A, %lt3A : i32
    %lt3A_4 = arith.constant 0 : i32
    %lt3A_5 = arith.cmpi slt, %select_n3A, %lt3A_4 : i32
    %ne3A_6 = arith.xori %lt3A_3, %lt3A_5 : i1
    %and3A = arith.andi %ne3A_6, %ne3A_2 : i1
    %add3A = arith.addi %rem3A, %select_n3A : i32
    %select_n3A_7 = arith.select %and3A, %add3A, %rem3A : i32
    %c0_i32 = arith.constant 0 : i32
    %c0_i32_8 = arith.constant 0 : i32
    return %select_n3A_7, %c0_i32 : i32, i32
  }
  func.func @transform_1(%arg0: i32) -> (i32, i32) {
    %jit3A = arith.constant 20 : i32
    %eq3A = arith.constant 0 : i32
    %eq3A_0 = arith.cmpi eq, %jit3A, %eq3A : i32
    %jit3A_1 = arith.constant 1 : i32
    %select_n3A = arith.select %eq3A_0, %jit3A_1, %jit3A : i32
    %rem3A = arith.remsi %arg0, %select_n3A : i32
    %ne3A = arith.constant 0 : i32
    %ne3A_2 = arith.cmpi ne, %rem3A, %ne3A : i32
    %lt3A = arith.constant 0 : i32
    %lt3A_3 = arith.cmpi slt, %rem3A, %lt3A : i32
    %lt3A_4 = arith.constant 0 : i32
    %lt3A_5 = arith.cmpi slt, %select_n3A, %lt3A_4 : i32
    %ne3A_6 = arith.xori %lt3A_3, %lt3A_5 : i1
    %and3A = arith.andi %ne3A_6, %ne3A_2 : i1
    %add3A = arith.addi %rem3A, %select_n3A : i32
    %select_n3A_7 = arith.select %and3A, %add3A, %rem3A : i32
    %add3A_8 = arith.constant 20 : i32
    %add3A_9 = arith.addi %add3A_8, %select_n3A_7 : i32
    %c0_i32 = arith.constant 0 : i32
    %c0_i32_10 = arith.constant 0 : i32
    return %add3A_9, %c0_i32 : i32, i32
  }
  func.func @transform_2(%arg0: i32) -> (i32, i32) {
    %jit3A = arith.constant 20 : i32
    %eq3A = arith.constant 0 : i32
    %eq3A_0 = arith.cmpi eq, %jit3A, %eq3A : i32
    %jit3A_1 = arith.constant 1 : i32
    %select_n3A = arith.select %eq3A_0, %jit3A_1, %jit3A : i32
    %rem3A = arith.remsi %arg0, %select_n3A : i32
    %ne3A = arith.constant 0 : i32
    %ne3A_2 = arith.cmpi ne, %rem3A, %ne3A : i32
    %lt3A = arith.constant 0 : i32
    %lt3A_3 = arith.cmpi slt, %rem3A, %lt3A : i32
    %lt3A_4 = arith.constant 0 : i32
    %lt3A_5 = arith.cmpi slt, %select_n3A, %lt3A_4 : i32
    %ne3A_6 = arith.xori %lt3A_3, %lt3A_5 : i1
    %and3A = arith.andi %ne3A_6, %ne3A_2 : i1
    %add3A = arith.addi %rem3A, %select_n3A : i32
    %select_n3A_7 = arith.select %and3A, %add3A, %rem3A : i32
    %c0_i32 = arith.constant 0 : i32
    %c0_i32_8 = arith.constant 0 : i32
    return %select_n3A_7, %c0_i32 : i32, i32
  }
  func.func @transform_3(%arg0: i32) -> (i32, i32) {
    %c0_i32 = arith.constant 0 : i32
    %c0_i32_0 = arith.constant 0 : i32
    %c0_i32_1 = arith.constant 0 : i32
    return %c0_i32, %c0_i32_0 : i32, i32
  }
  func.func @transform_4(%arg0: i32) -> (i32, i32) {
    %jit3A = arith.constant 20 : i32
    %div3A = arith.divsi %arg0, %jit3A : i32
    %sign3A = arith.constant 0 : i32
    %sign3A_0 = arith.cmpi sgt, %arg0, %sign3A : i32
    %sign3A_1 = arith.extui %sign3A_0 : i1 to i32
    %sign3A_2 = arith.constant 0 : i32
    %sign3A_3 = arith.cmpi slt, %arg0, %sign3A_2 : i32
    %sign3A_4 = arith.extui %sign3A_3 : i1 to i32
    %sign3A_5 = arith.subi %sign3A_1, %sign3A_4 : i32
    %sign3A_6 = arith.constant 0 : i32
    %sign3A_7 = arith.cmpi sgt, %jit3A, %sign3A_6 : i32
    %sign3A_8 = arith.extui %sign3A_7 : i1 to i32
    %sign3A_9 = arith.constant 0 : i32
    %sign3A_10 = arith.cmpi slt, %jit3A, %sign3A_9 : i32
    %sign3A_11 = arith.extui %sign3A_10 : i1 to i32
    %sign3A_12 = arith.subi %sign3A_8, %sign3A_11 : i32
    %ne3A = arith.cmpi ne, %sign3A_5, %sign3A_12 : i32
    %rem3A = arith.remsi %arg0, %jit3A : i32
    %ne3A_13 = arith.constant 0 : i32
    %ne3A_14 = arith.cmpi ne, %rem3A, %ne3A_13 : i32
    %and3A = arith.andi %ne3A, %ne3A_14 : i1
    %sub3A = arith.constant 1 : i32
    %sub3A_15 = arith.subi %div3A, %sub3A : i32
    %select_n3A = arith.select %and3A, %sub3A_15, %div3A : i32
    %c0_i32 = arith.constant 0 : i32
    %c0_i32_16 = arith.constant 0 : i32
    return %c0_i32, %select_n3A : i32, i32
  }
  func.func @transform_5(%arg0: i32) -> (i32, i32) {
    %c0_i32 = arith.constant 0 : i32
    %c0_i32_0 = arith.constant 0 : i32
    return %arg0, %c0_i32 : i32, i32
  }
}

module attributes {stable_mosaic.version = 14 : i64} {
  func.func @_head_body(%arg0: i32, %arg1: memref<512x128xf32, #tpu.memory_space<vmem>>, %arg2: memref<512x128xf32, #tpu.memory_space<vmem>>, %arg3: memref<512x1xf32, #tpu.memory_space<vmem>>, %arg4: memref<1x256xf32, #tpu.memory_space<vmem>>, %arg5: memref<256x256xf32, #tpu.memory_space<vmem>>, %arg6: memref<1x256xf32, #tpu.memory_space<vmem>>, %arg7: memref<256x12xf32, #tpu.memory_space<vmem>>, %arg8: memref<1x12xf32, #tpu.memory_space<vmem>>, %arg9: memref<1x12xf32, #tpu.memory_space<vmem>>, %arg10: memref<1x256xf32, #tpu.memory_space<vmem>>) attributes {dimension_semantics = [#tpu.dimension_semantics<arbitrary>], iteration_bounds = array<i64: 20>, scalar_prefetch = 0 : i64, scratch_operands = 1 : i64, tpu.core_type = #tpu.core_type<tc>, window_params = [{transform_indices = @transform_0, window_bounds = array<i64: 512, 128>}, {transform_indices = @transform_1, window_bounds = array<i64: 512, 128>}, {transform_indices = @transform_2, window_bounds = array<i64: 512, 1>}, {pipeline_mode = #tpu.pipeline_mode<synchronous>, transform_indices = @transform_3, window_bounds = array<i64: 1, 256>}, {pipeline_mode = #tpu.pipeline_mode<synchronous>, transform_indices = @transform_4, window_bounds = array<i64: 256, 256>}, {pipeline_mode = #tpu.pipeline_mode<synchronous>, transform_indices = @transform_5, window_bounds = array<i64: 1, 256>}, {pipeline_mode = #tpu.pipeline_mode<synchronous>, transform_indices = @transform_6, window_bounds = array<i64: 256, 12>}, {pipeline_mode = #tpu.pipeline_mode<synchronous>, transform_indices = @transform_7, window_bounds = array<i64: 1, 12>}, {pipeline_mode = #tpu.pipeline_mode<synchronous>, transform_indices = @transform_8, window_bounds = array<i64: 1, 12>}]} {
    %eq3A = arith.constant 0 : i32
    %eq3A_0 = arith.cmpi eq, %arg0, %eq3A : i32
    %convert_element_type3A = arith.extui %eq3A_0 : i1 to i32
    %cond3A = arith.constant 0 : i32
    %cond3A_1 = arith.cmpi ne, %convert_element_type3A, %cond3A : i32
    scf.if %cond3A_1 {
      %broadcast_in_dim3A_38 = arith.constant 0.000000e+00 : f32
      %broadcast_in_dim3A_39 = vector.broadcast %broadcast_in_dim3A_38 : f32 to vector<1x256xf32>
      %swap3A_40 = arith.constant 0 : index
      %swap3A_41 = arith.constant 0 : index
      %swap3A_42 = vector.load %arg10[%swap3A_40, %swap3A_41] : memref<1x256xf32, #tpu.memory_space<vmem>>, vector<1x256xf32>
      tpu.vector_store %arg10[%swap3A_40, %swap3A_41], %broadcast_in_dim3A_39 {strides = array<i32>} : memref<1x256xf32, #tpu.memory_space<vmem>>, vector<1x256xf32>,
    } else {
    }
    %get3A = arith.constant 0 : index
    %get3A_2 = arith.constant 0 : index
    %get3A_3 = vector.load %arg1[%get3A, %get3A_2] : memref<512x128xf32, #tpu.memory_space<vmem>>, vector<512x128xf32>
    %get3A_4 = arith.constant 0 : index
    %get3A_5 = arith.constant 0 : index
    %get3A_6 = vector.load %arg2[%get3A_4, %get3A_5] : memref<512x128xf32, #tpu.memory_space<vmem>>, vector<512x128xf32>
    %concatenate3A = tpu.concatenate %get3A_3, %get3A_6 in 1 : vector<512x128xf32>, vector<512x128xf32> -> vector<512x256xf32>
    %get3A_7 = arith.constant 0 : index
    %get3A_8 = arith.constant 0 : index
    %get3A_9 = vector.load %arg3[%get3A_7, %get3A_8] : memref<512x1xf32, #tpu.memory_space<vmem>>, vector<512x1xf32>
    %mul3A = vector.broadcast %get3A_9 : vector<512x1xf32> to vector<512x256xf32>
    %mul3A_10 = arith.mulf %concatenate3A, %mul3A : vector<512x256xf32>
    %get3A_11 = arith.constant 0 : index
    %get3A_12 = arith.constant 0 : index
    %get3A_13 = vector.load %arg4[%get3A_11, %get3A_12] : memref<1x256xf32, #tpu.memory_space<vmem>>, vector<1x256xf32>
    %add3A = vector.broadcast %get3A_13 : vector<1x256xf32> to vector<512x256xf32>
    %add3A_14 = arith.addf %mul3A_10, %add3A : vector<512x256xf32>
    %max3A = arith.constant 0.000000e+00 : f32
    %max3A_15 = vector.broadcast %max3A : f32 to vector<512x256xf32>
    %max3A_16 = arith.maximumf %add3A_14, %max3A_15 : vector<512x256xf32>
    %mul3A_17 = arith.constant 512 : i32
    %mul3A_18 = arith.muli %arg0, %mul3A_17 : i32
    %iota3A = tpu.iota {dimensions = array<i32: 0>} : vector<512x1xi32>
    %add3A_19 = vector.broadcast %mul3A_18 : i32 to vector<512x1xi32>
    %add3A_20 = arith.addi %add3A_19, %iota3A : vector<512x1xi32>
    %lt3A = arith.constant 10000 : i32
    %lt3A_21 = vector.broadcast %lt3A : i32 to vector<512x1xi32>
    %lt3A_22 = arith.cmpi slt, %add3A_20, %lt3A_21 : vector<512x1xi32>
    %jit3A = arith.constant 0.000000e+00 : f32
    %broadcast_in_dim3A = vector.shape_cast %lt3A_22 : vector<512x1xi1> to vector<512x1xi1>
    %broadcast_in_dim3A_23 = vector.broadcast %broadcast_in_dim3A : vector<512x1xi1> to vector<512x256xi1>
    %broadcast_in_dim3A_24 = vector.broadcast %jit3A : f32 to vector<512x256xf32>
    %select_n3A = arith.select %broadcast_in_dim3A_23, %max3A_16, %broadcast_in_dim3A_24 : vector<512x256xi1>, vector<512x256xf32>
    %get3A_25 = arith.constant 0 : index
    %get3A_26 = arith.constant 0 : index
    %get3A_27 = vector.load %arg10[%get3A_25, %get3A_26] : memref<1x256xf32, #tpu.memory_space<vmem>>, vector<1x256xf32>
    %reduce_sum3A = arith.constant dense<0.000000e+00> : vector<256xf32>
    %reduce_sum3A_28 = vector.multi_reduction <add>, %select_n3A, %reduce_sum3A [0] : vector<512x256xf32> to vector<256xf32>
    %broadcast_in_dim3A_29 = vector.shape_cast %reduce_sum3A_28 : vector<256xf32> to vector<1x256xf32>
    %add3A_30 = arith.addf %get3A_27, %broadcast_in_dim3A_29 : vector<1x256xf32>
    %swap3A = arith.constant 0 : index
    %swap3A_31 = arith.constant 0 : index
    %swap3A_32 = vector.load %arg10[%swap3A, %swap3A_31] : memref<1x256xf32, #tpu.memory_space<vmem>>, vector<1x256xf32>
    tpu.vector_store %arg10[%swap3A, %swap3A_31], %add3A_30 {strides = array<i32>} : memref<1x256xf32, #tpu.memory_space<vmem>>, vector<1x256xf32>,
    %eq3A_33 = arith.constant 19 : i32
    %eq3A_34 = arith.cmpi eq, %arg0, %eq3A_33 : i32
    %convert_element_type3A_35 = arith.extui %eq3A_34 : i1 to i32
    %cond3A_36 = arith.constant 0 : i32
    %cond3A_37 = arith.cmpi ne, %convert_element_type3A_35, %cond3A_36 : i32
    scf.if %cond3A_37 {
      %get3A_38 = arith.constant 0 : index
      %get3A_39 = arith.constant 0 : index
      %get3A_40 = vector.load %arg10[%get3A_38, %get3A_39] : memref<1x256xf32, #tpu.memory_space<vmem>>, vector<1x256xf32>
      %mul3A_41 = arith.constant 9.99999974E-5 : f32
      %mul3A_42 = vector.broadcast %mul3A_41 : f32 to vector<1x256xf32>
      %mul3A_43 = arith.mulf %get3A_40, %mul3A_42 : vector<1x256xf32>
      %get3A_44 = arith.constant 0 : index
      %get3A_45 = arith.constant 0 : index
      %get3A_46 = vector.load %arg5[%get3A_44, %get3A_45] : memref<256x256xf32, #tpu.memory_space<vmem>>, vector<256x256xf32>
      %dot_general3A = arith.constant dense<0.000000e+00> : vector<1x256xf32>
      %dot_general3A_47 = tpu.matmul %mul3A_43, %get3A_46, %dot_general3A {dimension_numbers = #tpu.dot_dimension_numbers<[1], [0], [0], [1], [0, 0, 1, 1], [], []>, transpose_lhs_hint = false} : vector<1x256xf32>, vector<256x256xf32>, vector<1x256xf32> -> vector<1x256xf32>
      %get3A_48 = arith.constant 0 : index
      %get3A_49 = arith.constant 0 : index
      %get3A_50 = vector.load %arg6[%get3A_48, %get3A_49] : memref<1x256xf32, #tpu.memory_space<vmem>>, vector<1x256xf32>
      %add3A_51 = arith.addf %dot_general3A_47, %get3A_50 : vector<1x256xf32>
      %max3A_52 = arith.constant 0.000000e+00 : f32
      %max3A_53 = vector.broadcast %max3A_52 : f32 to vector<1x256xf32>
      %max3A_54 = arith.maximumf %add3A_51, %max3A_53 : vector<1x256xf32>
      %get3A_55 = arith.constant 0 : index
      %get3A_56 = arith.constant 0 : index
      %get3A_57 = vector.load %arg7[%get3A_55, %get3A_56] : memref<256x12xf32, #tpu.memory_space<vmem>>, vector<256x12xf32>
      %dot_general3A_58 = arith.constant dense<0.000000e+00> : vector<1x12xf32>
      %dot_general3A_59 = tpu.matmul %max3A_54, %get3A_57, %dot_general3A_58 {dimension_numbers = #tpu.dot_dimension_numbers<[1], [0], [0], [1], [0, 0, 1, 1], [], []>, transpose_lhs_hint = false} : vector<1x256xf32>, vector<256x12xf32>, vector<1x12xf32> -> vector<1x12xf32>
      %get3A_60 = arith.constant 0 : index
      %get3A_61 = arith.constant 0 : index
      %get3A_62 = vector.load %arg8[%get3A_60, %get3A_61] : memref<1x12xf32, #tpu.memory_space<vmem>>, vector<1x12xf32>
      %add3A_63 = arith.addf %dot_general3A_59, %get3A_62 : vector<1x12xf32>
      %logistic3A = arith.negf %add3A_63 : vector<1x12xf32>
      %logistic3A_64 = math.exp %logistic3A : vector<1x12xf32>
      %logistic3A_65 = arith.constant 1.000000e+00 : f32
      %logistic3A_66 = vector.broadcast %logistic3A_65 : f32 to vector<1x12xf32>
      %logistic3A_67 = arith.addf %logistic3A_66, %logistic3A_64 : vector<1x12xf32>
      %logistic3A_68 = arith.divf %logistic3A_66, %logistic3A_67 : vector<1x12xf32>
      %swap3A_69 = arith.constant 0 : index
      %swap3A_70 = arith.constant 0 : index
      %swap3A_71 = vector.load %arg9[%swap3A_69, %swap3A_70] : memref<1x12xf32, #tpu.memory_space<vmem>>, vector<1x12xf32>
      tpu.vector_store %arg9[%swap3A_69, %swap3A_70], %logistic3A_68 {strides = array<i32>} : memref<1x12xf32, #tpu.memory_space<vmem>>, vector<1x12xf32>,
    } else {
    }
    return
  }
  func.func @transform_0(%arg0: i32) -> (i32, i32) {
    %c0_i32 = arith.constant 0 : i32
    %c0_i32_0 = arith.constant 0 : i32
    return %arg0, %c0_i32 : i32, i32
  }
  func.func @transform_1(%arg0: i32) -> (i32, i32) {
    %add3A = arith.constant 20 : i32
    %add3A_0 = arith.addi %add3A, %arg0 : i32
    %c0_i32 = arith.constant 0 : i32
    %c0_i32_1 = arith.constant 0 : i32
    return %add3A_0, %c0_i32 : i32, i32
  }
  func.func @transform_2(%arg0: i32) -> (i32, i32) {
    %c0_i32 = arith.constant 0 : i32
    %c0_i32_0 = arith.constant 0 : i32
    return %arg0, %c0_i32 : i32, i32
  }
  func.func @transform_3(%arg0: i32) -> (i32, i32) {
    %c0_i32 = arith.constant 0 : i32
    %c0_i32_0 = arith.constant 0 : i32
    %c0_i32_1 = arith.constant 0 : i32
    return %c0_i32, %c0_i32_0 : i32, i32
  }
  func.func @transform_4(%arg0: i32) -> (i32, i32) {
    %c0_i32 = arith.constant 0 : i32
    %c0_i32_0 = arith.constant 0 : i32
    %c0_i32_1 = arith.constant 0 : i32
    return %c0_i32, %c0_i32_0 : i32, i32
  }
  func.func @transform_5(%arg0: i32) -> (i32, i32) {
    %c0_i32 = arith.constant 0 : i32
    %c0_i32_0 = arith.constant 0 : i32
    %c0_i32_1 = arith.constant 0 : i32
    return %c0_i32, %c0_i32_0 : i32, i32
  }
  func.func @transform_6(%arg0: i32) -> (i32, i32) {
    %c0_i32 = arith.constant 0 : i32
    %c0_i32_0 = arith.constant 0 : i32
    %c0_i32_1 = arith.constant 0 : i32
    return %c0_i32, %c0_i32_0 : i32, i32
  }
  func.func @transform_7(%arg0: i32) -> (i32, i32) {
    %c0_i32 = arith.constant 0 : i32
    %c0_i32_0 = arith.constant 0 : i32
    %c0_i32_1 = arith.constant 0 : i32
    return %c0_i32, %c0_i32_0 : i32, i32
  }
  func.func @transform_8(%arg0: i32) -> (i32, i32) {
    %c0_i32 = arith.constant 0 : i32
    %c0_i32_0 = arith.constant 0 : i32
    %c0_i32_1 = arith.constant 0 : i32
    return %c0_i32, %c0_i32_0 : i32, i32
  }
}

</mosaic_0001>

<sc_bundles>
// kernel: kernel.11.cloned.1.call-start
scs
__scs_entry_jumppad:
0x0: {  	(pc) =	sbr.rel $0x88, $3  }
0x1: {  	(tag) =	ssettag $0x0;
	lr =	simm.s32 $0x1  }
0x2: {  	[smem:$0x3F95] =	sst lr;
	_ =	strace $0xD0000000  }
0x3: {  	_ = 	snop  }
0x4: {  	_ = 	snop  }
0x5: {  	_ = 	snop  }
0x6: {  	_ = 	snop  }
0x7: {  	_ = 	snop  }
__scs_overlays_trampoline_lowered:
0x8: {  	[smem:$0x3FA4] =	sst s0  }
0x9: {  	[smem:$0x3FA5] =	sst s1  }
0xa: {  	[smem:$0x3FA6] =	sst s2  }
0xb: {  	[smem:$0x3FA7] =	sst s3  }
0xc: {  	[smem:$0x3FA8] =	sst s4  }
0xd: {  	[smem:$0x3FA9] =	sst s5  }
0xe: {  	[smem:$0x3FAA] =	sst s6  }
0xf: {  	[smem:$0x3FAB] =	sst s7  }
0x10: {  	[smem:$0x3FAC] =	sst s8  }
0x11: {  	[smem:$0x3FAD] =	sst s9;
	s0 =	simm.s32 @!p0 $0x0  }
0x12: {  	s1 =	sld [smem:$0x3F93];
	s0 =	simm.s32 @p0 $0x1  }
0x13: {  	[smem:$0x3FAE] =	sst s0;
	s0 =	simm.s32 @!p1 $0x0  }
0x14: {  	s2 =	sld [smem:$0x3F92];
	s0 =	simm.s32 @p1 $0x1  }
0x15: {  	[smem:$0x3FAF] =	sst s0;
	s0 =	simm.s32 @!p2 $0x0  }
0x16: {  	s3 =	sld [smem:$0x3FDB];
	s0 =	simm.s32 @p2 $0x1  }
0x17: {  	s4 =	simm.s32 $0x1BF5;
	[smem:$0x3FB1] =	sst s0  }
0x18: {  	s0 =	sld [smem:$0x3F94];
	_ =	swait.ge [sflag:s4], $0x0  }
0x19: {  	s7 =	sld [smem:$0x3F95]  }
0x1a: {  	s8 =	sadd.s32 $0xFFFFE003, lr  }
0x1b: {  	s9 =	sadd.s32 $0xFFFFFEF7, lr;
	s5 =	simm.s32 $0xFFFFFFFF;
	p2 =	slt.u32 s8, $0xFFFFF086  }
0x1c: {  	p1 =	slt.u32 s9, $0xF7A;
	s5 =	simm.s32 @!p2 $0x0  }
0x1d: {  	s5 =	simm.s32 @p1 $0x1;
	p0 =	seq.s32 s7, s2  }
0x1e: {  	s7 =	smul.u32 @!p0 $0xF7A, s2;
	p2 =	seq.s32 @!p0 s5, $0x0  }
0x1f: {  	s9 =	smul.u32 $0xF7A, s1;
	s8 =	simm.s32 @!p0 $0x1BF5;
	p2 =	por !p2, p0  }
0x20: {  	[sflag:s8] =	ssyncset.s32 @!p0 $0xFFFFF086;
	s6 =	sadd.s32 @!p0 s3, s7;
	s7 =	simm.s32 @!p0 $0x108  }
0x21: {  	s3 =	sadd.s32 s3, s9;
	s6 =	sadd.s32 @!p0 $0x88, s6;
	s7 =	simm.s32 @p2 $0x1082  }
0x22: {  	[simem:s7], [sflag:s8] =	dma.local @!p0 [hbm:s6], $0xF7A  }
0x23: {  	s9 =	sor.u32 $0xD0000000, s2;
	s6 =	simm.s32 $0x108;
	_ =	swait.ge @!p0 [sflag:s8], $0x0  }
0x24: {  	s3 =	sadd.s32 $0x88, s3;
	s6 =	simm.s32 @!p1 $0x1082;
	[sflag:s4] =	ssyncset.s32 $0xFFFFF086  }
0x25: {  	[simem:s6], [sflag:s4] =	dma.local [hbm:s3], $0xF7A  }
0x26: {  	[smem:$0x3F95] =	sst s1;
	(tag) =	ssettag s2;
	_ =	strace s9  }
0x27: {  	s1 =	sld [smem:$0x3FA5]  }
0x28: {  	s2 =	sld [smem:$0x3FA6]  }
0x29: {  	s4 =	sld [smem:$0x3FA8]  }
0x2a: {  	p0 =	seq.s32 s5, $0x0;
	s5 =	sld [smem:$0x3FA9]  }
0x2b: {  	s6 =	sld [smem:$0x3FAA]  }
0x2c: {  	s7 =	sld [smem:$0x3FAB]  }
0x2d: {  	s3 =	simm.s32 $0x108;
	s8 =	sld [smem:$0x3FAC]  }
0x2e: {  	s3 =	simm.s32 @!p0 $0x1082;
	s9 =	sld [smem:$0x3FAD]  }
0x2f: {  	lr =	sadd.s32 s0, s3;
	s0 =	sld [smem:$0x3FA4]  }
0x30: {  	s3 =	sld [smem:$0x3FA7]  }
0x31: {  	[smem:$0x3FB0] =	sst s10  }
0x32: {  	s10 =	sld [smem:$0x3FAE];
	_ =	sdelay $0x3  }
0x33: {  	p0 =	seq.s32 s10, $0x1;
	s10 =	sld [smem:$0x3FB0];
	_ =	sdelay $0x3  }
0x34: {  	[smem:$0x3FB0] =	sst s10  }
0x35: {  	s10 =	sld [smem:$0x3FAF];
	_ =	sdelay $0x3  }
0x36: {  	p1 =	seq.s32 s10, $0x1;
	s10 =	sld [smem:$0x3FB0];
	_ =	sdelay $0x3  }
0x37: {  	[smem:$0x3FB0] =	sst s10  }
0x38: {  	s10 =	sld [smem:$0x3FB1]  }
0x39: {  	_ = 	snop;
	(pc) =	sbr.ind lr, $3  }
0x3a: {  	_ = 	snop  }
0x3b: {  	_ = 	snop  }
0x3c: {  	p2 =	seq.s32 s10, $0x1;
	s10 =	sld [smem:$0x3FB0]  }
0x3d: {  	_ =	shalt  }
0x3e: {  	_ =	shalt  }
0x3f: {  	_ =	shalt  }
0x40: {  	_ =	shalt  }
0x41: {  	_ =	shalt  }
0x42: {  	_ =	shalt  }
0x43: {  	_ =	shalt  }
0x44: {  	_ =	shalt  }
0x45: {  	_ =	shalt  }
0x46: {  	_ =	shalt  }
0x47: {  	_ =	shalt  }
0x48: {  	_ =	shalt  }
0x49: {  	_ =	shalt  }
0x4a: {  	_ =	shalt  }
0x4b: {  	_ =	shalt  }
0x4c: {  	_ =	shalt  }
0x4d: {  	_ =	shalt  }
0x4e: {  	_ =	shalt  }
0x4f: {  	_ =	shalt  }
0x50: {  	_ =	shalt  }
0x51: {  	_ =	shalt  }
0x52: {  	_ =	shalt  }
0x53: {  	_ =	shalt  }
0x54: {  	_ =	shalt  }
0x55: {  	_ =	shalt  }
0x56: {  	_ =	shalt  }
0x57: {  	_ =	shalt  }
0x58: {  	_ =	shalt  }
0x59: {  	_ =	shalt  }
0x5a: {  	_ =	shalt  }
0x5b: {  	_ =	shalt  }
0x5c: {  	_ =	shalt  }
0x5d: {  	_ =	shalt  }
0x5e: {  	_ =	shalt  }
0x5f: {  	_ =	shalt  }
0x60: {  	_ =	shalt  }
0x61: {  	_ =	shalt  }
0x62: {  	_ =	shalt  }
0x63: {  	_ =	shalt  }
0x64: {  	_ =	shalt  }
0x65: {  	_ =	shalt  }
0x66: {  	_ =	shalt  }
0x67: {  	_ =	shalt  }
0x68: {  	_ =	shalt  }
0x69: {  	_ =	shalt  }
0x6a: {  	_ =	shalt  }
0x6b: {  	_ =	shalt  }
0x6c: {  	_ =	shalt  }
0x6d: {  	_ =	shalt  }
0x6e: {  	_ =	shalt  }
0x6f: {  	_ =	shalt  }
0x70: {  	_ =	shalt  }
0x71: {  	_ =	shalt  }
0x72: {  	_ =	shalt  }
0x73: {  	_ =	shalt  }
0x74: {  	_ =	shalt  }
0x75: {  	_ =	shalt  }
0x76: {  	_ =	shalt  }
0x77: {  	_ =	shalt  }
0x78: {  	_ =	shalt  }
0x79: {  	_ =	shalt  }
0x7a: {  	_ =	shalt  }
0x7b: {  	_ =	shalt  }
0x7c: {  	_ =	shalt  }
0x7d: {  	_ =	shalt  }
0x7e: {  	_ =	shalt  }
0x7f: {  	_ =	shalt  }
0x80: {  	_ =	shalt  }
0x81: {  	_ =	shalt  }
0x82: {  	_ =	shalt  }
0x83: {  	_ =	shalt  }
0x84: {  	_ =	shalt  }
0x85: {  	_ =	shalt  }
0x86: {  	_ =	shalt  }
0x87: {  	_ =	shalt  }
.Lfunc_end0:
.L_simem_size_0:
called_computation_lowered:
.L_overlay_start_0:
0x88: {  	s2 =	sld [smem:$0x3FD9]  }
0x89: {  	s3 =	sld [smem:$0x3FFE];
	_ =	sdelay $0x1  }
0x8a: {  	s1 =	srdreg.scid  }
0x8b: {  	s0 =	sand.u32 $0x1, s1  }
0x8c: {  	s16 =	sshll.u32 s0, $0xA;
	s2 =	sadd.s32 s3, s2  }
0x8d: {  	s2 =	sadd.s32 s2, s16  }
0x8e: {  	[smem:$0x3FBC] =	sst s2  }
0x8f: {  	_ = 	snop  }
0x90: {  	(tm) =	ssettm $0x1  }
0x91: {  	s17 =	sld [smem:$0x3FFB];
	_ =	sdelay $0x3  }
0x92: {  	_ =	strace s17  }
0x93: {  	s2 =	sld [smem:$0x3FFC];
	_ =	sdelay $0x3  }
0x94: {  	_ =	strace s2  }
0x95: {  	s2 =	sld [smem:$0x3FFD];
	_ =	sdelay $0x3  }
0x96: {  	_ =	strace s2  }
0x97: {  	_ =	strace $0x8FFFFFFF  }
0x98: {  	s18 =	sld [smem:$0x3FDB];
	_ =	sdelay $0x1  }
0x99: {  	s19 =	simm.s32 $_scs_section_size  }
0x9a: {  	s4 =	simm.s32 $_size__tile_overlayer_lowered;
	s5 =	simm.s32 $_tile_overlayer_lowered  }
0x9b: {  	s22 =	simm.s32 $0x1BFF;
	s21 =	sshll.u32 s5, $0x1;
	s2 =	sadd.s32 s19, s18  }
0x9c: {  	s6 =	simm.s32 $0x0;
	s20 =	sshll.u32 s4, $0x1;
	s4 =	sadd.s32 s21, s2  }
0x9d: {  	[timem:s6], [sflag:s22] =	dma.local [hbm:s4], s20  }
0x9e: {  	_ =	swait.ge [sflag:s22], s20  }
0x9f: {  	s3 =	ssub.s32 $0x0, s20;
	[sflag:s22] =	ssyncset.done $0x0  }
0xa0: {  	[sflag:s22] =	ssyncadd.s32 s3;
	_ =	sdelay $0x1  }
0xa1: {  	s23 =	simm.s32 $0x1B8B  }
0xa2: {  	_ =	swait.ge [sflag:s23], $0x1  }
0xa3: {  	[sflag:s23] =	ssyncset.done $0x0  }
0xa4: {  	s25 =	simm.s32 $0x1B8E;
	s24 =	sld [smem:$0x3FFE];
	[sflag:s23] =	ssyncadd.s32 $0xFFFFFFFF  }
0xa5: {  	s26 =	simm.s32 $execute0_lowered;
	[smem:$0x3FD2] =	sst s25  }
0xa6: {  	s4 =	sshll.u32 s26, $0x1;
	_ =	strace $0x80000046;
	[dreg:$0x1] =	wrdreg $0xFFFFFFFF  }
0xa7: {  	s28 =	simm.s32 $_size_execute0_lowered;
	s2 =	sadd.s32 s2, s4;
	[dreg:$0x0] =	wrdreg $0x0  }
0xa8: {  	s4 =	sshll.u32 s28, $0x1;
	[dreg:$0x2] =	wrdreg s2  }
0xa9: {  	[dreg:$0x3] =	wrdreg s4  }
0xaa: {  	[dreg:$0x4] =	wrdreg $0xC0  }
0xab: {  	_ =	task [dreg:s6], $0x5FFFF  }
0xac: {  	[dreg:$0x1] =	wrdreg $0xFFFFFFFF  }
0xad: {  	[dreg:$0x0] =	wrdreg $0x60  }
0xae: {  	[dreg:$0x2] =	wrdreg s24  }
0xaf: {  	[dreg:$0x3] =	wrdreg $0x0  }
0xb0: {  	[dreg:$0x4] =	wrdreg $0x9  }
0xb1: {  	_ =	task.clear_ibuf [dreg:s6], $0x5FFFF;
	_ =	strace $0x90000046  }
0xb2: {  	s29 =	simm.s32 $0x9;
	_ =	strace $0x80000048  }
0xb3: {  	_ =	swait.ge [sflag:s29], $0x1  }
0xb4: {  	[sflag:s29] =	ssyncadd.s32 $0xFFFFFFFF  }
0xb5: {  	_ =	strace $0x90000048  }
0xb6: {  	_ =	sfence  }
0xb7: {  	s30 =	sld [smem:$0x0];
	_ =	sdelay $0x2  }
0xb8: {  	s31 =	sshll.u32 s1, $0xD;
	s1 =	sshrl.u32 s1, $0x2  }
0xb9: {  	s3 =	sand.u32 $0x4000, s31;
	s1 =	sadd.s32 s1, s30  }
0xba: {  	s0 =	sor.u32 s3, s0;
	s1 =	sshll.u32 s1, $0x11  }
0xbb: {  	s0 =	sor.u32 s1, s0  }
0xbc: {  	s0 =	sadd.s32 $0x8F2B, s0  }
0xbd: {  	[sflag:s0] =	ssyncadd.remote.s32 $0x1  }
0xbe: {  	_ =	sfence.sel $0xFFFF  }
0xbf: {  	[dreg:$0x0] =	wrdreg $0xFFFFFFFF;
	(pc) =	sbr.abs _section_cstart, $3  }
0xc0: {  	[dreg:$0x1] =	wrdreg $0xFFFFFFFF  }
0xc1: {  	_ =	task.clear_ibuf [dreg:s6], $0x2FFFF;
	_ =	strace $0x9FFFFFFF  }
0xc2: {  	(tm) =	ssettm $0x7FFFFFFF  }
0xc3: {  	_ =	shalt  }
tec
execute0_lowered:
.L_overlay_start_1:
0x0: {  	(tag) =	ssettag $0x1  }
0x1: {  	s5 =	rddreg [dreg:$0x0]  }
0x2: {  	s1 =	rddreg [dreg:$0x1]  }
0x3: {  	s0 =	rddreg [dreg:$0x2];
	s3 =	simm.s32 $0x0;
	s4 =	srdreg.scid  }
0x4: {  	s2 =	stileid.u32;
	s16 =	simm.s32 $0x14000;
	s17 =	simm.s32 $0x14080  }
0x5: {  	s18 =	simm.s32 $0x1;
	s19 =	simm.s32 $0x80;
	s20 =	simm.s32 $0x2  }
0x6: {  	s21 =	simm.s32 $0x3;
	s22 =	simm.s32 $0x4;
	s23 =	simm.s32 $0x0  }
0x7: {  	[smem:$0x7FF] =	sst s3;
	s6 =	sand.u32 $0x1, s4;
	s7 =	smul.u32 $0x2800, s2  }
0x8: {  	s11 =	sadd.s32 $0x3200, s5;
	s28 =	smul.u32 $0x50000, s2;
	s14 =	sshll.u32 s2, $0x6  }
0x9: {  	_ =	strace $0x80000047;
	s4 =	sshll.u32 s6, $0x4;
	s8 =	smul.u32 $0x28000, s6  }
0xa: {  	s6 =	ssub.s32 $0x2, s6;
	s14 =	sor.u32 $0x1C05, s14;
	s9 =	sor.u32 s2, s4  }
0xb: {  	s4 =	sadd.s32 $0x35200, s5;
	s10 =	sadd.s32 s7, s5;
	s29 =	sshrl.u32 s6, $0x1  }
0xc: {  	s30 =	sshrl.u32 s28, $0x2;
	s9 =	smul.u32 $0x2800, s9;
	s12 =	sadd.s32 s7, s8  }
0xd: {  	s13 =	ssub.s32 s6, s29;
	s15 =	sadd.s32 s30, s1;
	s6 =	sadd.s32 $0xD200, s10  }
0xe: {  	s8 =	sadd.s32 s12, s5;
	s31 =	sor.u32 $0x180, s12;
	s12 =	sor.u32 $0x100, s12  }
0xf: {  	s15 =	sshrl.u32 s15, $0x3;
	s9 =	sshrl.u32 s9, $0x3;
	s8 =	sadd.s32 $0x35A00, s8  }
0x10: {  	s10 =	sshrl.u32 s31, $0x3;
	s12 =	sshrl.u32 s12, $0x3;
	s5 =	sadd.s32 s11, s9  }
0x11: {  	s9 =	smax.u32 s13, $0x1;
	s10 =	sadd.s32 s10, s11;
	s11 =	sadd.s32 s12, s11  }
0x12: {  	s12 =	simm.s32 $0x14100;
	s13 =	simm.s32 $0x5;
	s7 =	sadd.s32 $0x10, s5  }
.LBB2_1:
0x13: {  	[tilespmem:s12], [sflag:$0x5] =	stream.linear.gather [hbm4b:s4+s3], $0x4000, $0x38;
	[tilespmem:$0x18100] =	vst v63  }
0x14: {  	_ =	swait.ge [sflag:s13], $0x4000  }
0x15: {  	[sflag:s13] =	ssyncset.done $0x0  }
0x16: {  	[sflag:s13] =	ssyncadd.s32 $0xFFFFC000  }
0x17: {  	[spmem:s15], [sflag:s14] =	dma.local [hbm:s6], $0x2800  }
0x18: {  	_ =	swait.ge [sflag:s13], $0x2800  }
0x19: {  	[sflag:s13] =	ssyncset.done $0x0  }
0x1a: {  	[sflag:s13] =	ssyncadd.s32 $0xFFFFD800  }
0x1b: {  	[bflag:$0x0] =	sbarrier.arrive $0xFFFF  }
0x1c: {  	[tilespmem:s16], [sflag:$0x1] =	stream.linear.gather [hbm4b:s5+s3], $0x80, $0x38;
	[tilespmem:$0x18100] =	vst v63  }
0x1d: {  	_ = 	snop  }
0x1e: {  	[tilespmem:s17], [sflag:$0x2] =	stream.linear.gather [hbm4b:s7+s3], $0x80, $0x38;
	[tilespmem:$0x18100] =	vst v63  }
0x1f: {  	_ =	swait.ge [sflag:s18], $0x80  }
0x20: {  	[sflag:s18] =	ssyncset.done $0x0  }
0x21: {  	[sflag:s18] =	ssyncadd.s32 $0xFFFFFF80  }
0x22: {  	[spmem:s1] =	stream.indirect.scatter.add.f32 [tilespmem:s12], [sflag:$0x3], $0x80, s16, s19, $0xb8;
	[tilespmem:$0x18100] =	vst v63  }
0x23: {  	_ =	swait.ge [sflag:s20], $0x80  }
0x24: {  	[sflag:s20] =	ssyncset.done $0x0  }
0x25: {  	[sflag:s20] =	ssyncadd.s32 $0xFFFFFF80  }
0x26: {  	_ =	swait.ge [sflag:s21], $0x4000  }
0x27: {  	[sflag:s21] =	ssyncset.done $0x0  }
0x28: {  	s24 =	sadd.s32 $0x0, s11;
	[sflag:s21] =	ssyncadd.s32 $0xFFFFC000  }
0x29: {  	[tilespmem:s16], [sflag:$0x1] =	stream.linear.gather [hbm4b:s24+s3], $0x80, $0x38;
	[tilespmem:$0x18100] =	vst v63  }
0x2a: {  	_ = 	snop  }
0x2b: {  	[spmem:s1] =	stream.indirect.scatter.add.f32 [tilespmem:s12], [sflag:$0x4], $0x80, s17, s19, $0xb8;
	[tilespmem:$0x18100] =	vst v63  }
0x2c: {  	_ =	swait.ge [sflag:s22], $0x4000  }
0x2d: {  	[sflag:s22] =	ssyncset.done $0x0  }
0x2e: {  	s31 =	sadd.s32 $0x0, s10;
	[sflag:s22] =	ssyncadd.s32 $0xFFFFC000  }
0x2f: {  	[tilespmem:s17], [sflag:$0x2] =	stream.linear.gather [hbm4b:s31+s3], $0x80, $0x38;
	[tilespmem:$0x18100] =	vst v63  }
0x30: {  	_ =	swait.ge [sflag:s18], $0x80  }
0x31: {  	s24 =	simm.s32 $0x20;
	[sflag:s18] =	ssyncset.done $0x0  }
.LBB2_2:
0x32: {  	p0 =	sne.s32 s24, $0x4C0  }
0x33: {  	[sflag:s18] =	ssyncadd.s32 $0xFFFFFF80;
	s25 =	smov.u32 s24;
	s24 =	sadd.s32 $0x20, s24  }
0x34: {  	[spmem:s1] =	stream.indirect.scatter.add.f32 [tilespmem:s12], [sflag:$0x3], $0x80, s16, s19, $0xb8;
	[tilespmem:$0x18100] =	vst v63  }
0x35: {  	_ =	swait.ge [sflag:s20], $0x80  }
0x36: {  	[sflag:s20] =	ssyncset.done $0x0  }
0x37: {  	[sflag:s20] =	ssyncadd.s32 $0xFFFFFF80  }
0x38: {  	_ =	swait.ge [sflag:s21], $0x4000  }
0x39: {  	[sflag:s21] =	ssyncset.done $0x0  }
0x3a: {  	s26 =	sadd.s32 s25, s11;
	[sflag:s21] =	ssyncadd.s32 $0xFFFFC000  }
0x3b: {  	[tilespmem:s16], [sflag:$0x1] =	stream.linear.gather [hbm4b:s26+s3], $0x80, $0x38;
	[tilespmem:$0x18100] =	vst v63  }
0x3c: {  	_ = 	snop  }
0x3d: {  	[spmem:s1] =	stream.indirect.scatter.add.f32 [tilespmem:s12], [sflag:$0x4], $0x80, s17, s19, $0xb8;
	[tilespmem:$0x18100] =	vst v63  }
0x3e: {  	_ =	swait.ge [sflag:s22], $0x4000  }
.Ltmp0:
0x3f: {  	[sflag:s22] =	ssyncset.done $0x0;
	(pc) =	sbr.rel @p0 .LBB2_2-.Ltmp0, $4  }
0x40: {  	s25 =	sadd.s32 s25, s10;
	[sflag:s22] =	ssyncadd.s32 $0xFFFFC000  }
0x41: {  	[tilespmem:s17], [sflag:$0x2] =	stream.linear.gather [hbm4b:s25+s3], $0x80, $0x38;
	[tilespmem:$0x18100] =	vst v63  }
0x42: {  	_ =	swait.ge [sflag:s18], $0x80  }
0x43: {  	[sflag:s18] =	ssyncset.done $0x0  }
0x44: {  	[sflag:s18] =	ssyncadd.s32 $0xFFFFFF80  }
0x45: {  	[spmem:s1] =	stream.indirect.scatter.add.f32 [tilespmem:s12], [sflag:$0x3], $0x80, s16, s19, $0xb8;
	[tilespmem:$0x18100] =	vst v63  }
0x46: {  	_ =	swait.ge [sflag:s20], $0x80  }
0x47: {  	[sflag:s20] =	ssyncset.done $0x0  }
0x48: {  	[sflag:s20] =	ssyncadd.s32 $0xFFFFFF80  }
0x49: {  	[spmem:s1] =	stream.indirect.scatter.add.f32 [tilespmem:s12], [sflag:$0x4], $0x80, s17, s19, $0xb8;
	[tilespmem:$0x18100] =	vst v63  }
0x4a: {  	_ =	swait.ge [sflag:s21], $0x4000  }
0x4b: {  	[sflag:s21] =	ssyncset.done $0x0  }
0x4c: {  	[sflag:s21] =	ssyncadd.s32 $0xFFFFC000  }
0x4d: {  	_ =	swait.ge [sflag:s22], $0x4000  }
0x4e: {  	s23 =	sadd.s32 $0x1, s23;
	[sflag:s22] =	ssyncset.done $0x0  }
0x4f: {  	p0 =	sne.s32 s23, s9;
	[sflag:s22] =	ssyncadd.s32 $0xFFFFC000  }
.Ltmp1:
0x50: {  	[bflag:$0x0] =	sbarrier.arrive $0xFFFF;
	(pc) =	sbr.rel @p0 .LBB2_1-.Ltmp1, $4  }
0x51: {  	[hbm:s8], [sflag:s14] =	dma.local [spmem:s15], $0x2800  }
0x52: {  	_ =	swait.ge [sflag:s13], $0x2800  }
0x53: {  	[sflag:s13] =	ssyncset.done $0x0  }
0x54: {  	[sflag:s13] =	ssyncadd.s32 $0xFFFFD800  }
0x55: {  	_ =	sfence.sel $0x180000  }
0x56: {  	[bflag:$0x0] =	sbarrier.arrive $0xFFFF  }
0x57: {  	p0 =	sne.s32 s2, $0x0;
	_ =	strace $0x90000047  }
0x58: {  	s0 =	sadd.s32 @!p0 $0x100000, s0;
	[bflag:$0x2] =	sbarrier.arrive $0xFFFF  }
0x59: {  	[sflag:s0] =	ssyncadd.tile.s32 @!p0 $0x1;
	_ =	shalt  }
.Lfunc_end2:
_tile_overlayer_lowered:
.L_overlay_start_2:
0x5a: {  	(tag) =	ssettag $0x2  }
0x5b: {  	s0 =	rddreg [dreg:$0x0];
	s2 =	stileid.u32  }
0x5c: {  	s1 =	rddreg [dreg:$0x1];
	p0 =	sne.s32 s2, $0x0  }
0x5d: {  	s3 =	rddreg [dreg:$0x2];
	[bflag:$0x3] =	sbarrier.arrive $0xFFFF;
	s2 =	simm.s32 @!p0 $0x1C05  }
0x5e: {  	[timem:s3], [sflag:s2] =	dma.local @!p0 [hbm:s0], s1  }
0x5f: {  	s0 =	simm.s32 @!p0 $0x5  }
0x60: {  	_ =	swait.ge @!p0 [sflag:s0], s1  }
0x61: {  	s1 =	ssub.s32 @!p0 $0x0, s1;
	[sflag:s0] =	ssyncset.done @!p0 $0x0  }
0x62: {  	[sflag:s0] =	ssyncadd.s32 @!p0 s1  }
0x63: {  	[bflag:$0x3] =	sbarrier.arrive $0xFFFF  }
0x64: {  	_ =	shalt  }

// kernel: kernel.14.cloned.1.call-start
scs
__scs_entry_jumppad:
0x0: {  	(pc) =	sbr.rel $0x88, $3  }
0x1: {  	(tag) =	ssettag $0x0;
	lr =	simm.s32 $0x1  }
0x2: {  	[smem:$0x3F95] =	sst lr;
	_ =	strace $0xD0000000  }
0x3: {  	_ = 	snop  }
0x4: {  	_ = 	snop  }
0x5: {  	_ = 	snop  }
0x6: {  	_ = 	snop  }
0x7: {  	_ = 	snop  }
__scs_overlays_trampoline_lowered:
0x8: {  	[smem:$0x3FA4] =	sst s0  }
0x9: {  	[smem:$0x3FA5] =	sst s1  }
0xa: {  	[smem:$0x3FA6] =	sst s2  }
0xb: {  	[smem:$0x3FA7] =	sst s3  }
0xc: {  	[smem:$0x3FA8] =	sst s4  }
0xd: {  	[smem:$0x3FA9] =	sst s5  }
0xe: {  	[smem:$0x3FAA] =	sst s6  }
0xf: {  	[smem:$0x3FAB] =	sst s7  }
0x10: {  	[smem:$0x3FAC] =	sst s8  }
0x11: {  	[smem:$0x3FAD] =	sst s9;
	s0 =	simm.s32 @!p0 $0x0  }
0x12: {  	s1 =	sld [smem:$0x3F93];
	s0 =	simm.s32 @p0 $0x1  }
0x13: {  	[smem:$0x3FAE] =	sst s0;
	s0 =	simm.s32 @!p1 $0x0  }
0x14: {  	s2 =	sld [smem:$0x3F92];
	s0 =	simm.s32 @p1 $0x1  }
0x15: {  	[smem:$0x3FAF] =	sst s0;
	s0 =	simm.s32 @!p2 $0x0  }
0x16: {  	s3 =	sld [smem:$0x3FDB];
	s0 =	simm.s32 @p2 $0x1  }
0x17: {  	s4 =	simm.s32 $0x1BF5;
	[smem:$0x3FB1] =	sst s0  }
0x18: {  	s0 =	sld [smem:$0x3F94];
	_ =	swait.ge [sflag:s4], $0x0  }
0x19: {  	s7 =	sld [smem:$0x3F95]  }
0x1a: {  	s8 =	sadd.s32 $0xFFFFE003, lr  }
0x1b: {  	s9 =	sadd.s32 $0xFFFFFEF7, lr;
	s5 =	simm.s32 $0xFFFFFFFF;
	p2 =	slt.u32 s8, $0xFFFFF086  }
0x1c: {  	p1 =	slt.u32 s9, $0xF7A;
	s5 =	simm.s32 @!p2 $0x0  }
0x1d: {  	s5 =	simm.s32 @p1 $0x1;
	p0 =	seq.s32 s7, s2  }
0x1e: {  	s7 =	smul.u32 @!p0 $0xF7A, s2;
	p2 =	seq.s32 @!p0 s5, $0x0  }
0x1f: {  	s9 =	smul.u32 $0xF7A, s1;
	s8 =	simm.s32 @!p0 $0x1BF5;
	p2 =	por !p2, p0  }
0x20: {  	[sflag:s8] =	ssyncset.s32 @!p0 $0xFFFFF086;
	s6 =	sadd.s32 @!p0 s3, s7;
	s7 =	simm.s32 @!p0 $0x108  }
0x21: {  	s3 =	sadd.s32 s3, s9;
	s6 =	sadd.s32 @!p0 $0x88, s6;
	s7 =	simm.s32 @p2 $0x1082  }
0x22: {  	[simem:s7], [sflag:s8] =	dma.local @!p0 [hbm:s6], $0xF7A  }
0x23: {  	s9 =	sor.u32 $0xD0000000, s2;
	s6 =	simm.s32 $0x108;
	_ =	swait.ge @!p0 [sflag:s8], $0x0  }
0x24: {  	s3 =	sadd.s32 $0x88, s3;
	s6 =	simm.s32 @!p1 $0x1082;
	[sflag:s4] =	ssyncset.s32 $0xFFFFF086  }
0x25: {  	[simem:s6], [sflag:s4] =	dma.local [hbm:s3], $0xF7A  }
0x26: {  	[smem:$0x3F95] =	sst s1;
	(tag) =	ssettag s2;
	_ =	strace s9  }
0x27: {  	s1 =	sld [smem:$0x3FA5]  }
0x28: {  	s2 =	sld [smem:$0x3FA6]  }
0x29: {  	s4 =	sld [smem:$0x3FA8]  }
0x2a: {  	p0 =	seq.s32 s5, $0x0;
	s5 =	sld [smem:$0x3FA9]  }
0x2b: {  	s6 =	sld [smem:$0x3FAA]  }
0x2c: {  	s7 =	sld [smem:$0x3FAB]  }
0x2d: {  	s3 =	simm.s32 $0x108;
	s8 =	sld [smem:$0x3FAC]  }
0x2e: {  	s3 =	simm.s32 @!p0 $0x1082;
	s9 =	sld [smem:$0x3FAD]  }
0x2f: {  	lr =	sadd.s32 s0, s3;
	s0 =	sld [smem:$0x3FA4]  }
0x30: {  	s3 =	sld [smem:$0x3FA7]  }
0x31: {  	[smem:$0x3FB0] =	sst s10  }
0x32: {  	s10 =	sld [smem:$0x3FAE];
	_ =	sdelay $0x3  }
0x33: {  	p0 =	seq.s32 s10, $0x1;
	s10 =	sld [smem:$0x3FB0];
	_ =	sdelay $0x3  }
0x34: {  	[smem:$0x3FB0] =	sst s10  }
0x35: {  	s10 =	sld [smem:$0x3FAF];
	_ =	sdelay $0x3  }
0x36: {  	p1 =	seq.s32 s10, $0x1;
	s10 =	sld [smem:$0x3FB0];
	_ =	sdelay $0x3  }
0x37: {  	[smem:$0x3FB0] =	sst s10  }
0x38: {  	s10 =	sld [smem:$0x3FB1]  }
0x39: {  	_ = 	snop;
	(pc) =	sbr.ind lr, $3  }
0x3a: {  	_ = 	snop  }
0x3b: {  	_ = 	snop  }
0x3c: {  	p2 =	seq.s32 s10, $0x1;
	s10 =	sld [smem:$0x3FB0]  }
0x3d: {  	_ =	shalt  }
0x3e: {  	_ =	shalt  }
0x3f: {  	_ =	shalt  }
0x40: {  	_ =	shalt  }
0x41: {  	_ =	shalt  }
0x42: {  	_ =	shalt  }
0x43: {  	_ =	shalt  }
0x44: {  	_ =	shalt  }
0x45: {  	_ =	shalt  }
0x46: {  	_ =	shalt  }
0x47: {  	_ =	shalt  }
0x48: {  	_ =	shalt  }
0x49: {  	_ =	shalt  }
0x4a: {  	_ =	shalt  }
0x4b: {  	_ =	shalt  }
0x4c: {  	_ =	shalt  }
0x4d: {  	_ =	shalt  }
0x4e: {  	_ =	shalt  }
0x4f: {  	_ =	shalt  }
0x50: {  	_ =	shalt  }
0x51: {  	_ =	shalt  }
0x52: {  	_ =	shalt  }
0x53: {  	_ =	shalt  }
0x54: {  	_ =	shalt  }
0x55: {  	_ =	shalt  }
0x56: {  	_ =	shalt  }
0x57: {  	_ =	shalt  }
0x58: {  	_ =	shalt  }
0x59: {  	_ =	shalt  }
0x5a: {  	_ =	shalt  }
0x5b: {  	_ =	shalt  }
0x5c: {  	_ =	shalt  }
0x5d: {  	_ =	shalt  }
0x5e: {  	_ =	shalt  }
0x5f: {  	_ =	shalt  }
0x60: {  	_ =	shalt  }
0x61: {  	_ =	shalt  }
0x62: {  	_ =	shalt  }
0x63: {  	_ =	shalt  }
0x64: {  	_ =	shalt  }
0x65: {  	_ =	shalt  }
0x66: {  	_ =	shalt  }
0x67: {  	_ =	shalt  }
0x68: {  	_ =	shalt  }
0x69: {  	_ =	shalt  }
0x6a: {  	_ =	shalt  }
0x6b: {  	_ =	shalt  }
0x6c: {  	_ =	shalt  }
0x6d: {  	_ =	shalt  }
0x6e: {  	_ =	shalt  }
0x6f: {  	_ =	shalt  }
0x70: {  	_ =	shalt  }
0x71: {  	_ =	shalt  }
0x72: {  	_ =	shalt  }
0x73: {  	_ =	shalt  }
0x74: {  	_ =	shalt  }
0x75: {  	_ =	shalt  }
0x76: {  	_ =	shalt  }
0x77: {  	_ =	shalt  }
0x78: {  	_ =	shalt  }
0x79: {  	_ =	shalt  }
0x7a: {  	_ =	shalt  }
0x7b: {  	_ =	shalt  }
0x7c: {  	_ =	shalt  }
0x7d: {  	_ =	shalt  }
0x7e: {  	_ =	shalt  }
0x7f: {  	_ =	shalt  }
0x80: {  	_ =	shalt  }
0x81: {  	_ =	shalt  }
0x82: {  	_ =	shalt  }
0x83: {  	_ =	shalt  }
0x84: {  	_ =	shalt  }
0x85: {  	_ =	shalt  }
0x86: {  	_ =	shalt  }
0x87: {  	_ =	shalt  }
.Lfunc_end0:
.L_simem_size_0:
called_computation.1_lowered:
.L_overlay_start_0:
0x88: {  	s2 =	sld [smem:$0x3FD9]  }
0x89: {  	s3 =	sld [smem:$0x3FFE];
	_ =	sdelay $0x1  }
0x8a: {  	s1 =	srdreg.scid  }
0x8b: {  	s0 =	sand.u32 $0x1, s1  }
0x8c: {  	s16 =	sshll.u32 s0, $0xA;
	s2 =	sadd.s32 s3, s2  }
0x8d: {  	s2 =	sadd.s32 s2, s16  }
0x8e: {  	[smem:$0x3FBC] =	sst s2  }
0x8f: {  	_ = 	snop  }
0x90: {  	(tm) =	ssettm $0x1  }
0x91: {  	s17 =	sld [smem:$0x3FFB];
	_ =	sdelay $0x3  }
0x92: {  	_ =	strace s17  }
0x93: {  	s2 =	sld [smem:$0x3FFC];
	_ =	sdelay $0x3  }
0x94: {  	_ =	strace s2  }
0x95: {  	s2 =	sld [smem:$0x3FFD];
	_ =	sdelay $0x3  }
0x96: {  	_ =	strace s2  }
0x97: {  	_ =	strace $0x8FFFFFFF  }
0x98: {  	s18 =	sld [smem:$0x3FDB];
	_ =	sdelay $0x1  }
0x99: {  	s19 =	simm.s32 $_scs_section_size  }
0x9a: {  	s4 =	simm.s32 $_size__tile_overlayer_lowered;
	s5 =	simm.s32 $_tile_overlayer_lowered  }
0x9b: {  	s22 =	simm.s32 $0x1BFF;
	s21 =	sshll.u32 s5, $0x1;
	s2 =	sadd.s32 s19, s18  }
0x9c: {  	s6 =	simm.s32 $0x0;
	s20 =	sshll.u32 s4, $0x1;
	s4 =	sadd.s32 s21, s2  }
0x9d: {  	[timem:s6], [sflag:s22] =	dma.local [hbm:s4], s20  }
0x9e: {  	_ =	swait.ge [sflag:s22], s20  }
0x9f: {  	s3 =	ssub.s32 $0x0, s20;
	[sflag:s22] =	ssyncset.done $0x0  }
0xa0: {  	[sflag:s22] =	ssyncadd.s32 s3;
	_ =	sdelay $0x1  }
0xa1: {  	s23 =	simm.s32 $0x1B8B  }
0xa2: {  	_ =	swait.ge [sflag:s23], $0x1  }
0xa3: {  	[sflag:s23] =	ssyncset.done $0x0  }
0xa4: {  	s25 =	simm.s32 $0x1B8E;
	s24 =	sld [smem:$0x3FFE];
	[sflag:s23] =	ssyncadd.s32 $0xFFFFFFFF  }
0xa5: {  	s26 =	simm.s32 $execute0_lowered;
	[smem:$0x3FD2] =	sst s25  }
0xa6: {  	s4 =	sshll.u32 s26, $0x1;
	_ =	strace $0x80000049;
	[dreg:$0x1] =	wrdreg $0xFFFFFFFF  }
0xa7: {  	s28 =	simm.s32 $_size_execute0_lowered;
	s2 =	sadd.s32 s2, s4;
	[dreg:$0x0] =	wrdreg $0x0  }
0xa8: {  	s4 =	sshll.u32 s28, $0x1;
	[dreg:$0x2] =	wrdreg s2  }
0xa9: {  	[dreg:$0x3] =	wrdreg s4  }
0xaa: {  	[dreg:$0x4] =	wrdreg $0xC0  }
0xab: {  	_ =	task [dreg:s6], $0x5FFFF  }
0xac: {  	[dreg:$0x1] =	wrdreg $0xFFFFFFFF  }
0xad: {  	[dreg:$0x0] =	wrdreg $0x60  }
0xae: {  	[dreg:$0x2] =	wrdreg s24  }
0xaf: {  	[dreg:$0x3] =	wrdreg $0x0  }
0xb0: {  	[dreg:$0x4] =	wrdreg $0x9  }
0xb1: {  	_ =	task.clear_ibuf [dreg:s6], $0x5FFFF;
	_ =	strace $0x90000049  }
0xb2: {  	s29 =	simm.s32 $0x9;
	_ =	strace $0x8000004B  }
0xb3: {  	_ =	swait.ge [sflag:s29], $0x1  }
0xb4: {  	[sflag:s29] =	ssyncadd.s32 $0xFFFFFFFF  }
0xb5: {  	_ =	strace $0x9000004B  }
0xb6: {  	_ =	sfence  }
0xb7: {  	s30 =	sld [smem:$0x0];
	_ =	sdelay $0x2  }
0xb8: {  	s31 =	sshll.u32 s1, $0xD;
	s1 =	sshrl.u32 s1, $0x2  }
0xb9: {  	s3 =	sand.u32 $0x4000, s31;
	s1 =	sadd.s32 s1, s30  }
0xba: {  	s0 =	sor.u32 s3, s0;
	s1 =	sshll.u32 s1, $0x11  }
0xbb: {  	s0 =	sor.u32 s1, s0  }
0xbc: {  	s0 =	sadd.s32 $0x8F2B, s0  }
0xbd: {  	[sflag:s0] =	ssyncadd.remote.s32 $0x1  }
0xbe: {  	_ =	sfence.sel $0xFFFF  }
0xbf: {  	[dreg:$0x0] =	wrdreg $0xFFFFFFFF;
	(pc) =	sbr.abs _section_cstart, $3  }
0xc0: {  	[dreg:$0x1] =	wrdreg $0xFFFFFFFF  }
0xc1: {  	_ =	task.clear_ibuf [dreg:s6], $0x2FFFF;
	_ =	strace $0x9FFFFFFF  }
0xc2: {  	(tm) =	ssettm $0x7FFFFFFF  }
0xc3: {  	_ =	shalt  }
tec
execute0_lowered:
.L_overlay_start_1:
0x0: {  	(tag) =	ssettag $0x1  }
0x1: {  	s0 =	rddreg [dreg:$0x0]  }
0x2: {  	s1 =	rddreg [dreg:$0x1];
	s3 =	simm.s32 $0x0;
	s2 =	srdreg.scid  }
0x3: {  	s13 =	stileid.u32;
	s28 =	simm.s32 $0x80;
	s29 =	simm.s32 $0x13F00  }
0x4: {  	s30 =	simm.s32 $0x2;
	s31 =	simm.s32 $0x17F00;
	s6 =	smul.u32 $0x278, s13  }
0x5: {  	[smem:$0x7FF] =	sst s3;
	s2 =	sand.u32 $0x1, s2;
	s7 =	smul.u32 $0x4F000, s13  }
0x6: {  	s4 =	sadd.s32 $0xD200, s0;
	s9 =	sadd.s32 $0xD5A00, s0;
	s26 =	smul.u32 $0x5000, s13  }
0x7: {  	s10 =	sadd.s32 $0x3200, s0;
	s14 =	sshll.u32 s13, $0x6;
	s19 =	smul.u32 $0xA00, s13  }
0x8: {  	s13 =	simm.s32 $0x9;
	s5 =	smul.u32 $0x2800, s2;
	s8 =	ssub.s32 $0x2, s2  }
0x9: {  	_ =	strace $0x8000004A;
	s2 =	smul.u32 $0x50000, s2;
	s11 =	sshrl.u32 s8, $0x1  }
0xa: {  	s7 =	sshrl.u32 s7, $0x2;
	s22 =	sadd.s32 s19, s10;
	s19 =	simm.s32 $0xA  }
0xb: {  	s5 =	sadd.s32 s6, s5;
	s11 =	ssub.s32 s8, s11;
	s12 =	sadd.s32 s7, s1  }
0xc: {  	s2 =	sadd.s32 s26, s2;
	s8 =	sshrl.u32 s26, $0x3;
	[dreg:$0x3] =	wrdreg s22  }
0xd: {  	s22 =	simm.s32 $0x13C80;
	s5 =	sshll.u32 s5, $0x4;
	s7 =	sshrl.u32 s2, $0x3  }
0xe: {  	s21 =	smax.u32 s11, $0x1;
	s23 =	sor.u32 $0x280, s2;
	s25 =	sor.u32 $0x200, s2  }
0xf: {  	s0 =	sadd.s32 s5, s0;
	s5 =	sadd.s32 s4, s5;
	[dreg:$0x10] =	wrdreg s21  }
0x10: {  	s2 =	sor.u32 $0x180, s2;
	s15 =	sadd.s32 s9, s7;
	[dreg:$0x6] =	wrdreg s5  }
0x11: {  	s11 =	simm.s32 $0x6;
	s7 =	sadd.s32 s10, s8;
	[dreg:$0x7] =	wrdreg s15  }
0x12: {  	s8 =	sor.u32 $0x1C0A, s14;
	s5 =	sadd.s32 $0x10, s15;
	[dreg:$0x8] =	wrdreg s7  }
0x13: {  	s24 =	sshrl.u32 s23, $0x3;
	s16 =	sadd.s32 $0x10, s7;
	[dreg:$0x9] =	wrdreg s5  }
0x14: {  	s2 =	sshrl.u32 s2, $0x3;
	s17 =	sadd.s32 $0x20, s15;
	[dreg:$0xa] =	wrdreg s16  }
0x15: {  	s21 =	simm.s32 $0x13D80;
	s18 =	sadd.s32 $0x20, s7;
	[dreg:$0xb] =	wrdreg s17  }
0x16: {  	s23 =	simm.s32 $0x13E00;
	s6 =	sadd.s32 $0x9F0, s15;
	[dreg:$0xc] =	wrdreg s18  }
0x17: {  	s10 =	simm.s32 $0x7;
	s20 =	sadd.s32 $0x9F0, s7;
	[dreg:$0xd] =	wrdreg s6  }
0x18: {  	s14 =	simm.s32 $0x0;
	s0 =	sadd.s32 $0x5D200, s0;
	[dreg:$0xe] =	wrdreg s20  }
0x19: {  	s7 =	sshrl.u32 s12, $0x3;
	s12 =	simm.s32 $0x8;
	[dreg:$0xf] =	wrdreg s0  }
0x1a: {  	s0 =	sadd.s32 s24, s9;
	s5 =	sshrl.u32 s25, $0x3;
	s17 =	sadd.s32 s2, s9  }
0x1b: {  	s20 =	simm.s32 $0x13C00;
	s24 =	simm.s32 $0x13D00;
	[dreg:$0x11] =	wrdreg s7  }
0x1c: {  	s25 =	simm.s32 $0x13E80;
	s2 =	simm.s32 $0x3;
	[dreg:$0x4] =	wrdreg s0  }
0x1d: {  	s26 =	sadd.s32 s5, s9;
	s0 =	simm.s32 $0x4;
	s5 =	simm.s32 $0x1BF00  }
0x1e: {  	s9 =	simm.s32 $0x5;
	[dreg:$0x5] =	wrdreg s26;
	s26 =	simm.s32 $0x1  }
.LBB2_1:
0x1f: {  	s6 =	rddreg [dreg:$0x6]  }
0x20: {  	[spmem:s7], [sflag:s8] =	dma.local [hbm:s6], $0x2780  }
0x21: {  	_ =	swait.ge [sflag:s19], $0x2780  }
0x22: {  	[sflag:s19] =	ssyncset.done $0x0  }
0x23: {  	[sflag:s19] =	ssyncadd.s32 $0xFFFFD880  }
0x24: {  	[bflag:$0x0] =	sbarrier.arrive $0xFFFF  }
0x25: {  	s16 =	rddreg [dreg:$0x7]  }
0x26: {  	[tilespmem:s20], [sflag:$0x1] =	stream.linear.gather [hbm4b:s16+s3], $0x80, $0x38;
	[tilespmem:$0x1FF00] =	vst v63  }
0x27: {  	s7 =	rddreg [dreg:$0x8]  }
0x28: {  	[tilespmem:s21], [sflag:$0x1] =	stream.linear.gather [hbm4b:s7+s3], $0x80, $0x38;
	[tilespmem:$0x1FF00] =	vst v63  }
0x29: {  	s18 =	smov.u32 s8;
	s8 =	rddreg [dreg:$0x9]  }
0x2a: {  	[tilespmem:s22], [sflag:$0x2] =	stream.linear.gather [hbm4b:s8+s3], $0x80, $0x38;
	[tilespmem:$0x1FF00] =	vst v63  }
0x2b: {  	s15 =	rddreg [dreg:$0xa]  }
0x2c: {  	[tilespmem:s23], [sflag:$0x2] =	stream.linear.gather [hbm4b:s15+s3], $0x80, $0x38;
	[tilespmem:$0x1FF00] =	vst v63  }
0x2d: {  	s16 =	rddreg [dreg:$0xb]  }
0x2e: {  	[tilespmem:s24], [sflag:$0x3] =	stream.linear.gather [hbm4b:s16+s3], $0x80, $0x38;
	[tilespmem:$0x1FF00] =	vst v63  }
0x2f: {  	s7 =	rddreg [dreg:$0xc]  }
0x30: {  	[tilespmem:s25], [sflag:$0x3] =	stream.linear.gather [hbm4b:s7+s3], $0x80, $0x38;
	[tilespmem:$0x1FF00] =	vst v63  }
0x31: {  	_ =	swait.ge [sflag:s26], $0x80  }
0x32: {  	[sflag:s26] =	ssyncset.done $0x0  }
0x33: {  	[sflag:s26] =	ssyncadd.s32 $0xFFFFFF80  }
0x34: {  	_ =	swait.ge [sflag:s26], $0x80  }
0x35: {  	[sflag:s26] =	ssyncset.done $0x0  }
0x36: {  	[sflag:s26] =	ssyncadd.s32 $0xFFFFFF80  }
0x37: {  	[tilespmem:s29], [sflag:$0x4] =	stream.indirect.gather [hbm4b:s4+s28], $0x80, s20, s28, $0xb8;
	[tilespmem:$0x1FF00] =	vst v63  }
0x38: {  	_ =	swait.ge [sflag:s30], $0x80  }
0x39: {  	[sflag:s30] =	ssyncset.done $0x0  }
0x3a: {  	[sflag:s30] =	ssyncadd.s32 $0xFFFFFF80  }
0x3b: {  	_ =	swait.ge [sflag:s30], $0x80  }
0x3c: {  	[sflag:s30] =	ssyncset.done $0x0  }
0x3d: {  	[sflag:s30] =	ssyncadd.s32 $0xFFFFFF80  }
0x3e: {  	[tilespmem:s31], [sflag:$0x5] =	stream.indirect.gather [hbm4b:s4+s28], $0x80, s22, s28, $0xb8;
	[tilespmem:$0x1FF00] =	vst v63  }
0x3f: {  	_ =	swait.ge [sflag:s0], $0x4000  }
0x40: {  	[sflag:s0] =	ssyncset.done $0x0  }
0x41: {  	[sflag:s0] =	ssyncadd.s32 $0xFFFFC000  }
0x42: {  	[spmem:s1] =	stream.indirect.scatter.add.f32 [tilespmem:s29], [sflag:$0x7], $0x80, s21, s28, $0xb8;
	[tilespmem:$0x1FF00] =	vst v63  }
0x43: {  	_ =	swait.ge [sflag:s2], $0x80  }
0x44: {  	[sflag:s2] =	ssyncset.done $0x0  }
0x45: {  	[sflag:s2] =	ssyncadd.s32 $0xFFFFFF80  }
0x46: {  	_ =	swait.ge [sflag:s2], $0x80  }
0x47: {  	[sflag:s2] =	ssyncset.done $0x0  }
0x48: {  	[sflag:s2] =	ssyncadd.s32 $0xFFFFFF80  }
0x49: {  	[tilespmem:s5], [sflag:$0x6] =	stream.indirect.gather [hbm4b:s4+s28], $0x80, s24, s28, $0xb8;
	[tilespmem:$0x1FF00] =	vst v63  }
0x4a: {  	_ =	swait.ge [sflag:s9], $0x4000  }
0x4b: {  	[sflag:s9] =	ssyncset.done $0x0  }
0x4c: {  	[sflag:s9] =	ssyncadd.s32 $0xFFFFC000  }
0x4d: {  	[spmem:s1] =	stream.indirect.scatter.add.f32 [tilespmem:s31], [sflag:$0x8], $0x80, s23, s28, $0xb8;
	[tilespmem:$0x1FF00] =	vst v63  }
0x4e: {  	_ =	swait.ge [sflag:s10], $0x4000  }
0x4f: {  	[sflag:s10] =	ssyncset.done $0x0;
	s15 =	rddreg [dreg:$0x3]  }
0x50: {  	s16 =	sadd.s32 $0x0, s17;
	[sflag:s10] =	ssyncadd.s32 $0xFFFFC000;
	s15 =	sadd.s32 $0x0, s15  }
0x51: {  	[tilespmem:s20], [sflag:$0x1] =	stream.linear.gather [hbm4b:s16+s3], $0x80, $0x38;
	[tilespmem:$0x1FF00] =	vst v63  }
0x52: {  	s8 =	sadd.s32 $0x30, s15  }
0x53: {  	[tilespmem:s21], [sflag:$0x1] =	stream.linear.gather [hbm4b:s8+s3], $0x80, $0x38;
	[tilespmem:$0x1FF00] =	vst v63  }
0x54: {  	_ =	swait.ge [sflag:s11], $0x4000  }
0x55: {  	[sflag:s11] =	ssyncset.done $0x0  }
0x56: {  	[sflag:s11] =	ssyncadd.s32 $0xFFFFC000  }
0x57: {  	[spmem:s1] =	stream.indirect.scatter.add.f32 [tilespmem:s5], [sflag:$0x9], $0x80, s25, s28, $0xb8;
	[tilespmem:$0x1FF00] =	vst v63  }
0x58: {  	_ =	swait.ge [sflag:s12], $0x4000  }
0x59: {  	s6 =	rddreg [dreg:$0x5];
	[sflag:s12] =	ssyncset.done $0x0  }
0x5a: {  	[sflag:s12] =	ssyncadd.s32 $0xFFFFC000;
	s16 =	sadd.s32 $0x0, s6  }
0x5b: {  	[tilespmem:s22], [sflag:$0x2] =	stream.linear.gather [hbm4b:s16+s3], $0x80, $0x38;
	[tilespmem:$0x1FF00] =	vst v63  }
0x5c: {  	s7 =	sadd.s32 $0x40, s15  }
0x5d: {  	[tilespmem:s23], [sflag:$0x2] =	stream.linear.gather [hbm4b:s7+s3], $0x80, $0x38;
	[tilespmem:$0x1FF00] =	vst v63  }
0x5e: {  	_ =	swait.ge [sflag:s13], $0x4000  }
0x5f: {  	s8 =	rddreg [dreg:$0x4];
	[sflag:s13] =	ssyncset.done $0x0  }
0x60: {  	[sflag:s13] =	ssyncadd.s32 $0xFFFFC000;
	s16 =	sadd.s32 $0x0, s8  }
0x61: {  	[tilespmem:s24], [sflag:$0x3] =	stream.linear.gather [hbm4b:s16+s3], $0x80, $0x38;
	[tilespmem:$0x1FF00] =	vst v63  }
0x62: {  	s15 =	sadd.s32 $0x50, s15  }
0x63: {  	[tilespmem:s25], [sflag:$0x3] =	stream.linear.gather [hbm4b:s15+s3], $0x80, $0x38;
	[tilespmem:$0x1FF00] =	vst v63  }
0x64: {  	_ =	swait.ge [sflag:s26], $0x80  }
0x65: {  	[sflag:s26] =	ssyncset.done $0x0  }
0x66: {  	[sflag:s26] =	ssyncadd.s32 $0xFFFFFF80  }
0x67: {  	_ =	swait.ge [sflag:s26], $0x80  }
0x68: {  	[sflag:s26] =	ssyncset.done $0x0  }
0x69: {  	[sflag:s26] =	ssyncadd.s32 $0xFFFFFF80  }
0x6a: {  	[tilespmem:s29], [sflag:$0x4] =	stream.indirect.gather [hbm4b:s4+s28], $0x80, s20, s28, $0xb8;
	[tilespmem:$0x1FF00] =	vst v63  }
0x6b: {  	_ =	swait.ge [sflag:s30], $0x80  }
0x6c: {  	[sflag:s30] =	ssyncset.done $0x0  }
0x6d: {  	[sflag:s30] =	ssyncadd.s32 $0xFFFFFF80  }
0x6e: {  	_ =	swait.ge [sflag:s30], $0x80  }
0x6f: {  	s15 =	simm.s32 $0x30;
	[sflag:s30] =	ssyncset.done $0x0  }
.LBB2_2:
0x70: {  	[sflag:s30] =	ssyncadd.s32 $0xFFFFFF80  }
0x71: {  	[tilespmem:s31], [sflag:$0x5] =	stream.indirect.gather [hbm4b:s4+s28], $0x80, s22, s28, $0xb8;
	[tilespmem:$0x1FF00] =	vst v63  }
0x72: {  	_ =	swait.ge [sflag:s0], $0x4000  }
0x73: {  	[sflag:s0] =	ssyncset.done $0x0  }
0x74: {  	[sflag:s0] =	ssyncadd.s32 $0xFFFFC000  }
0x75: {  	[spmem:s1] =	stream.indirect.scatter.add.f32 [tilespmem:s29], [sflag:$0x7], $0x80, s21, s28, $0xb8;
	[tilespmem:$0x1FF00] =	vst v63  }
0x76: {  	_ =	swait.ge [sflag:s2], $0x80  }
0x77: {  	[sflag:s2] =	ssyncset.done $0x0  }
0x78: {  	[sflag:s2] =	ssyncadd.s32 $0xFFFFFF80  }
0x79: {  	_ =	swait.ge [sflag:s2], $0x80  }
0x7a: {  	[sflag:s2] =	ssyncset.done $0x0  }
0x7b: {  	[sflag:s2] =	ssyncadd.s32 $0xFFFFFF80  }
0x7c: {  	[tilespmem:s5], [sflag:$0x6] =	stream.indirect.gather [hbm4b:s4+s28], $0x80, s24, s28, $0xb8;
	[tilespmem:$0x1FF00] =	vst v63  }
0x7d: {  	_ =	swait.ge [sflag:s9], $0x4000  }
0x7e: {  	[sflag:s9] =	ssyncset.done $0x0  }
0x7f: {  	[sflag:s9] =	ssyncadd.s32 $0xFFFFC000  }
0x80: {  	[spmem:s1] =	stream.indirect.scatter.add.f32 [tilespmem:s31], [sflag:$0x8], $0x80, s23, s28, $0xb8;
	[tilespmem:$0x1FF00] =	vst v63  }
0x81: {  	_ =	swait.ge [sflag:s10], $0x4000  }
0x82: {  	s16 =	smov.u32 s15;
	[sflag:s10] =	ssyncset.done $0x0;
	s6 =	rddreg [dreg:$0x3]  }
0x83: {  	s7 =	sadd.s32 s16, s17;
	[sflag:s10] =	ssyncadd.s32 $0xFFFFC000;
	s6 =	sadd.s32 s16, s6  }
0x84: {  	[tilespmem:s20], [sflag:$0x1] =	stream.linear.gather [hbm4b:s7+s3], $0x80, $0x38;
	[tilespmem:$0x1FF00] =	vst v63  }
0x85: {  	s8 =	sadd.s32 $0x30, s6  }
0x86: {  	[tilespmem:s21], [sflag:$0x1] =	stream.linear.gather [hbm4b:s8+s3], $0x80, $0x38;
	[tilespmem:$0x1FF00] =	vst v63  }
0x87: {  	_ =	swait.ge [sflag:s11], $0x4000  }
0x88: {  	[sflag:s11] =	ssyncset.done $0x0  }
0x89: {  	[sflag:s11] =	ssyncadd.s32 $0xFFFFC000  }
0x8a: {  	[spmem:s1] =	stream.indirect.scatter.add.f32 [tilespmem:s5], [sflag:$0x9], $0x80, s25, s28, $0xb8;
	[tilespmem:$0x1FF00] =	vst v63  }
0x8b: {  	_ =	swait.ge [sflag:s12], $0x4000  }
0x8c: {  	s8 =	rddreg [dreg:$0x5];
	[sflag:s12] =	ssyncset.done $0x0  }
0x8d: {  	[sflag:s12] =	ssyncadd.s32 $0xFFFFC000;
	s7 =	sadd.s32 s16, s8  }
0x8e: {  	[tilespmem:s22], [sflag:$0x2] =	stream.linear.gather [hbm4b:s7+s3], $0x80, $0x38;
	[tilespmem:$0x1FF00] =	vst v63  }
0x8f: {  	s8 =	sadd.s32 $0x40, s6  }
0x90: {  	[tilespmem:s23], [sflag:$0x2] =	stream.linear.gather [hbm4b:s8+s3], $0x80, $0x38;
	[tilespmem:$0x1FF00] =	vst v63  }
0x91: {  	_ =	swait.ge [sflag:s13], $0x4000  }
0x92: {  	s8 =	rddreg [dreg:$0x4];
	[sflag:s13] =	ssyncset.done $0x0  }
0x93: {  	[sflag:s13] =	ssyncadd.s32 $0xFFFFC000;
	s7 =	sadd.s32 s16, s8  }
0x94: {  	[tilespmem:s24], [sflag:$0x3] =	stream.linear.gather [hbm4b:s7+s3], $0x80, $0x38;
	[tilespmem:$0x1FF00] =	vst v63  }
0x95: {  	s6 =	sadd.s32 $0x50, s6  }
0x96: {  	[tilespmem:s25], [sflag:$0x3] =	stream.linear.gather [hbm4b:s6+s3], $0x80, $0x38;
	[tilespmem:$0x1FF00] =	vst v63  }
0x97: {  	_ =	swait.ge [sflag:s26], $0x80  }
0x98: {  	[sflag:s26] =	ssyncset.done $0x0  }
0x99: {  	[sflag:s26] =	ssyncadd.s32 $0xFFFFFF80  }
0x9a: {  	_ =	swait.ge [sflag:s26], $0x80  }
0x9b: {  	[sflag:s26] =	ssyncset.done $0x0  }
0x9c: {  	p0 =	sne.s32 s15, $0x990;
	[sflag:s26] =	ssyncadd.s32 $0xFFFFFF80  }
0x9d: {  	[tilespmem:s29], [sflag:$0x4] =	stream.indirect.gather [hbm4b:s4+s28], $0x80, s20, s28, $0xb8;
	[tilespmem:$0x1FF00] =	vst v63  }
.Ltmp0:
0x9e: {  	_ =	swait.ge [sflag:s30], $0x80;
	(pc) =	sbr.rel @p0 .LBB2_2-.Ltmp0, $4  }
0x9f: {  	[sflag:s30] =	ssyncset.done $0x0  }
0xa0: {  	[sflag:s30] =	ssyncadd.s32 $0xFFFFFF80  }
0xa1: {  	_ =	swait.ge [sflag:s30], $0x80  }
0xa2: {  	s15 =	sadd.s32 $0x30, s15;
	[sflag:s30] =	ssyncset.done $0x0  }
0xa3: {  	[sflag:s30] =	ssyncadd.s32 $0xFFFFFF80  }
0xa4: {  	[tilespmem:s31], [sflag:$0x5] =	stream.indirect.gather [hbm4b:s4+s28], $0x80, s22, s28, $0xb8;
	[tilespmem:$0x1FF00] =	vst v63  }
0xa5: {  	_ =	swait.ge [sflag:s0], $0x4000  }
0xa6: {  	[sflag:s0] =	ssyncset.done $0x0  }
0xa7: {  	[sflag:s0] =	ssyncadd.s32 $0xFFFFC000  }
0xa8: {  	[spmem:s1] =	stream.indirect.scatter.add.f32 [tilespmem:s29], [sflag:$0x7], $0x80, s21, s28, $0xb8;
	[tilespmem:$0x1FF00] =	vst v63  }
0xa9: {  	_ =	swait.ge [sflag:s2], $0x80  }
0xaa: {  	[sflag:s2] =	ssyncset.done $0x0  }
0xab: {  	[sflag:s2] =	ssyncadd.s32 $0xFFFFFF80  }
0xac: {  	_ =	swait.ge [sflag:s2], $0x80  }
0xad: {  	[sflag:s2] =	ssyncset.done $0x0  }
0xae: {  	[sflag:s2] =	ssyncadd.s32 $0xFFFFFF80  }
0xaf: {  	[tilespmem:s5], [sflag:$0x6] =	stream.indirect.gather [hbm4b:s4+s28], $0x80, s24, s28, $0xb8;
	[tilespmem:$0x1FF00] =	vst v63  }
0xb0: {  	_ =	swait.ge [sflag:s9], $0x4000  }
0xb1: {  	[sflag:s9] =	ssyncset.done $0x0  }
0xb2: {  	[sflag:s9] =	ssyncadd.s32 $0xFFFFC000  }
0xb3: {  	[spmem:s1] =	stream.indirect.scatter.add.f32 [tilespmem:s31], [sflag:$0x8], $0x80, s23, s28, $0xb8;
	[tilespmem:$0x1FF00] =	vst v63  }
0xb4: {  	_ =	swait.ge [sflag:s10], $0x4000  }
0xb5: {  	[sflag:s10] =	ssyncset.done $0x0  }
0xb6: {  	s6 =	rddreg [dreg:$0xd];
	[sflag:s10] =	ssyncadd.s32 $0xFFFFC000  }
0xb7: {  	[tilespmem:s20], [sflag:$0x1] =	stream.linear.gather [hbm4b:s6+s3], $0x80, $0x38;
	[tilespmem:$0x1FF00] =	vst v63  }
0xb8: {  	s15 =	rddreg [dreg:$0xe]  }
0xb9: {  	[tilespmem:s21], [sflag:$0x1] =	stream.linear.gather [hbm4b:s15+s3], $0x80, $0x38;
	[tilespmem:$0x1FF00] =	vst v63  }
0xba: {  	_ =	swait.ge [sflag:s11], $0x4000  }
0xbb: {  	[sflag:s11] =	ssyncset.done $0x0  }
0xbc: {  	[sflag:s11] =	ssyncadd.s32 $0xFFFFC000  }
0xbd: {  	[spmem:s1] =	stream.indirect.scatter.add.f32 [tilespmem:s5], [sflag:$0x9], $0x80, s25, s28, $0xb8;
	[tilespmem:$0x1FF00] =	vst v63  }
0xbe: {  	_ =	swait.ge [sflag:s26], $0x80  }
0xbf: {  	[sflag:s26] =	ssyncset.done $0x0  }
0xc0: {  	[sflag:s26] =	ssyncadd.s32 $0xFFFFFF80  }
0xc1: {  	_ =	swait.ge [sflag:s26], $0x80  }
0xc2: {  	[sflag:s26] =	ssyncset.done $0x0  }
0xc3: {  	[sflag:s26] =	ssyncadd.s32 $0xFFFFFF80  }
0xc4: {  	[tilespmem:s29], [sflag:$0x4] =	stream.indirect.gather [hbm4b:s4+s28], $0x80, s20, s28, $0xb8;
	[tilespmem:$0x1FF00] =	vst v63  }
0xc5: {  	_ =	swait.ge [sflag:s0], $0x4000  }
0xc6: {  	[sflag:s0] =	ssyncset.done $0x0  }
0xc7: {  	[sflag:s0] =	ssyncadd.s32 $0xFFFFC000  }
0xc8: {  	[spmem:s1] =	stream.indirect.scatter.add.f32 [tilespmem:s29], [sflag:$0x7], $0x80, s21, s28, $0xb8;
	[tilespmem:$0x1FF00] =	vst v63  }
0xc9: {  	_ =	swait.ge [sflag:s12], $0x4000  }
0xca: {  	[sflag:s12] =	ssyncset.done $0x0  }
0xcb: {  	[sflag:s12] =	ssyncadd.s32 $0xFFFFC000  }
0xcc: {  	_ =	swait.ge [sflag:s13], $0x4000  }
0xcd: {  	[sflag:s13] =	ssyncset.done $0x0  }
0xce: {  	[sflag:s13] =	ssyncadd.s32 $0xFFFFC000  }
0xcf: {  	_ =	swait.ge [sflag:s10], $0x4000  }
0xd0: {  	[sflag:s10] =	ssyncset.done $0x0  }
0xd1: {  	[sflag:s10] =	ssyncadd.s32 $0xFFFFC000  }
0xd2: {  	[bflag:$0x0] =	sbarrier.arrive $0xFFFF  }
0xd3: {  	s16 =	rddreg [dreg:$0xf]  }
0xd4: {  	s7 =	rddreg [dreg:$0x11]  }
0xd5: {  	[hbm:s16], [sflag:s18] =	dma.local [spmem:s7], $0x2780  }
0xd6: {  	_ =	swait.ge [sflag:s19], $0x2780  }
0xd7: {  	s8 =	smov.u32 s18;
	s14 =	sadd.s32 $0x1, s14;
	s18 =	rddreg [dreg:$0x10]  }
0xd8: {  	p0 =	sne.s32 s14, s18  }
.Ltmp1:
0xd9: {  	_ = 	snop;
	(pc) =	sbr.rel @p0 .LBB2_1-.Ltmp1, $3  }
0xda: {  	_ =	sdelay $0x1  }
0xdb: {  	[sflag:s19] =	ssyncset.done $0x0  }
0xdc: {  	[sflag:s19] =	ssyncadd.s32 $0xFFFFD880  }
0xdd: {  	_ =	sfence.sel $0x180000  }
0xde: {  	[bflag:$0x0] =	sbarrier.arrive $0xFFFF  }
0xdf: {  	_ =	strace $0x9000004A  }
0xe0: {  	s0 =	stileid.u32;
	[bflag:$0x2] =	sbarrier.arrive $0xFFFF  }
0xe1: {  	p0 =	sne.s32 s0, $0x0;
	s0 =	rddreg [dreg:$0x2]  }
0xe2: {  	s0 =	sadd.s32 @!p0 $0x100000, s0  }
0xe3: {  	[sflag:s0] =	ssyncadd.tile.s32 @!p0 $0x1;
	_ =	shalt  }
.Lfunc_end2:
_tile_overlayer_lowered:
.L_overlay_start_2:
0xe4: {  	(tag) =	ssettag $0x2  }
0xe5: {  	s0 =	rddreg [dreg:$0x0];
	s2 =	stileid.u32  }
0xe6: {  	s1 =	rddreg [dreg:$0x1];
	p0 =	sne.s32 s2, $0x0  }
0xe7: {  	s3 =	rddreg [dreg:$0x2];
	[bflag:$0x3] =	sbarrier.arrive $0xFFFF;
	s2 =	simm.s32 @!p0 $0x1C0A  }
0xe8: {  	[timem:s3], [sflag:s2] =	dma.local @!p0 [hbm:s0], s1  }
0xe9: {  	s0 =	simm.s32 @!p0 $0xA  }
0xea: {  	_ =	swait.ge @!p0 [sflag:s0], s1  }
0xeb: {  	s1 =	ssub.s32 @!p0 $0x0, s1;
	[sflag:s0] =	ssyncset.done @!p0 $0x0  }
0xec: {  	[sflag:s0] =	ssyncadd.s32 @!p0 s1  }
0xed: {  	[bflag:$0x3] =	sbarrier.arrive $0xFFFF  }
0xee: {  	_ =	shalt  }

// kernel: kernel.17.cloned.1.call-start
scs
__scs_entry_jumppad:
0x0: {  	(pc) =	sbr.rel $0x88, $3  }
0x1: {  	(tag) =	ssettag $0x0;
	lr =	simm.s32 $0x1  }
0x2: {  	[smem:$0x3F95] =	sst lr;
	_ =	strace $0xD0000000  }
0x3: {  	_ = 	snop  }
0x4: {  	_ = 	snop  }
0x5: {  	_ = 	snop  }
0x6: {  	_ = 	snop  }
0x7: {  	_ = 	snop  }
__scs_overlays_trampoline_lowered:
0x8: {  	[smem:$0x3FA4] =	sst s0  }
0x9: {  	[smem:$0x3FA5] =	sst s1  }
0xa: {  	[smem:$0x3FA6] =	sst s2  }
0xb: {  	[smem:$0x3FA7] =	sst s3  }
0xc: {  	[smem:$0x3FA8] =	sst s4  }
0xd: {  	[smem:$0x3FA9] =	sst s5  }
0xe: {  	[smem:$0x3FAA] =	sst s6  }
0xf: {  	[smem:$0x3FAB] =	sst s7  }
0x10: {  	[smem:$0x3FAC] =	sst s8  }
0x11: {  	[smem:$0x3FAD] =	sst s9;
	s0 =	simm.s32 @!p0 $0x0  }
0x12: {  	s1 =	sld [smem:$0x3F93];
	s0 =	simm.s32 @p0 $0x1  }
0x13: {  	[smem:$0x3FAE] =	sst s0;
	s0 =	simm.s32 @!p1 $0x0  }
0x14: {  	s2 =	sld [smem:$0x3F92];
	s0 =	simm.s32 @p1 $0x1  }
0x15: {  	[smem:$0x3FAF] =	sst s0;
	s0 =	simm.s32 @!p2 $0x0  }
0x16: {  	s3 =	sld [smem:$0x3FDB];
	s0 =	simm.s32 @p2 $0x1  }
0x17: {  	s4 =	simm.s32 $0x1BF5;
	[smem:$0x3FB1] =	sst s0  }
0x18: {  	s0 =	sld [smem:$0x3F94];
	_ =	swait.ge [sflag:s4], $0x0  }
0x19: {  	s7 =	sld [smem:$0x3F95]  }
0x1a: {  	s8 =	sadd.s32 $0xFFFFE003, lr  }
0x1b: {  	s9 =	sadd.s32 $0xFFFFFEF7, lr;
	s5 =	simm.s32 $0xFFFFFFFF;
	p2 =	slt.u32 s8, $0xFFFFF086  }
0x1c: {  	p1 =	slt.u32 s9, $0xF7A;
	s5 =	simm.s32 @!p2 $0x0  }
0x1d: {  	s5 =	simm.s32 @p1 $0x1;
	p0 =	seq.s32 s7, s2  }
0x1e: {  	s7 =	smul.u32 @!p0 $0xF7A, s2;
	p2 =	seq.s32 @!p0 s5, $0x0  }
0x1f: {  	s9 =	smul.u32 $0xF7A, s1;
	s8 =	simm.s32 @!p0 $0x1BF5;
	p2 =	por !p2, p0  }
0x20: {  	[sflag:s8] =	ssyncset.s32 @!p0 $0xFFFFF086;
	s6 =	sadd.s32 @!p0 s3, s7;
	s7 =	simm.s32 @!p0 $0x108  }
0x21: {  	s3 =	sadd.s32 s3, s9;
	s6 =	sadd.s32 @!p0 $0x88, s6;
	s7 =	simm.s32 @p2 $0x1082  }
0x22: {  	[simem:s7], [sflag:s8] =	dma.local @!p0 [hbm:s6], $0xF7A  }
0x23: {  	s9 =	sor.u32 $0xD0000000, s2;
	s6 =	simm.s32 $0x108;
	_ =	swait.ge @!p0 [sflag:s8], $0x0  }
0x24: {  	s3 =	sadd.s32 $0x88, s3;
	s6 =	simm.s32 @!p1 $0x1082;
	[sflag:s4] =	ssyncset.s32 $0xFFFFF086  }
0x25: {  	[simem:s6], [sflag:s4] =	dma.local [hbm:s3], $0xF7A  }
0x26: {  	[smem:$0x3F95] =	sst s1;
	(tag) =	ssettag s2;
	_ =	strace s9  }
0x27: {  	s1 =	sld [smem:$0x3FA5]  }
0x28: {  	s2 =	sld [smem:$0x3FA6]  }
0x29: {  	s4 =	sld [smem:$0x3FA8]  }
0x2a: {  	p0 =	seq.s32 s5, $0x0;
	s5 =	sld [smem:$0x3FA9]  }
0x2b: {  	s6 =	sld [smem:$0x3FAA]  }
0x2c: {  	s7 =	sld [smem:$0x3FAB]  }
0x2d: {  	s3 =	simm.s32 $0x108;
	s8 =	sld [smem:$0x3FAC]  }
0x2e: {  	s3 =	simm.s32 @!p0 $0x1082;
	s9 =	sld [smem:$0x3FAD]  }
0x2f: {  	lr =	sadd.s32 s0, s3;
	s0 =	sld [smem:$0x3FA4]  }
0x30: {  	s3 =	sld [smem:$0x3FA7]  }
0x31: {  	[smem:$0x3FB0] =	sst s10  }
0x32: {  	s10 =	sld [smem:$0x3FAE];
	_ =	sdelay $0x3  }
0x33: {  	p0 =	seq.s32 s10, $0x1;
	s10 =	sld [smem:$0x3FB0];
	_ =	sdelay $0x3  }
0x34: {  	[smem:$0x3FB0] =	sst s10  }
0x35: {  	s10 =	sld [smem:$0x3FAF];
	_ =	sdelay $0x3  }
0x36: {  	p1 =	seq.s32 s10, $0x1;
	s10 =	sld [smem:$0x3FB0];
	_ =	sdelay $0x3  }
0x37: {  	[smem:$0x3FB0] =	sst s10  }
0x38: {  	s10 =	sld [smem:$0x3FB1]  }
0x39: {  	_ = 	snop;
	(pc) =	sbr.ind lr, $3  }
0x3a: {  	_ = 	snop  }
0x3b: {  	_ = 	snop  }
0x3c: {  	p2 =	seq.s32 s10, $0x1;
	s10 =	sld [smem:$0x3FB0]  }
0x3d: {  	_ =	shalt  }
0x3e: {  	_ =	shalt  }
0x3f: {  	_ =	shalt  }
0x40: {  	_ =	shalt  }
0x41: {  	_ =	shalt  }
0x42: {  	_ =	shalt  }
0x43: {  	_ =	shalt  }
0x44: {  	_ =	shalt  }
0x45: {  	_ =	shalt  }
0x46: {  	_ =	shalt  }
0x47: {  	_ =	shalt  }
0x48: {  	_ =	shalt  }
0x49: {  	_ =	shalt  }
0x4a: {  	_ =	shalt  }
0x4b: {  	_ =	shalt  }
0x4c: {  	_ =	shalt  }
0x4d: {  	_ =	shalt  }
0x4e: {  	_ =	shalt  }
0x4f: {  	_ =	shalt  }
0x50: {  	_ =	shalt  }
0x51: {  	_ =	shalt  }
0x52: {  	_ =	shalt  }
0x53: {  	_ =	shalt  }
0x54: {  	_ =	shalt  }
0x55: {  	_ =	shalt  }
0x56: {  	_ =	shalt  }
0x57: {  	_ =	shalt  }
0x58: {  	_ =	shalt  }
0x59: {  	_ =	shalt  }
0x5a: {  	_ =	shalt  }
0x5b: {  	_ =	shalt  }
0x5c: {  	_ =	shalt  }
0x5d: {  	_ =	shalt  }
0x5e: {  	_ =	shalt  }
0x5f: {  	_ =	shalt  }
0x60: {  	_ =	shalt  }
0x61: {  	_ =	shalt  }
0x62: {  	_ =	shalt  }
0x63: {  	_ =	shalt  }
0x64: {  	_ =	shalt  }
0x65: {  	_ =	shalt  }
0x66: {  	_ =	shalt  }
0x67: {  	_ =	shalt  }
0x68: {  	_ =	shalt  }
0x69: {  	_ =	shalt  }
0x6a: {  	_ =	shalt  }
0x6b: {  	_ =	shalt  }
0x6c: {  	_ =	shalt  }
0x6d: {  	_ =	shalt  }
0x6e: {  	_ =	shalt  }
0x6f: {  	_ =	shalt  }
0x70: {  	_ =	shalt  }
0x71: {  	_ =	shalt  }
0x72: {  	_ =	shalt  }
0x73: {  	_ =	shalt  }
0x74: {  	_ =	shalt  }
0x75: {  	_ =	shalt  }
0x76: {  	_ =	shalt  }
0x77: {  	_ =	shalt  }
0x78: {  	_ =	shalt  }
0x79: {  	_ =	shalt  }
0x7a: {  	_ =	shalt  }
0x7b: {  	_ =	shalt  }
0x7c: {  	_ =	shalt  }
0x7d: {  	_ =	shalt  }
0x7e: {  	_ =	shalt  }
0x7f: {  	_ =	shalt  }
0x80: {  	_ =	shalt  }
0x81: {  	_ =	shalt  }
0x82: {  	_ =	shalt  }
0x83: {  	_ =	shalt  }
0x84: {  	_ =	shalt  }
0x85: {  	_ =	shalt  }
0x86: {  	_ =	shalt  }
0x87: {  	_ =	shalt  }
.Lfunc_end0:
.L_simem_size_0:
called_computation.2_lowered:
.L_overlay_start_0:
0x88: {  	s2 =	sld [smem:$0x3FD9]  }
0x89: {  	s3 =	sld [smem:$0x3FFE];
	_ =	sdelay $0x1  }
0x8a: {  	s1 =	srdreg.scid  }
0x8b: {  	s0 =	sand.u32 $0x1, s1  }
0x8c: {  	s16 =	sshll.u32 s0, $0xA;
	s2 =	sadd.s32 s3, s2  }
0x8d: {  	s2 =	sadd.s32 s2, s16  }
0x8e: {  	[smem:$0x3FBC] =	sst s2  }
0x8f: {  	_ = 	snop  }
0x90: {  	(tm) =	ssettm $0x1  }
0x91: {  	s17 =	sld [smem:$0x3FFB];
	_ =	sdelay $0x3  }
0x92: {  	_ =	strace s17  }
0x93: {  	s2 =	sld [smem:$0x3FFC];
	_ =	sdelay $0x3  }
0x94: {  	_ =	strace s2  }
0x95: {  	s2 =	sld [smem:$0x3FFD];
	_ =	sdelay $0x3  }
0x96: {  	_ =	strace s2  }
0x97: {  	_ =	strace $0x8FFFFFFF  }
0x98: {  	s18 =	sld [smem:$0x3FDB];
	_ =	sdelay $0x1  }
0x99: {  	s19 =	simm.s32 $_scs_section_size  }
0x9a: {  	s4 =	simm.s32 $_size__tile_overlayer_lowered;
	s5 =	simm.s32 $_tile_overlayer_lowered  }
0x9b: {  	s22 =	simm.s32 $0x1BFF;
	s21 =	sshll.u32 s5, $0x1;
	s2 =	sadd.s32 s19, s18  }
0x9c: {  	s6 =	simm.s32 $0x0;
	s20 =	sshll.u32 s4, $0x1;
	s4 =	sadd.s32 s21, s2  }
0x9d: {  	[timem:s6], [sflag:s22] =	dma.local [hbm:s4], s20  }
0x9e: {  	_ =	swait.ge [sflag:s22], s20  }
0x9f: {  	s3 =	ssub.s32 $0x0, s20;
	[sflag:s22] =	ssyncset.done $0x0  }
0xa0: {  	[sflag:s22] =	ssyncadd.s32 s3;
	_ =	sdelay $0x1  }
0xa1: {  	s23 =	simm.s32 $0x1B8B  }
0xa2: {  	_ =	swait.ge [sflag:s23], $0x1  }
0xa3: {  	[sflag:s23] =	ssyncset.done $0x0  }
0xa4: {  	s25 =	simm.s32 $0x1B8E;
	s24 =	sld [smem:$0x3FFE];
	[sflag:s23] =	ssyncadd.s32 $0xFFFFFFFF  }
0xa5: {  	s26 =	simm.s32 $execute0_lowered;
	[smem:$0x3FD2] =	sst s25  }
0xa6: {  	s4 =	sshll.u32 s26, $0x1;
	_ =	strace $0x8000004C;
	[dreg:$0x1] =	wrdreg $0xFFFFFFFF  }
0xa7: {  	s28 =	simm.s32 $_size_execute0_lowered;
	s2 =	sadd.s32 s2, s4;
	[dreg:$0x0] =	wrdreg $0x0  }
0xa8: {  	s4 =	sshll.u32 s28, $0x1;
	[dreg:$0x2] =	wrdreg s2  }
0xa9: {  	[dreg:$0x3] =	wrdreg s4  }
0xaa: {  	[dreg:$0x4] =	wrdreg $0xC0  }
0xab: {  	_ =	task [dreg:s6], $0x5FFFF  }
0xac: {  	[dreg:$0x1] =	wrdreg $0xFFFFFFFF  }
0xad: {  	[dreg:$0x0] =	wrdreg $0x60  }
0xae: {  	[dreg:$0x2] =	wrdreg s24  }
0xaf: {  	[dreg:$0x3] =	wrdreg $0x0  }
0xb0: {  	[dreg:$0x4] =	wrdreg $0x9  }
0xb1: {  	_ =	task.clear_ibuf [dreg:s6], $0x5FFFF;
	_ =	strace $0x9000004C  }
0xb2: {  	s29 =	simm.s32 $0x9;
	_ =	strace $0x8000004E  }
0xb3: {  	_ =	swait.ge [sflag:s29], $0x1  }
0xb4: {  	[sflag:s29] =	ssyncadd.s32 $0xFFFFFFFF  }
0xb5: {  	_ =	strace $0x9000004E  }
0xb6: {  	_ =	sfence  }
0xb7: {  	s30 =	sld [smem:$0x0];
	_ =	sdelay $0x2  }
0xb8: {  	s31 =	sshll.u32 s1, $0xD;
	s1 =	sshrl.u32 s1, $0x2  }
0xb9: {  	s3 =	sand.u32 $0x4000, s31;
	s1 =	sadd.s32 s1, s30  }
0xba: {  	s0 =	sor.u32 s3, s0;
	s1 =	sshll.u32 s1, $0x11  }
0xbb: {  	s0 =	sor.u32 s1, s0  }
0xbc: {  	s0 =	sadd.s32 $0x8F2B, s0  }
0xbd: {  	[sflag:s0] =	ssyncadd.remote.s32 $0x1  }
0xbe: {  	_ =	sfence.sel $0xFFFF  }
0xbf: {  	[dreg:$0x0] =	wrdreg $0xFFFFFFFF;
	(pc) =	sbr.abs _section_cstart, $3  }
0xc0: {  	[dreg:$0x1] =	wrdreg $0xFFFFFFFF  }
0xc1: {  	_ =	task.clear_ibuf [dreg:s6], $0x2FFFF;
	_ =	strace $0x9FFFFFFF  }
0xc2: {  	(tm) =	ssettm $0x7FFFFFFF  }
0xc3: {  	_ =	shalt  }
tec
execute0_lowered:
.L_overlay_start_1:
0x0: {  	(tag) =	ssettag $0x1  }
0x1: {  	s0 =	rddreg [dreg:$0x0]  }
0x2: {  	s1 =	rddreg [dreg:$0x1];
	s3 =	simm.s32 $0x0;
	s2 =	srdreg.scid  }
0x3: {  	s13 =	stileid.u32;
	s28 =	simm.s32 $0x80;
	s29 =	simm.s32 $0x13F00  }
0x4: {  	s30 =	simm.s32 $0x2;
	s31 =	simm.s32 $0x17F00;
	s6 =	smul.u32 $0x278, s13  }
0x5: {  	[smem:$0x7FF] =	sst s3;
	s2 =	sand.u32 $0x1, s2;
	s7 =	smul.u32 $0x4F000, s13  }
0x6: {  	s4 =	sadd.s32 $0xD200, s0;
	s9 =	sadd.s32 $0xD5A00, s0;
	s26 =	smul.u32 $0x5000, s13  }
0x7: {  	s10 =	sadd.s32 $0x3200, s0;
	s14 =	sshll.u32 s13, $0x6;
	s19 =	smul.u32 $0xA00, s13  }
0x8: {  	s13 =	simm.s32 $0x9;
	s5 =	smul.u32 $0x2800, s2;
	s8 =	ssub.s32 $0x2, s2  }
0x9: {  	_ =	strace $0x8000004D;
	s2 =	smul.u32 $0x50000, s2;
	s11 =	sshrl.u32 s8, $0x1  }
0xa: {  	s7 =	sshrl.u32 s7, $0x2;
	s22 =	sadd.s32 s19, s10;
	s19 =	simm.s32 $0xA  }
0xb: {  	s5 =	sadd.s32 s6, s5;
	s11 =	ssub.s32 s8, s11;
	s12 =	sadd.s32 s7, s1  }
0xc: {  	s2 =	sadd.s32 s26, s2;
	s8 =	sshrl.u32 s26, $0x3;
	[dreg:$0x3] =	wrdreg s22  }
0xd: {  	s22 =	simm.s32 $0x13C80;
	s5 =	sshll.u32 s5, $0x4;
	s7 =	sshrl.u32 s2, $0x3  }
0xe: {  	s21 =	smax.u32 s11, $0x1;
	s23 =	sor.u32 $0x280, s2;
	s25 =	sor.u32 $0x200, s2  }
0xf: {  	s0 =	sadd.s32 s5, s0;
	s5 =	sadd.s32 s4, s5;
	[dreg:$0x10] =	wrdreg s21  }
0x10: {  	s2 =	sor.u32 $0x180, s2;
	s15 =	sadd.s32 s9, s7;
	[dreg:$0x6] =	wrdreg s5  }
0x11: {  	s11 =	simm.s32 $0x6;
	s7 =	sadd.s32 s10, s8;
	[dreg:$0x7] =	wrdreg s15  }
0x12: {  	s8 =	sor.u32 $0x1C0A, s14;
	s5 =	sadd.s32 $0x10, s15;
	[dreg:$0x8] =	wrdreg s7  }
0x13: {  	s24 =	sshrl.u32 s23, $0x3;
	s16 =	sadd.s32 $0x10, s7;
	[dreg:$0x9] =	wrdreg s5  }
0x14: {  	s2 =	sshrl.u32 s2, $0x3;
	s17 =	sadd.s32 $0x20, s15;
	[dreg:$0xa] =	wrdreg s16  }
0x15: {  	s21 =	simm.s32 $0x13D80;
	s18 =	sadd.s32 $0x20, s7;
	[dreg:$0xb] =	wrdreg s17  }
0x16: {  	s23 =	simm.s32 $0x13E00;
	s6 =	sadd.s32 $0x9F0, s15;
	[dreg:$0xc] =	wrdreg s18  }
0x17: {  	s10 =	simm.s32 $0x7;
	s20 =	sadd.s32 $0x9F0, s7;
	[dreg:$0xd] =	wrdreg s6  }
0x18: {  	s14 =	simm.s32 $0x0;
	s0 =	sadd.s32 $0x5D200, s0;
	[dreg:$0xe] =	wrdreg s20  }
0x19: {  	s7 =	sshrl.u32 s12, $0x3;
	s12 =	simm.s32 $0x8;
	[dreg:$0xf] =	wrdreg s0  }
0x1a: {  	s0 =	sadd.s32 s24, s9;
	s5 =	sshrl.u32 s25, $0x3;
	s17 =	sadd.s32 s2, s9  }
0x1b: {  	s20 =	simm.s32 $0x13C00;
	s24 =	simm.s32 $0x13D00;
	[dreg:$0x11] =	wrdreg s7  }
0x1c: {  	s25 =	simm.s32 $0x13E80;
	s2 =	simm.s32 $0x3;
	[dreg:$0x4] =	wrdreg s0  }
0x1d: {  	s26 =	sadd.s32 s5, s9;
	s0 =	simm.s32 $0x4;
	s5 =	simm.s32 $0x1BF00  }
0x1e: {  	s9 =	simm.s32 $0x5;
	[dreg:$0x5] =	wrdreg s26;
	s26 =	simm.s32 $0x1  }
.LBB2_1:
0x1f: {  	s6 =	rddreg [dreg:$0x6]  }
0x20: {  	[spmem:s7], [sflag:s8] =	dma.local [hbm:s6], $0x2780  }
0x21: {  	_ =	swait.ge [sflag:s19], $0x2780  }
0x22: {  	[sflag:s19] =	ssyncset.done $0x0  }
0x23: {  	[sflag:s19] =	ssyncadd.s32 $0xFFFFD880  }
0x24: {  	[bflag:$0x0] =	sbarrier.arrive $0xFFFF  }
0x25: {  	s16 =	rddreg [dreg:$0x7]  }
0x26: {  	[tilespmem:s20], [sflag:$0x1] =	stream.linear.gather [hbm4b:s16+s3], $0x80, $0x38;
	[tilespmem:$0x1FF00] =	vst v63  }
0x27: {  	s7 =	rddreg [dreg:$0x8]  }
0x28: {  	[tilespmem:s21], [sflag:$0x1] =	stream.linear.gather [hbm4b:s7+s3], $0x80, $0x38;
	[tilespmem:$0x1FF00] =	vst v63  }
0x29: {  	s18 =	smov.u32 s8;
	s8 =	rddreg [dreg:$0x9]  }
0x2a: {  	[tilespmem:s22], [sflag:$0x2] =	stream.linear.gather [hbm4b:s8+s3], $0x80, $0x38;
	[tilespmem:$0x1FF00] =	vst v63  }
0x2b: {  	s15 =	rddreg [dreg:$0xa]  }
0x2c: {  	[tilespmem:s23], [sflag:$0x2] =	stream.linear.gather [hbm4b:s15+s3], $0x80, $0x38;
	[tilespmem:$0x1FF00] =	vst v63  }
0x2d: {  	s16 =	rddreg [dreg:$0xb]  }
0x2e: {  	[tilespmem:s24], [sflag:$0x3] =	stream.linear.gather [hbm4b:s16+s3], $0x80, $0x38;
	[tilespmem:$0x1FF00] =	vst v63  }
0x2f: {  	s7 =	rddreg [dreg:$0xc]  }
0x30: {  	[tilespmem:s25], [sflag:$0x3] =	stream.linear.gather [hbm4b:s7+s3], $0x80, $0x38;
	[tilespmem:$0x1FF00] =	vst v63  }
0x31: {  	_ =	swait.ge [sflag:s26], $0x80  }
0x32: {  	[sflag:s26] =	ssyncset.done $0x0  }
0x33: {  	[sflag:s26] =	ssyncadd.s32 $0xFFFFFF80  }
0x34: {  	_ =	swait.ge [sflag:s26], $0x80  }
0x35: {  	[sflag:s26] =	ssyncset.done $0x0  }
0x36: {  	[sflag:s26] =	ssyncadd.s32 $0xFFFFFF80  }
0x37: {  	[tilespmem:s29], [sflag:$0x4] =	stream.indirect.gather [hbm4b:s4+s28], $0x80, s20, s28, $0xb8;
	[tilespmem:$0x1FF00] =	vst v63  }
0x38: {  	_ =	swait.ge [sflag:s30], $0x80  }
0x39: {  	[sflag:s30] =	ssyncset.done $0x0  }
0x3a: {  	[sflag:s30] =	ssyncadd.s32 $0xFFFFFF80  }
0x3b: {  	_ =	swait.ge [sflag:s30], $0x80  }
0x3c: {  	[sflag:s30] =	ssyncset.done $0x0  }
0x3d: {  	[sflag:s30] =	ssyncadd.s32 $0xFFFFFF80  }
0x3e: {  	[tilespmem:s31], [sflag:$0x5] =	stream.indirect.gather [hbm4b:s4+s28], $0x80, s22, s28, $0xb8;
	[tilespmem:$0x1FF00] =	vst v63  }
0x3f: {  	_ =	swait.ge [sflag:s0], $0x4000  }
0x40: {  	[sflag:s0] =	ssyncset.done $0x0  }
0x41: {  	[sflag:s0] =	ssyncadd.s32 $0xFFFFC000  }
0x42: {  	[spmem:s1] =	stream.indirect.scatter.add.f32 [tilespmem:s29], [sflag:$0x7], $0x80, s21, s28, $0xb8;
	[tilespmem:$0x1FF00] =	vst v63  }
0x43: {  	_ =	swait.ge [sflag:s2], $0x80  }
0x44: {  	[sflag:s2] =	ssyncset.done $0x0  }
0x45: {  	[sflag:s2] =	ssyncadd.s32 $0xFFFFFF80  }
0x46: {  	_ =	swait.ge [sflag:s2], $0x80  }
0x47: {  	[sflag:s2] =	ssyncset.done $0x0  }
0x48: {  	[sflag:s2] =	ssyncadd.s32 $0xFFFFFF80  }
0x49: {  	[tilespmem:s5], [sflag:$0x6] =	stream.indirect.gather [hbm4b:s4+s28], $0x80, s24, s28, $0xb8;
	[tilespmem:$0x1FF00] =	vst v63  }
0x4a: {  	_ =	swait.ge [sflag:s9], $0x4000  }
0x4b: {  	[sflag:s9] =	ssyncset.done $0x0  }
0x4c: {  	[sflag:s9] =	ssyncadd.s32 $0xFFFFC000  }
0x4d: {  	[spmem:s1] =	stream.indirect.scatter.add.f32 [tilespmem:s31], [sflag:$0x8], $0x80, s23, s28, $0xb8;
	[tilespmem:$0x1FF00] =	vst v63  }
0x4e: {  	_ =	swait.ge [sflag:s10], $0x4000  }
0x4f: {  	[sflag:s10] =	ssyncset.done $0x0;
	s15 =	rddreg [dreg:$0x3]  }
0x50: {  	s16 =	sadd.s32 $0x0, s17;
	[sflag:s10] =	ssyncadd.s32 $0xFFFFC000;
	s15 =	sadd.s32 $0x0, s15  }
0x51: {  	[tilespmem:s20], [sflag:$0x1] =	stream.linear.gather [hbm4b:s16+s3], $0x80, $0x38;
	[tilespmem:$0x1FF00] =	vst v63  }
0x52: {  	s8 =	sadd.s32 $0x30, s15  }
0x53: {  	[tilespmem:s21], [sflag:$0x1] =	stream.linear.gather [hbm4b:s8+s3], $0x80, $0x38;
	[tilespmem:$0x1FF00] =	vst v63  }
0x54: {  	_ =	swait.ge [sflag:s11], $0x4000  }
0x55: {  	[sflag:s11] =	ssyncset.done $0x0  }
0x56: {  	[sflag:s11] =	ssyncadd.s32 $0xFFFFC000  }
0x57: {  	[spmem:s1] =	stream.indirect.scatter.add.f32 [tilespmem:s5], [sflag:$0x9], $0x80, s25, s28, $0xb8;
	[tilespmem:$0x1FF00] =	vst v63  }
0x58: {  	_ =	swait.ge [sflag:s12], $0x4000  }
0x59: {  	s6 =	rddreg [dreg:$0x5];
	[sflag:s12] =	ssyncset.done $0x0  }
0x5a: {  	[sflag:s12] =	ssyncadd.s32 $0xFFFFC000;
	s16 =	sadd.s32 $0x0, s6  }
0x5b: {  	[tilespmem:s22], [sflag:$0x2] =	stream.linear.gather [hbm4b:s16+s3], $0x80, $0x38;
	[tilespmem:$0x1FF00] =	vst v63  }
0x5c: {  	s7 =	sadd.s32 $0x40, s15  }
0x5d: {  	[tilespmem:s23], [sflag:$0x2] =	stream.linear.gather [hbm4b:s7+s3], $0x80, $0x38;
	[tilespmem:$0x1FF00] =	vst v63  }
0x5e: {  	_ =	swait.ge [sflag:s13], $0x4000  }
0x5f: {  	s8 =	rddreg [dreg:$0x4];
	[sflag:s13] =	ssyncset.done $0x0  }
0x60: {  	[sflag:s13] =	ssyncadd.s32 $0xFFFFC000;
	s16 =	sadd.s32 $0x0, s8  }
0x61: {  	[tilespmem:s24], [sflag:$0x3] =	stream.linear.gather [hbm4b:s16+s3], $0x80, $0x38;
	[tilespmem:$0x1FF00] =	vst v63  }
0x62: {  	s15 =	sadd.s32 $0x50, s15  }
0x63: {  	[tilespmem:s25], [sflag:$0x3] =	stream.linear.gather [hbm4b:s15+s3], $0x80, $0x38;
	[tilespmem:$0x1FF00] =	vst v63  }
0x64: {  	_ =	swait.ge [sflag:s26], $0x80  }
0x65: {  	[sflag:s26] =	ssyncset.done $0x0  }
0x66: {  	[sflag:s26] =	ssyncadd.s32 $0xFFFFFF80  }
0x67: {  	_ =	swait.ge [sflag:s26], $0x80  }
0x68: {  	[sflag:s26] =	ssyncset.done $0x0  }
0x69: {  	[sflag:s26] =	ssyncadd.s32 $0xFFFFFF80  }
0x6a: {  	[tilespmem:s29], [sflag:$0x4] =	stream.indirect.gather [hbm4b:s4+s28], $0x80, s20, s28, $0xb8;
	[tilespmem:$0x1FF00] =	vst v63  }
0x6b: {  	_ =	swait.ge [sflag:s30], $0x80  }
0x6c: {  	[sflag:s30] =	ssyncset.done $0x0  }
0x6d: {  	[sflag:s30] =	ssyncadd.s32 $0xFFFFFF80  }
0x6e: {  	_ =	swait.ge [sflag:s30], $0x80  }
0x6f: {  	s15 =	simm.s32 $0x30;
	[sflag:s30] =	ssyncset.done $0x0  }
.LBB2_2:
0x70: {  	[sflag:s30] =	ssyncadd.s32 $0xFFFFFF80  }
0x71: {  	[tilespmem:s31], [sflag:$0x5] =	stream.indirect.gather [hbm4b:s4+s28], $0x80, s22, s28, $0xb8;
	[tilespmem:$0x1FF00] =	vst v63  }
0x72: {  	_ =	swait.ge [sflag:s0], $0x4000  }
0x73: {  	[sflag:s0] =	ssyncset.done $0x0  }
0x74: {  	[sflag:s0] =	ssyncadd.s32 $0xFFFFC000  }
0x75: {  	[spmem:s1] =	stream.indirect.scatter.add.f32 [tilespmem:s29], [sflag:$0x7], $0x80, s21, s28, $0xb8;
	[tilespmem:$0x1FF00] =	vst v63  }
0x76: {  	_ =	swait.ge [sflag:s2], $0x80  }
0x77: {  	[sflag:s2] =	ssyncset.done $0x0  }
0x78: {  	[sflag:s2] =	ssyncadd.s32 $0xFFFFFF80  }
0x79: {  	_ =	swait.ge [sflag:s2], $0x80  }
0x7a: {  	[sflag:s2] =	ssyncset.done $0x0  }
0x7b: {  	[sflag:s2] =	ssyncadd.s32 $0xFFFFFF80  }
0x7c: {  	[tilespmem:s5], [sflag:$0x6] =	stream.indirect.gather [hbm4b:s4+s28], $0x80, s24, s28, $0xb8;
	[tilespmem:$0x1FF00] =	vst v63  }
0x7d: {  	_ =	swait.ge [sflag:s9], $0x4000  }
0x7e: {  	[sflag:s9] =	ssyncset.done $0x0  }
0x7f: {  	[sflag:s9] =	ssyncadd.s32 $0xFFFFC000  }
0x80: {  	[spmem:s1] =	stream.indirect.scatter.add.f32 [tilespmem:s31], [sflag:$0x8], $0x80, s23, s28, $0xb8;
	[tilespmem:$0x1FF00] =	vst v63  }
0x81: {  	_ =	swait.ge [sflag:s10], $0x4000  }
0x82: {  	s16 =	smov.u32 s15;
	[sflag:s10] =	ssyncset.done $0x0;
	s6 =	rddreg [dreg:$0x3]  }
0x83: {  	s7 =	sadd.s32 s16, s17;
	[sflag:s10] =	ssyncadd.s32 $0xFFFFC000;
	s6 =	sadd.s32 s16, s6  }
0x84: {  	[tilespmem:s20], [sflag:$0x1] =	stream.linear.gather [hbm4b:s7+s3], $0x80, $0x38;
	[tilespmem:$0x1FF00] =	vst v63  }
0x85: {  	s8 =	sadd.s32 $0x30, s6  }
0x86: {  	[tilespmem:s21], [sflag:$0x1] =	stream.linear.gather [hbm4b:s8+s3], $0x80, $0x38;
	[tilespmem:$0x1FF00] =	vst v63  }
0x87: {  	_ =	swait.ge [sflag:s11], $0x4000  }
0x88: {  	[sflag:s11] =	ssyncset.done $0x0  }
0x89: {  	[sflag:s11] =	ssyncadd.s32 $0xFFFFC000  }
0x8a: {  	[spmem:s1] =	stream.indirect.scatter.add.f32 [tilespmem:s5], [sflag:$0x9], $0x80, s25, s28, $0xb8;
	[tilespmem:$0x1FF00] =	vst v63  }
0x8b: {  	_ =	swait.ge [sflag:s12], $0x4000  }
0x8c: {  	s8 =	rddreg [dreg:$0x5];
	[sflag:s12] =	ssyncset.done $0x0  }
0x8d: {  	[sflag:s12] =	ssyncadd.s32 $0xFFFFC000;
	s7 =	sadd.s32 s16, s8  }
0x8e: {  	[tilespmem:s22], [sflag:$0x2] =	stream.linear.gather [hbm4b:s7+s3], $0x80, $0x38;
	[tilespmem:$0x1FF00] =	vst v63  }
0x8f: {  	s8 =	sadd.s32 $0x40, s6  }
0x90: {  	[tilespmem:s23], [sflag:$0x2] =	stream.linear.gather [hbm4b:s8+s3], $0x80, $0x38;
	[tilespmem:$0x1FF00] =	vst v63  }
0x91: {  	_ =	swait.ge [sflag:s13], $0x4000  }
0x92: {  	s8 =	rddreg [dreg:$0x4];
	[sflag:s13] =	ssyncset.done $0x0  }
0x93: {  	[sflag:s13] =	ssyncadd.s32 $0xFFFFC000;
	s7 =	sadd.s32 s16, s8  }
0x94: {  	[tilespmem:s24], [sflag:$0x3] =	stream.linear.gather [hbm4b:s7+s3], $0x80, $0x38;
	[tilespmem:$0x1FF00] =	vst v63  }
0x95: {  	s6 =	sadd.s32 $0x50, s6  }
0x96: {  	[tilespmem:s25], [sflag:$0x3] =	stream.linear.gather [hbm4b:s6+s3], $0x80, $0x38;
	[tilespmem:$0x1FF00] =	vst v63  }
0x97: {  	_ =	swait.ge [sflag:s26], $0x80  }
0x98: {  	[sflag:s26] =	ssyncset.done $0x0  }
0x99: {  	[sflag:s26] =	ssyncadd.s32 $0xFFFFFF80  }
0x9a: {  	_ =	swait.ge [sflag:s26], $0x80  }
0x9b: {  	[sflag:s26] =	ssyncset.done $0x0  }
0x9c: {  	p0 =	sne.s32 s15, $0x990;
	[sflag:s26] =	ssyncadd.s32 $0xFFFFFF80  }
0x9d: {  	[tilespmem:s29], [sflag:$0x4] =	stream.indirect.gather [hbm4b:s4+s28], $0x80, s20, s28, $0xb8;
	[tilespmem:$0x1FF00] =	vst v63  }
.Ltmp0:
0x9e: {  	_ =	swait.ge [sflag:s30], $0x80;
	(pc) =	sbr.rel @p0 .LBB2_2-.Ltmp0, $4  }
0x9f: {  	[sflag:s30] =	ssyncset.done $0x0  }
0xa0: {  	[sflag:s30] =	ssyncadd.s32 $0xFFFFFF80  }
0xa1: {  	_ =	swait.ge [sflag:s30], $0x80  }
0xa2: {  	s15 =	sadd.s32 $0x30, s15;
	[sflag:s30] =	ssyncset.done $0x0  }
0xa3: {  	[sflag:s30] =	ssyncadd.s32 $0xFFFFFF80  }
0xa4: {  	[tilespmem:s31], [sflag:$0x5] =	stream.indirect.gather [hbm4b:s4+s28], $0x80, s22, s28, $0xb8;
	[tilespmem:$0x1FF00] =	vst v63  }
0xa5: {  	_ =	swait.ge [sflag:s0], $0x4000  }
0xa6: {  	[sflag:s0] =	ssyncset.done $0x0  }
0xa7: {  	[sflag:s0] =	ssyncadd.s32 $0xFFFFC000  }
0xa8: {  	[spmem:s1] =	stream.indirect.scatter.add.f32 [tilespmem:s29], [sflag:$0x7], $0x80, s21, s28, $0xb8;
	[tilespmem:$0x1FF00] =	vst v63  }
0xa9: {  	_ =	swait.ge [sflag:s2], $0x80  }
0xaa: {  	[sflag:s2] =	ssyncset.done $0x0  }
0xab: {  	[sflag:s2] =	ssyncadd.s32 $0xFFFFFF80  }
0xac: {  	_ =	swait.ge [sflag:s2], $0x80  }
0xad: {  	[sflag:s2] =	ssyncset.done $0x0  }
0xae: {  	[sflag:s2] =	ssyncadd.s32 $0xFFFFFF80  }
0xaf: {  	[tilespmem:s5], [sflag:$0x6] =	stream.indirect.gather [hbm4b:s4+s28], $0x80, s24, s28, $0xb8;
	[tilespmem:$0x1FF00] =	vst v63  }
0xb0: {  	_ =	swait.ge [sflag:s9], $0x4000  }
0xb1: {  	[sflag:s9] =	ssyncset.done $0x0  }
0xb2: {  	[sflag:s9] =	ssyncadd.s32 $0xFFFFC000  }
0xb3: {  	[spmem:s1] =	stream.indirect.scatter.add.f32 [tilespmem:s31], [sflag:$0x8], $0x80, s23, s28, $0xb8;
	[tilespmem:$0x1FF00] =	vst v63  }
0xb4: {  	_ =	swait.ge [sflag:s10], $0x4000  }
0xb5: {  	[sflag:s10] =	ssyncset.done $0x0  }
0xb6: {  	s6 =	rddreg [dreg:$0xd];
	[sflag:s10] =	ssyncadd.s32 $0xFFFFC000  }
0xb7: {  	[tilespmem:s20], [sflag:$0x1] =	stream.linear.gather [hbm4b:s6+s3], $0x80, $0x38;
	[tilespmem:$0x1FF00] =	vst v63  }
0xb8: {  	s15 =	rddreg [dreg:$0xe]  }
0xb9: {  	[tilespmem:s21], [sflag:$0x1] =	stream.linear.gather [hbm4b:s15+s3], $0x80, $0x38;
	[tilespmem:$0x1FF00] =	vst v63  }
0xba: {  	_ =	swait.ge [sflag:s11], $0x4000  }
0xbb: {  	[sflag:s11] =	ssyncset.done $0x0  }
0xbc: {  	[sflag:s11] =	ssyncadd.s32 $0xFFFFC000  }
0xbd: {  	[spmem:s1] =	stream.indirect.scatter.add.f32 [tilespmem:s5], [sflag:$0x9], $0x80, s25, s28, $0xb8;
	[tilespmem:$0x1FF00] =	vst v63  }
0xbe: {  	_ =	swait.ge [sflag:s26], $0x80  }
0xbf: {  	[sflag:s26] =	ssyncset.done $0x0  }
0xc0: {  	[sflag:s26] =	ssyncadd.s32 $0xFFFFFF80  }
0xc1: {  	_ =	swait.ge [sflag:s26], $0x80  }
0xc2: {  	[sflag:s26] =	ssyncset.done $0x0  }
0xc3: {  	[sflag:s26] =	ssyncadd.s32 $0xFFFFFF80  }
0xc4: {  	[tilespmem:s29], [sflag:$0x4] =	stream.indirect.gather [hbm4b:s4+s28], $0x80, s20, s28, $0xb8;
	[tilespmem:$0x1FF00] =	vst v63  }
0xc5: {  	_ =	swait.ge [sflag:s0], $0x4000  }
0xc6: {  	[sflag:s0] =	ssyncset.done $0x0  }
0xc7: {  	[sflag:s0] =	ssyncadd.s32 $0xFFFFC000  }
0xc8: {  	[spmem:s1] =	stream.indirect.scatter.add.f32 [tilespmem:s29], [sflag:$0x7], $0x80, s21, s28, $0xb8;
	[tilespmem:$0x1FF00] =	vst v63  }
0xc9: {  	_ =	swait.ge [sflag:s12], $0x4000  }
0xca: {  	[sflag:s12] =	ssyncset.done $0x0  }
0xcb: {  	[sflag:s12] =	ssyncadd.s32 $0xFFFFC000  }
0xcc: {  	_ =	swait.ge [sflag:s13], $0x4000  }
0xcd: {  	[sflag:s13] =	ssyncset.done $0x0  }
0xce: {  	[sflag:s13] =	ssyncadd.s32 $0xFFFFC000  }
0xcf: {  	_ =	swait.ge [sflag:s10], $0x4000  }
0xd0: {  	[sflag:s10] =	ssyncset.done $0x0  }
0xd1: {  	[sflag:s10] =	ssyncadd.s32 $0xFFFFC000  }
0xd2: {  	[bflag:$0x0] =	sbarrier.arrive $0xFFFF  }
0xd3: {  	s16 =	rddreg [dreg:$0xf]  }
0xd4: {  	s7 =	rddreg [dreg:$0x11]  }
0xd5: {  	[hbm:s16], [sflag:s18] =	dma.local [spmem:s7], $0x2780  }
0xd6: {  	_ =	swait.ge [sflag:s19], $0x2780  }
0xd7: {  	s8 =	smov.u32 s18;
	s14 =	sadd.s32 $0x1, s14;
	s18 =	rddreg [dreg:$0x10]  }
0xd8: {  	p0 =	sne.s32 s14, s18  }
.Ltmp1:
0xd9: {  	_ = 	snop;
	(pc) =	sbr.rel @p0 .LBB2_1-.Ltmp1, $3  }
0xda: {  	_ =	sdelay $0x1  }
0xdb: {  	[sflag:s19] =	ssyncset.done $0x0  }
0xdc: {  	[sflag:s19] =	ssyncadd.s32 $0xFFFFD880  }
0xdd: {  	_ =	sfence.sel $0x180000  }
0xde: {  	[bflag:$0x0] =	sbarrier.arrive $0xFFFF  }
0xdf: {  	_ =	strace $0x9000004D  }
0xe0: {  	s0 =	stileid.u32;
	[bflag:$0x2] =	sbarrier.arrive $0xFFFF  }
0xe1: {  	p0 =	sne.s32 s0, $0x0;
	s0 =	rddreg [dreg:$0x2]  }
0xe2: {  	s0 =	sadd.s32 @!p0 $0x100000, s0  }
0xe3: {  	[sflag:s0] =	ssyncadd.tile.s32 @!p0 $0x1;
	_ =	shalt  }
.Lfunc_end2:
_tile_overlayer_lowered:
.L_overlay_start_2:
0xe4: {  	(tag) =	ssettag $0x2  }
0xe5: {  	s0 =	rddreg [dreg:$0x0];
	s2 =	stileid.u32  }
0xe6: {  	s1 =	rddreg [dreg:$0x1];
	p0 =	sne.s32 s2, $0x0  }
0xe7: {  	s3 =	rddreg [dreg:$0x2];
	[bflag:$0x3] =	sbarrier.arrive $0xFFFF;
	s2 =	simm.s32 @!p0 $0x1C0A  }
0xe8: {  	[timem:s3], [sflag:s2] =	dma.local @!p0 [hbm:s0], s1  }
0xe9: {  	s0 =	simm.s32 @!p0 $0xA  }
0xea: {  	_ =	swait.ge @!p0 [sflag:s0], s1  }
0xeb: {  	s1 =	ssub.s32 @!p0 $0x0, s1;
	[sflag:s0] =	ssyncset.done @!p0 $0x0  }
0xec: {  	[sflag:s0] =	ssyncadd.s32 @!p0 s1  }
0xed: {  	[bflag:$0x3] =	sbarrier.arrive $0xFFFF  }
0xee: {  	_ =	shalt  }

// kernel: kernel.20.cloned.1.call-start
scs
__scs_entry_jumppad:
0x0: {  	(pc) =	sbr.rel $0x88, $3  }
0x1: {  	(tag) =	ssettag $0x0;
	lr =	simm.s32 $0x1  }
0x2: {  	[smem:$0x3F95] =	sst lr;
	_ =	strace $0xD0000000  }
0x3: {  	_ = 	snop  }
0x4: {  	_ = 	snop  }
0x5: {  	_ = 	snop  }
0x6: {  	_ = 	snop  }
0x7: {  	_ = 	snop  }
__scs_overlays_trampoline_lowered:
0x8: {  	[smem:$0x3FA4] =	sst s0  }
0x9: {  	[smem:$0x3FA5] =	sst s1  }
0xa: {  	[smem:$0x3FA6] =	sst s2  }
0xb: {  	[smem:$0x3FA7] =	sst s3  }
0xc: {  	[smem:$0x3FA8] =	sst s4  }
0xd: {  	[smem:$0x3FA9] =	sst s5  }
0xe: {  	[smem:$0x3FAA] =	sst s6  }
0xf: {  	[smem:$0x3FAB] =	sst s7  }
0x10: {  	[smem:$0x3FAC] =	sst s8  }
0x11: {  	[smem:$0x3FAD] =	sst s9;
	s0 =	simm.s32 @!p0 $0x0  }
0x12: {  	s1 =	sld [smem:$0x3F93];
	s0 =	simm.s32 @p0 $0x1  }
0x13: {  	[smem:$0x3FAE] =	sst s0;
	s0 =	simm.s32 @!p1 $0x0  }
0x14: {  	s2 =	sld [smem:$0x3F92];
	s0 =	simm.s32 @p1 $0x1  }
0x15: {  	[smem:$0x3FAF] =	sst s0;
	s0 =	simm.s32 @!p2 $0x0  }
0x16: {  	s3 =	sld [smem:$0x3FDB];
	s0 =	simm.s32 @p2 $0x1  }
0x17: {  	s4 =	simm.s32 $0x1BF5;
	[smem:$0x3FB1] =	sst s0  }
0x18: {  	s0 =	sld [smem:$0x3F94];
	_ =	swait.ge [sflag:s4], $0x0  }
0x19: {  	s7 =	sld [smem:$0x3F95]  }
0x1a: {  	s8 =	sadd.s32 $0xFFFFE003, lr  }
0x1b: {  	s9 =	sadd.s32 $0xFFFFFEF7, lr;
	s5 =	simm.s32 $0xFFFFFFFF;
	p2 =	slt.u32 s8, $0xFFFFF086  }
0x1c: {  	p1 =	slt.u32 s9, $0xF7A;
	s5 =	simm.s32 @!p2 $0x0  }
0x1d: {  	s5 =	simm.s32 @p1 $0x1;
	p0 =	seq.s32 s7, s2  }
0x1e: {  	s7 =	smul.u32 @!p0 $0xF7A, s2;
	p2 =	seq.s32 @!p0 s5, $0x0  }
0x1f: {  	s9 =	smul.u32 $0xF7A, s1;
	s8 =	simm.s32 @!p0 $0x1BF5;
	p2 =	por !p2, p0  }
0x20: {  	[sflag:s8] =	ssyncset.s32 @!p0 $0xFFFFF086;
	s6 =	sadd.s32 @!p0 s3, s7;
	s7 =	simm.s32 @!p0 $0x108  }
0x21: {  	s3 =	sadd.s32 s3, s9;
	s6 =	sadd.s32 @!p0 $0x88, s6;
	s7 =	simm.s32 @p2 $0x1082  }
0x22: {  	[simem:s7], [sflag:s8] =	dma.local @!p0 [hbm:s6], $0xF7A  }
0x23: {  	s9 =	sor.u32 $0xD0000000, s2;
	s6 =	simm.s32 $0x108;
	_ =	swait.ge @!p0 [sflag:s8], $0x0  }
0x24: {  	s3 =	sadd.s32 $0x88, s3;
	s6 =	simm.s32 @!p1 $0x1082;
	[sflag:s4] =	ssyncset.s32 $0xFFFFF086  }
0x25: {  	[simem:s6], [sflag:s4] =	dma.local [hbm:s3], $0xF7A  }
0x26: {  	[smem:$0x3F95] =	sst s1;
	(tag) =	ssettag s2;
	_ =	strace s9  }
0x27: {  	s1 =	sld [smem:$0x3FA5]  }
0x28: {  	s2 =	sld [smem:$0x3FA6]  }
0x29: {  	s4 =	sld [smem:$0x3FA8]  }
0x2a: {  	p0 =	seq.s32 s5, $0x0;
	s5 =	sld [smem:$0x3FA9]  }
0x2b: {  	s6 =	sld [smem:$0x3FAA]  }
0x2c: {  	s7 =	sld [smem:$0x3FAB]  }
0x2d: {  	s3 =	simm.s32 $0x108;
	s8 =	sld [smem:$0x3FAC]  }
0x2e: {  	s3 =	simm.s32 @!p0 $0x1082;
	s9 =	sld [smem:$0x3FAD]  }
0x2f: {  	lr =	sadd.s32 s0, s3;
	s0 =	sld [smem:$0x3FA4]  }
0x30: {  	s3 =	sld [smem:$0x3FA7]  }
0x31: {  	[smem:$0x3FB0] =	sst s10  }
0x32: {  	s10 =	sld [smem:$0x3FAE];
	_ =	sdelay $0x3  }
0x33: {  	p0 =	seq.s32 s10, $0x1;
	s10 =	sld [smem:$0x3FB0];
	_ =	sdelay $0x3  }
0x34: {  	[smem:$0x3FB0] =	sst s10  }
0x35: {  	s10 =	sld [smem:$0x3FAF];
	_ =	sdelay $0x3  }
0x36: {  	p1 =	seq.s32 s10, $0x1;
	s10 =	sld [smem:$0x3FB0];
	_ =	sdelay $0x3  }
0x37: {  	[smem:$0x3FB0] =	sst s10  }
0x38: {  	s10 =	sld [smem:$0x3FB1]  }
0x39: {  	_ = 	snop;
	(pc) =	sbr.ind lr, $3  }
0x3a: {  	_ = 	snop  }
0x3b: {  	_ = 	snop  }
0x3c: {  	p2 =	seq.s32 s10, $0x1;
	s10 =	sld [smem:$0x3FB0]  }
0x3d: {  	_ =	shalt  }
0x3e: {  	_ =	shalt  }
0x3f: {  	_ =	shalt  }
0x40: {  	_ =	shalt  }
0x41: {  	_ =	shalt  }
0x42: {  	_ =	shalt  }
0x43: {  	_ =	shalt  }
0x44: {  	_ =	shalt  }
0x45: {  	_ =	shalt  }
0x46: {  	_ =	shalt  }
0x47: {  	_ =	shalt  }
0x48: {  	_ =	shalt  }
0x49: {  	_ =	shalt  }
0x4a: {  	_ =	shalt  }
0x4b: {  	_ =	shalt  }
0x4c: {  	_ =	shalt  }
0x4d: {  	_ =	shalt  }
0x4e: {  	_ =	shalt  }
0x4f: {  	_ =	shalt  }
0x50: {  	_ =	shalt  }
0x51: {  	_ =	shalt  }
0x52: {  	_ =	shalt  }
0x53: {  	_ =	shalt  }
0x54: {  	_ =	shalt  }
0x55: {  	_ =	shalt  }
0x56: {  	_ =	shalt  }
0x57: {  	_ =	shalt  }
0x58: {  	_ =	shalt  }
0x59: {  	_ =	shalt  }
0x5a: {  	_ =	shalt  }
0x5b: {  	_ =	shalt  }
0x5c: {  	_ =	shalt  }
0x5d: {  	_ =	shalt  }
0x5e: {  	_ =	shalt  }
0x5f: {  	_ =	shalt  }
0x60: {  	_ =	shalt  }
0x61: {  	_ =	shalt  }
0x62: {  	_ =	shalt  }
0x63: {  	_ =	shalt  }
0x64: {  	_ =	shalt  }
0x65: {  	_ =	shalt  }
0x66: {  	_ =	shalt  }
0x67: {  	_ =	shalt  }
0x68: {  	_ =	shalt  }
0x69: {  	_ =	shalt  }
0x6a: {  	_ =	shalt  }
0x6b: {  	_ =	shalt  }
0x6c: {  	_ =	shalt  }
0x6d: {  	_ =	shalt  }
0x6e: {  	_ =	shalt  }
0x6f: {  	_ =	shalt  }
0x70: {  	_ =	shalt  }
0x71: {  	_ =	shalt  }
0x72: {  	_ =	shalt  }
0x73: {  	_ =	shalt  }
0x74: {  	_ =	shalt  }
0x75: {  	_ =	shalt  }
0x76: {  	_ =	shalt  }
0x77: {  	_ =	shalt  }
0x78: {  	_ =	shalt  }
0x79: {  	_ =	shalt  }
0x7a: {  	_ =	shalt  }
0x7b: {  	_ =	shalt  }
0x7c: {  	_ =	shalt  }
0x7d: {  	_ =	shalt  }
0x7e: {  	_ =	shalt  }
0x7f: {  	_ =	shalt  }
0x80: {  	_ =	shalt  }
0x81: {  	_ =	shalt  }
0x82: {  	_ =	shalt  }
0x83: {  	_ =	shalt  }
0x84: {  	_ =	shalt  }
0x85: {  	_ =	shalt  }
0x86: {  	_ =	shalt  }
0x87: {  	_ =	shalt  }
.Lfunc_end0:
.L_simem_size_0:
called_computation.3_lowered:
.L_overlay_start_0:
0x88: {  	s2 =	sld [smem:$0x3FD9]  }
0x89: {  	s3 =	sld [smem:$0x3FFE];
	_ =	sdelay $0x1  }
0x8a: {  	s1 =	srdreg.scid  }
0x8b: {  	s0 =	sand.u32 $0x1, s1  }
0x8c: {  	s16 =	sshll.u32 s0, $0xA;
	s2 =	sadd.s32 s3, s2  }
0x8d: {  	s2 =	sadd.s32 s2, s16  }
0x8e: {  	[smem:$0x3FBC] =	sst s2  }
0x8f: {  	_ = 	snop  }
0x90: {  	(tm) =	ssettm $0x1  }
0x91: {  	s17 =	sld [smem:$0x3FFB];
	_ =	sdelay $0x3  }
0x92: {  	_ =	strace s17  }
0x93: {  	s2 =	sld [smem:$0x3FFC];
	_ =	sdelay $0x3  }
0x94: {  	_ =	strace s2  }
0x95: {  	s2 =	sld [smem:$0x3FFD];
	_ =	sdelay $0x3  }
0x96: {  	_ =	strace s2  }
0x97: {  	_ =	strace $0x8FFFFFFF  }
0x98: {  	s18 =	sld [smem:$0x3FDB];
	_ =	sdelay $0x1  }
0x99: {  	s19 =	simm.s32 $_scs_section_size  }
0x9a: {  	s4 =	simm.s32 $_size__tile_overlayer_lowered;
	s5 =	simm.s32 $_tile_overlayer_lowered  }
0x9b: {  	s22 =	simm.s32 $0x1BFF;
	s21 =	sshll.u32 s5, $0x1;
	s2 =	sadd.s32 s19, s18  }
0x9c: {  	s6 =	simm.s32 $0x0;
	s20 =	sshll.u32 s4, $0x1;
	s4 =	sadd.s32 s21, s2  }
0x9d: {  	[timem:s6], [sflag:s22] =	dma.local [hbm:s4], s20  }
0x9e: {  	_ =	swait.ge [sflag:s22], s20  }
0x9f: {  	s3 =	ssub.s32 $0x0, s20;
	[sflag:s22] =	ssyncset.done $0x0  }
0xa0: {  	[sflag:s22] =	ssyncadd.s32 s3;
	_ =	sdelay $0x1  }
0xa1: {  	s23 =	simm.s32 $0x1B8B  }
0xa2: {  	_ =	swait.ge [sflag:s23], $0x1  }
0xa3: {  	[sflag:s23] =	ssyncset.done $0x0  }
0xa4: {  	s25 =	simm.s32 $0x1B8E;
	s24 =	sld [smem:$0x3FFE];
	[sflag:s23] =	ssyncadd.s32 $0xFFFFFFFF  }
0xa5: {  	s26 =	simm.s32 $execute0_lowered;
	[smem:$0x3FD2] =	sst s25  }
0xa6: {  	s4 =	sshll.u32 s26, $0x1;
	_ =	strace $0x8000004F;
	[dreg:$0x1] =	wrdreg $0xFFFFFFFF  }
0xa7: {  	s28 =	simm.s32 $_size_execute0_lowered;
	s2 =	sadd.s32 s2, s4;
	[dreg:$0x0] =	wrdreg $0x0  }
0xa8: {  	s4 =	sshll.u32 s28, $0x1;
	[dreg:$0x2] =	wrdreg s2  }
0xa9: {  	[dreg:$0x3] =	wrdreg s4  }
0xaa: {  	[dreg:$0x4] =	wrdreg $0xC0  }
0xab: {  	_ =	task [dreg:s6], $0x5FFFF  }
0xac: {  	[dreg:$0x1] =	wrdreg $0xFFFFFFFF  }
0xad: {  	[dreg:$0x0] =	wrdreg $0x60  }
0xae: {  	[dreg:$0x2] =	wrdreg s24  }
0xaf: {  	[dreg:$0x3] =	wrdreg $0x0  }
0xb0: {  	[dreg:$0x4] =	wrdreg $0x9  }
0xb1: {  	_ =	task.clear_ibuf [dreg:s6], $0x5FFFF;
	_ =	strace $0x9000004F  }
0xb2: {  	s29 =	simm.s32 $0x9;
	_ =	strace $0x80000051  }
0xb3: {  	_ =	swait.ge [sflag:s29], $0x1  }
0xb4: {  	[sflag:s29] =	ssyncadd.s32 $0xFFFFFFFF  }
0xb5: {  	_ =	strace $0x90000051  }
0xb6: {  	_ =	sfence  }
0xb7: {  	s30 =	sld [smem:$0x0];
	_ =	sdelay $0x2  }
0xb8: {  	s31 =	sshll.u32 s1, $0xD;
	s1 =	sshrl.u32 s1, $0x2  }
0xb9: {  	s3 =	sand.u32 $0x4000, s31;
	s1 =	sadd.s32 s1, s30  }
0xba: {  	s0 =	sor.u32 s3, s0;
	s1 =	sshll.u32 s1, $0x11  }
0xbb: {  	s0 =	sor.u32 s1, s0  }
0xbc: {  	s0 =	sadd.s32 $0x8F2B, s0  }
0xbd: {  	[sflag:s0] =	ssyncadd.remote.s32 $0x1  }
0xbe: {  	_ =	sfence.sel $0xFFFF  }
0xbf: {  	[dreg:$0x0] =	wrdreg $0xFFFFFFFF;
	(pc) =	sbr.abs _section_cstart, $3  }
0xc0: {  	[dreg:$0x1] =	wrdreg $0xFFFFFFFF  }
0xc1: {  	_ =	task.clear_ibuf [dreg:s6], $0x2FFFF;
	_ =	strace $0x9FFFFFFF  }
0xc2: {  	(tm) =	ssettm $0x7FFFFFFF  }
0xc3: {  	_ =	shalt  }
tec
execute0_lowered:
.L_overlay_start_1:
0x0: {  	(tag) =	ssettag $0x1  }
0x1: {  	s0 =	rddreg [dreg:$0x0]  }
0x2: {  	s1 =	rddreg [dreg:$0x1];
	s3 =	simm.s32 $0x0;
	s2 =	srdreg.scid  }
0x3: {  	s13 =	stileid.u32;
	s28 =	simm.s32 $0x80;
	s29 =	simm.s32 $0x13F00  }
0x4: {  	s30 =	simm.s32 $0x2;
	s31 =	simm.s32 $0x17F00;
	s6 =	smul.u32 $0x278, s13  }
0x5: {  	[smem:$0x7FF] =	sst s3;
	s2 =	sand.u32 $0x1, s2;
	s7 =	smul.u32 $0x4F000, s13  }
0x6: {  	s4 =	sadd.s32 $0xD200, s0;
	s9 =	sadd.s32 $0xD5A00, s0;
	s26 =	smul.u32 $0x5000, s13  }
0x7: {  	s10 =	sadd.s32 $0x3200, s0;
	s14 =	sshll.u32 s13, $0x6;
	s19 =	smul.u32 $0xA00, s13  }
0x8: {  	s13 =	simm.s32 $0x9;
	s5 =	smul.u32 $0x2800, s2;
	s8 =	ssub.s32 $0x2, s2  }
0x9: {  	_ =	strace $0x80000050;
	s2 =	smul.u32 $0x50000, s2;
	s11 =	sshrl.u32 s8, $0x1  }
0xa: {  	s7 =	sshrl.u32 s7, $0x2;
	s22 =	sadd.s32 s19, s10;
	s19 =	simm.s32 $0xA  }
0xb: {  	s5 =	sadd.s32 s6, s5;
	s11 =	ssub.s32 s8, s11;
	s12 =	sadd.s32 s7, s1  }
0xc: {  	s2 =	sadd.s32 s26, s2;
	s8 =	sshrl.u32 s26, $0x3;
	[dreg:$0x3] =	wrdreg s22  }
0xd: {  	s22 =	simm.s32 $0x13C80;
	s5 =	sshll.u32 s5, $0x4;
	s7 =	sshrl.u32 s2, $0x3  }
0xe: {  	s21 =	smax.u32 s11, $0x1;
	s23 =	sor.u32 $0x280, s2;
	s25 =	sor.u32 $0x200, s2  }
0xf: {  	s0 =	sadd.s32 s5, s0;
	s5 =	sadd.s32 s4, s5;
	[dreg:$0x10] =	wrdreg s21  }
0x10: {  	s2 =	sor.u32 $0x180, s2;
	s15 =	sadd.s32 s9, s7;
	[dreg:$0x6] =	wrdreg s5  }
0x11: {  	s11 =	simm.s32 $0x6;
	s7 =	sadd.s32 s10, s8;
	[dreg:$0x7] =	wrdreg s15  }
0x12: {  	s8 =	sor.u32 $0x1C0A, s14;
	s5 =	sadd.s32 $0x10, s15;
	[dreg:$0x8] =	wrdreg s7  }
0x13: {  	s24 =	sshrl.u32 s23, $0x3;
	s16 =	sadd.s32 $0x10, s7;
	[dreg:$0x9] =	wrdreg s5  }
0x14: {  	s2 =	sshrl.u32 s2, $0x3;
	s17 =	sadd.s32 $0x20, s15;
	[dreg:$0xa] =	wrdreg s16  }
0x15: {  	s21 =	simm.s32 $0x13D80;
	s18 =	sadd.s32 $0x20, s7;
	[dreg:$0xb] =	wrdreg s17  }
0x16: {  	s23 =	simm.s32 $0x13E00;
	s6 =	sadd.s32 $0x9F0, s15;
	[dreg:$0xc] =	wrdreg s18  }
0x17: {  	s10 =	simm.s32 $0x7;
	s20 =	sadd.s32 $0x9F0, s7;
	[dreg:$0xd] =	wrdreg s6  }
0x18: {  	s14 =	simm.s32 $0x0;
	s0 =	sadd.s32 $0x5D200, s0;
	[dreg:$0xe] =	wrdreg s20  }
0x19: {  	s7 =	sshrl.u32 s12, $0x3;
	s12 =	simm.s32 $0x8;
	[dreg:$0xf] =	wrdreg s0  }
0x1a: {  	s0 =	sadd.s32 s24, s9;
	s5 =	sshrl.u32 s25, $0x3;
	s17 =	sadd.s32 s2, s9  }
0x1b: {  	s20 =	simm.s32 $0x13C00;
	s24 =	simm.s32 $0x13D00;
	[dreg:$0x11] =	wrdreg s7  }
0x1c: {  	s25 =	simm.s32 $0x13E80;
	s2 =	simm.s32 $0x3;
	[dreg:$0x4] =	wrdreg s0  }
0x1d: {  	s26 =	sadd.s32 s5, s9;
	s0 =	simm.s32 $0x4;
	s5 =	simm.s32 $0x1BF00  }
0x1e: {  	s9 =	simm.s32 $0x5;
	[dreg:$0x5] =	wrdreg s26;
	s26 =	simm.s32 $0x1  }
.LBB2_1:
0x1f: {  	s6 =	rddreg [dreg:$0x6]  }
0x20: {  	[spmem:s7], [sflag:s8] =	dma.local [hbm:s6], $0x2780  }
0x21: {  	_ =	swait.ge [sflag:s19], $0x2780  }
0x22: {  	[sflag:s19] =	ssyncset.done $0x0  }
0x23: {  	[sflag:s19] =	ssyncadd.s32 $0xFFFFD880  }
0x24: {  	[bflag:$0x0] =	sbarrier.arrive $0xFFFF  }
0x25: {  	s16 =	rddreg [dreg:$0x7]  }
0x26: {  	[tilespmem:s20], [sflag:$0x1] =	stream.linear.gather [hbm4b:s16+s3], $0x80, $0x38;
	[tilespmem:$0x1FF00] =	vst v63  }
0x27: {  	s7 =	rddreg [dreg:$0x8]  }
0x28: {  	[tilespmem:s21], [sflag:$0x1] =	stream.linear.gather [hbm4b:s7+s3], $0x80, $0x38;
	[tilespmem:$0x1FF00] =	vst v63  }
0x29: {  	s18 =	smov.u32 s8;
	s8 =	rddreg [dreg:$0x9]  }
0x2a: {  	[tilespmem:s22], [sflag:$0x2] =	stream.linear.gather [hbm4b:s8+s3], $0x80, $0x38;
	[tilespmem:$0x1FF00] =	vst v63  }
0x2b: {  	s15 =	rddreg [dreg:$0xa]  }
0x2c: {  	[tilespmem:s23], [sflag:$0x2] =	stream.linear.gather [hbm4b:s15+s3], $0x80, $0x38;
	[tilespmem:$0x1FF00] =	vst v63  }
0x2d: {  	s16 =	rddreg [dreg:$0xb]  }
0x2e: {  	[tilespmem:s24], [sflag:$0x3] =	stream.linear.gather [hbm4b:s16+s3], $0x80, $0x38;
	[tilespmem:$0x1FF00] =	vst v63  }
0x2f: {  	s7 =	rddreg [dreg:$0xc]  }
0x30: {  	[tilespmem:s25], [sflag:$0x3] =	stream.linear.gather [hbm4b:s7+s3], $0x80, $0x38;
	[tilespmem:$0x1FF00] =	vst v63  }
0x31: {  	_ =	swait.ge [sflag:s26], $0x80  }
0x32: {  	[sflag:s26] =	ssyncset.done $0x0  }
0x33: {  	[sflag:s26] =	ssyncadd.s32 $0xFFFFFF80  }
0x34: {  	_ =	swait.ge [sflag:s26], $0x80  }
0x35: {  	[sflag:s26] =	ssyncset.done $0x0  }
0x36: {  	[sflag:s26] =	ssyncadd.s32 $0xFFFFFF80  }
0x37: {  	[tilespmem:s29], [sflag:$0x4] =	stream.indirect.gather [hbm4b:s4+s28], $0x80, s20, s28, $0xb8;
	[tilespmem:$0x1FF00] =	vst v63  }
0x38: {  	_ =	swait.ge [sflag:s30], $0x80  }
0x39: {  	[sflag:s30] =	ssyncset.done $0x0  }
0x3a: {  	[sflag:s30] =	ssyncadd.s32 $0xFFFFFF80  }
0x3b: {  	_ =	swait.ge [sflag:s30], $0x80  }
0x3c: {  	[sflag:s30] =	ssyncset.done $0x0  }
0x3d: {  	[sflag:s30] =	ssyncadd.s32 $0xFFFFFF80  }
0x3e: {  	[tilespmem:s31], [sflag:$0x5] =	stream.indirect.gather [hbm4b:s4+s28], $0x80, s22, s28, $0xb8;
	[tilespmem:$0x1FF00] =	vst v63  }
0x3f: {  	_ =	swait.ge [sflag:s0], $0x4000  }
0x40: {  	[sflag:s0] =	ssyncset.done $0x0  }
0x41: {  	[sflag:s0] =	ssyncadd.s32 $0xFFFFC000  }
0x42: {  	[spmem:s1] =	stream.indirect.scatter.add.f32 [tilespmem:s29], [sflag:$0x7], $0x80, s21, s28, $0xb8;
	[tilespmem:$0x1FF00] =	vst v63  }
0x43: {  	_ =	swait.ge [sflag:s2], $0x80  }
0x44: {  	[sflag:s2] =	ssyncset.done $0x0  }
0x45: {  	[sflag:s2] =	ssyncadd.s32 $0xFFFFFF80  }
0x46: {  	_ =	swait.ge [sflag:s2], $0x80  }
0x47: {  	[sflag:s2] =	ssyncset.done $0x0  }
0x48: {  	[sflag:s2] =	ssyncadd.s32 $0xFFFFFF80  }
0x49: {  	[tilespmem:s5], [sflag:$0x6] =	stream.indirect.gather [hbm4b:s4+s28], $0x80, s24, s28, $0xb8;
	[tilespmem:$0x1FF00] =	vst v63  }
0x4a: {  	_ =	swait.ge [sflag:s9], $0x4000  }
0x4b: {  	[sflag:s9] =	ssyncset.done $0x0  }
0x4c: {  	[sflag:s9] =	ssyncadd.s32 $0xFFFFC000  }
0x4d: {  	[spmem:s1] =	stream.indirect.scatter.add.f32 [tilespmem:s31], [sflag:$0x8], $0x80, s23, s28, $0xb8;
	[tilespmem:$0x1FF00] =	vst v63  }
0x4e: {  	_ =	swait.ge [sflag:s10], $0x4000  }
0x4f: {  	[sflag:s10] =	ssyncset.done $0x0;
	s15 =	rddreg [dreg:$0x3]  }
0x50: {  	s16 =	sadd.s32 $0x0, s17;
	[sflag:s10] =	ssyncadd.s32 $0xFFFFC000;
	s15 =	sadd.s32 $0x0, s15  }
0x51: {  	[tilespmem:s20], [sflag:$0x1] =	stream.linear.gather [hbm4b:s16+s3], $0x80, $0x38;
	[tilespmem:$0x1FF00] =	vst v63  }
0x52: {  	s8 =	sadd.s32 $0x30, s15  }
0x53: {  	[tilespmem:s21], [sflag:$0x1] =	stream.linear.gather [hbm4b:s8+s3], $0x80, $0x38;
	[tilespmem:$0x1FF00] =	vst v63  }
0x54: {  	_ =	swait.ge [sflag:s11], $0x4000  }
0x55: {  	[sflag:s11] =	ssyncset.done $0x0  }
0x56: {  	[sflag:s11] =	ssyncadd.s32 $0xFFFFC000  }
0x57: {  	[spmem:s1] =	stream.indirect.scatter.add.f32 [tilespmem:s5], [sflag:$0x9], $0x80, s25, s28, $0xb8;
	[tilespmem:$0x1FF00] =	vst v63  }
0x58: {  	_ =	swait.ge [sflag:s12], $0x4000  }
0x59: {  	s6 =	rddreg [dreg:$0x5];
	[sflag:s12] =	ssyncset.done $0x0  }
0x5a: {  	[sflag:s12] =	ssyncadd.s32 $0xFFFFC000;
	s16 =	sadd.s32 $0x0, s6  }
0x5b: {  	[tilespmem:s22], [sflag:$0x2] =	stream.linear.gather [hbm4b:s16+s3], $0x80, $0x38;
	[tilespmem:$0x1FF00] =	vst v63  }
0x5c: {  	s7 =	sadd.s32 $0x40, s15  }
0x5d: {  	[tilespmem:s23], [sflag:$0x2] =	stream.linear.gather [hbm4b:s7+s3], $0x80, $0x38;
	[tilespmem:$0x1FF00] =	vst v63  }
0x5e: {  	_ =	swait.ge [sflag:s13], $0x4000  }
0x5f: {  	s8 =	rddreg [dreg:$0x4];
	[sflag:s13] =	ssyncset.done $0x0  }
0x60: {  	[sflag:s13] =	ssyncadd.s32 $0xFFFFC000;
	s16 =	sadd.s32 $0x0, s8  }
0x61: {  	[tilespmem:s24], [sflag:$0x3] =	stream.linear.gather [hbm4b:s16+s3], $0x80, $0x38;
	[tilespmem:$0x1FF00] =	vst v63  }
0x62: {  	s15 =	sadd.s32 $0x50, s15  }
0x63: {  	[tilespmem:s25], [sflag:$0x3] =	stream.linear.gather [hbm4b:s15+s3], $0x80, $0x38;
	[tilespmem:$0x1FF00] =	vst v63  }
0x64: {  	_ =	swait.ge [sflag:s26], $0x80  }
0x65: {  	[sflag:s26] =	ssyncset.done $0x0  }
0x66: {  	[sflag:s26] =	ssyncadd.s32 $0xFFFFFF80  }
0x67: {  	_ =	swait.ge [sflag:s26], $0x80  }
0x68: {  	[sflag:s26] =	ssyncset.done $0x0  }
0x69: {  	[sflag:s26] =	ssyncadd.s32 $0xFFFFFF80  }
0x6a: {  	[tilespmem:s29], [sflag:$0x4] =	stream.indirect.gather [hbm4b:s4+s28], $0x80, s20, s28, $0xb8;
	[tilespmem:$0x1FF00] =	vst v63  }
0x6b: {  	_ =	swait.ge [sflag:s30], $0x80  }
0x6c: {  	[sflag:s30] =	ssyncset.done $0x0  }
0x6d: {  	[sflag:s30] =	ssyncadd.s32 $0xFFFFFF80  }
0x6e: {  	_ =	swait.ge [sflag:s30], $0x80  }
0x6f: {  	s15 =	simm.s32 $0x30;
	[sflag:s30] =	ssyncset.done $0x0  }
.LBB2_2:
0x70: {  	[sflag:s30] =	ssyncadd.s32 $0xFFFFFF80  }
0x71: {  	[tilespmem:s31], [sflag:$0x5] =	stream.indirect.gather [hbm4b:s4+s28], $0x80, s22, s28, $0xb8;
	[tilespmem:$0x1FF00] =	vst v63  }
0x72: {  	_ =	swait.ge [sflag:s0], $0x4000  }
0x73: {  	[sflag:s0] =	ssyncset.done $0x0  }
0x74: {  	[sflag:s0] =	ssyncadd.s32 $0xFFFFC000  }
0x75: {  	[spmem:s1] =	stream.indirect.scatter.add.f32 [tilespmem:s29], [sflag:$0x7], $0x80, s21, s28, $0xb8;
	[tilespmem:$0x1FF00] =	vst v63  }
0x76: {  	_ =	swait.ge [sflag:s2], $0x80  }
0x77: {  	[sflag:s2] =	ssyncset.done $0x0  }
0x78: {  	[sflag:s2] =	ssyncadd.s32 $0xFFFFFF80  }
0x79: {  	_ =	swait.ge [sflag:s2], $0x80  }
0x7a: {  	[sflag:s2] =	ssyncset.done $0x0  }
0x7b: {  	[sflag:s2] =	ssyncadd.s32 $0xFFFFFF80  }
0x7c: {  	[tilespmem:s5], [sflag:$0x6] =	stream.indirect.gather [hbm4b:s4+s28], $0x80, s24, s28, $0xb8;
	[tilespmem:$0x1FF00] =	vst v63  }
0x7d: {  	_ =	swait.ge [sflag:s9], $0x4000  }
0x7e: {  	[sflag:s9] =	ssyncset.done $0x0  }
0x7f: {  	[sflag:s9] =	ssyncadd.s32 $0xFFFFC000  }
0x80: {  	[spmem:s1] =	stream.indirect.scatter.add.f32 [tilespmem:s31], [sflag:$0x8], $0x80, s23, s28, $0xb8;
	[tilespmem:$0x1FF00] =	vst v63  }
0x81: {  	_ =	swait.ge [sflag:s10], $0x4000  }
0x82: {  	s16 =	smov.u32 s15;
	[sflag:s10] =	ssyncset.done $0x0;
	s6 =	rddreg [dreg:$0x3]  }
0x83: {  	s7 =	sadd.s32 s16, s17;
	[sflag:s10] =	ssyncadd.s32 $0xFFFFC000;
	s6 =	sadd.s32 s16, s6  }
0x84: {  	[tilespmem:s20], [sflag:$0x1] =	stream.linear.gather [hbm4b:s7+s3], $0x80, $0x38;
	[tilespmem:$0x1FF00] =	vst v63  }
0x85: {  	s8 =	sadd.s32 $0x30, s6  }
0x86: {  	[tilespmem:s21], [sflag:$0x1] =	stream.linear.gather [hbm4b:s8+s3], $0x80, $0x38;
	[tilespmem:$0x1FF00] =	vst v63  }
0x87: {  	_ =	swait.ge [sflag:s11], $0x4000  }
0x88: {  	[sflag:s11] =	ssyncset.done $0x0  }
0x89: {  	[sflag:s11] =	ssyncadd.s32 $0xFFFFC000  }
0x8a: {  	[spmem:s1] =	stream.indirect.scatter.add.f32 [tilespmem:s5], [sflag:$0x9], $0x80, s25, s28, $0xb8;
	[tilespmem:$0x1FF00] =	vst v63  }
0x8b: {  	_ =	swait.ge [sflag:s12], $0x4000  }
0x8c: {  	s8 =	rddreg [dreg:$0x5];
	[sflag:s12] =	ssyncset.done $0x0  }
0x8d: {  	[sflag:s12] =	ssyncadd.s32 $0xFFFFC000;
	s7 =	sadd.s32 s16, s8  }
0x8e: {  	[tilespmem:s22], [sflag:$0x2] =	stream.linear.gather [hbm4b:s7+s3], $0x80, $0x38;
	[tilespmem:$0x1FF00] =	vst v63  }
0x8f: {  	s8 =	sadd.s32 $0x40, s6  }
0x90: {  	[tilespmem:s23], [sflag:$0x2] =	stream.linear.gather [hbm4b:s8+s3], $0x80, $0x38;
	[tilespmem:$0x1FF00] =	vst v63  }
0x91: {  	_ =	swait.ge [sflag:s13], $0x4000  }
0x92: {  	s8 =	rddreg [dreg:$0x4];
	[sflag:s13] =	ssyncset.done $0x0  }
0x93: {  	[sflag:s13] =	ssyncadd.s32 $0xFFFFC000;
	s7 =	sadd.s32 s16, s8  }
0x94: {  	[tilespmem:s24], [sflag:$0x3] =	stream.linear.gather [hbm4b:s7+s3], $0x80, $0x38;
	[tilespmem:$0x1FF00] =	vst v63  }
0x95: {  	s6 =	sadd.s32 $0x50, s6  }
0x96: {  	[tilespmem:s25], [sflag:$0x3] =	stream.linear.gather [hbm4b:s6+s3], $0x80, $0x38;
	[tilespmem:$0x1FF00] =	vst v63  }
0x97: {  	_ =	swait.ge [sflag:s26], $0x80  }
0x98: {  	[sflag:s26] =	ssyncset.done $0x0  }
0x99: {  	[sflag:s26] =	ssyncadd.s32 $0xFFFFFF80  }
0x9a: {  	_ =	swait.ge [sflag:s26], $0x80  }
0x9b: {  	[sflag:s26] =	ssyncset.done $0x0  }
0x9c: {  	p0 =	sne.s32 s15, $0x990;
	[sflag:s26] =	ssyncadd.s32 $0xFFFFFF80  }
0x9d: {  	[tilespmem:s29], [sflag:$0x4] =	stream.indirect.gather [hbm4b:s4+s28], $0x80, s20, s28, $0xb8;
	[tilespmem:$0x1FF00] =	vst v63  }
.Ltmp0:
0x9e: {  	_ =	swait.ge [sflag:s30], $0x80;
	(pc) =	sbr.rel @p0 .LBB2_2-.Ltmp0, $4  }
0x9f: {  	[sflag:s30] =	ssyncset.done $0x0  }
0xa0: {  	[sflag:s30] =	ssyncadd.s32 $0xFFFFFF80  }
0xa1: {  	_ =	swait.ge [sflag:s30], $0x80  }
0xa2: {  	s15 =	sadd.s32 $0x30, s15;
	[sflag:s30] =	ssyncset.done $0x0  }
0xa3: {  	[sflag:s30] =	ssyncadd.s32 $0xFFFFFF80  }
0xa4: {  	[tilespmem:s31], [sflag:$0x5] =	stream.indirect.gather [hbm4b:s4+s28], $0x80, s22, s28, $0xb8;
	[tilespmem:$0x1FF00] =	vst v63  }
0xa5: {  	_ =	swait.ge [sflag:s0], $0x4000  }
0xa6: {  	[sflag:s0] =	ssyncset.done $0x0  }
0xa7: {  	[sflag:s0] =	ssyncadd.s32 $0xFFFFC000  }
0xa8: {  	[spmem:s1] =	stream.indirect.scatter.add.f32 [tilespmem:s29], [sflag:$0x7], $0x80, s21, s28, $0xb8;
	[tilespmem:$0x1FF00] =	vst v63  }
0xa9: {  	_ =	swait.ge [sflag:s2], $0x80  }
0xaa: {  	[sflag:s2] =	ssyncset.done $0x0  }
0xab: {  	[sflag:s2] =	ssyncadd.s32 $0xFFFFFF80  }
0xac: {  	_ =	swait.ge [sflag:s2], $0x80  }
0xad: {  	[sflag:s2] =	ssyncset.done $0x0  }
0xae: {  	[sflag:s2] =	ssyncadd.s32 $0xFFFFFF80  }
0xaf: {  	[tilespmem:s5], [sflag:$0x6] =	stream.indirect.gather [hbm4b:s4+s28], $0x80, s24, s28, $0xb8;
	[tilespmem:$0x1FF00] =	vst v63  }
0xb0: {  	_ =	swait.ge [sflag:s9], $0x4000  }
0xb1: {  	[sflag:s9] =	ssyncset.done $0x0  }
0xb2: {  	[sflag:s9] =	ssyncadd.s32 $0xFFFFC000  }
0xb3: {  	[spmem:s1] =	stream.indirect.scatter.add.f32 [tilespmem:s31], [sflag:$0x8], $0x80, s23, s28, $0xb8;
	[tilespmem:$0x1FF00] =	vst v63  }
0xb4: {  	_ =	swait.ge [sflag:s10], $0x4000  }
0xb5: {  	[sflag:s10] =	ssyncset.done $0x0  }
0xb6: {  	s6 =	rddreg [dreg:$0xd];
	[sflag:s10] =	ssyncadd.s32 $0xFFFFC000  }
0xb7: {  	[tilespmem:s20], [sflag:$0x1] =	stream.linear.gather [hbm4b:s6+s3], $0x80, $0x38;
	[tilespmem:$0x1FF00] =	vst v63  }
0xb8: {  	s15 =	rddreg [dreg:$0xe]  }
0xb9: {  	[tilespmem:s21], [sflag:$0x1] =	stream.linear.gather [hbm4b:s15+s3], $0x80, $0x38;
	[tilespmem:$0x1FF00] =	vst v63  }
0xba: {  	_ =	swait.ge [sflag:s11], $0x4000  }
0xbb: {  	[sflag:s11] =	ssyncset.done $0x0  }
0xbc: {  	[sflag:s11] =	ssyncadd.s32 $0xFFFFC000  }
0xbd: {  	[spmem:s1] =	stream.indirect.scatter.add.f32 [tilespmem:s5], [sflag:$0x9], $0x80, s25, s28, $0xb8;
	[tilespmem:$0x1FF00] =	vst v63  }
0xbe: {  	_ =	swait.ge [sflag:s26], $0x80  }
0xbf: {  	[sflag:s26] =	ssyncset.done $0x0  }
0xc0: {  	[sflag:s26] =	ssyncadd.s32 $0xFFFFFF80  }
0xc1: {  	_ =	swait.ge [sflag:s26], $0x80  }
0xc2: {  	[sflag:s26] =	ssyncset.done $0x0  }
0xc3: {  	[sflag:s26] =	ssyncadd.s32 $0xFFFFFF80  }
0xc4: {  	[tilespmem:s29], [sflag:$0x4] =	stream.indirect.gather [hbm4b:s4+s28], $0x80, s20, s28, $0xb8;
	[tilespmem:$0x1FF00] =	vst v63  }
0xc5: {  	_ =	swait.ge [sflag:s0], $0x4000  }
0xc6: {  	[sflag:s0] =	ssyncset.done $0x0  }
0xc7: {  	[sflag:s0] =	ssyncadd.s32 $0xFFFFC000  }
0xc8: {  	[spmem:s1] =	stream.indirect.scatter.add.f32 [tilespmem:s29], [sflag:$0x7], $0x80, s21, s28, $0xb8;
	[tilespmem:$0x1FF00] =	vst v63  }
0xc9: {  	_ =	swait.ge [sflag:s12], $0x4000  }
0xca: {  	[sflag:s12] =	ssyncset.done $0x0  }
0xcb: {  	[sflag:s12] =	ssyncadd.s32 $0xFFFFC000  }
0xcc: {  	_ =	swait.ge [sflag:s13], $0x4000  }
0xcd: {  	[sflag:s13] =	ssyncset.done $0x0  }
0xce: {  	[sflag:s13] =	ssyncadd.s32 $0xFFFFC000  }
0xcf: {  	_ =	swait.ge [sflag:s10], $0x4000  }
0xd0: {  	[sflag:s10] =	ssyncset.done $0x0  }
0xd1: {  	[sflag:s10] =	ssyncadd.s32 $0xFFFFC000  }
0xd2: {  	[bflag:$0x0] =	sbarrier.arrive $0xFFFF  }
0xd3: {  	s16 =	rddreg [dreg:$0xf]  }
0xd4: {  	s7 =	rddreg [dreg:$0x11]  }
0xd5: {  	[hbm:s16], [sflag:s18] =	dma.local [spmem:s7], $0x2780  }
0xd6: {  	_ =	swait.ge [sflag:s19], $0x2780  }
0xd7: {  	s8 =	smov.u32 s18;
	s14 =	sadd.s32 $0x1, s14;
	s18 =	rddreg [dreg:$0x10]  }
0xd8: {  	p0 =	sne.s32 s14, s18  }
.Ltmp1:
0xd9: {  	_ = 	snop;
	(pc) =	sbr.rel @p0 .LBB2_1-.Ltmp1, $3  }
0xda: {  	_ =	sdelay $0x1  }
0xdb: {  	[sflag:s19] =	ssyncset.done $0x0  }
0xdc: {  	[sflag:s19] =	ssyncadd.s32 $0xFFFFD880  }
0xdd: {  	_ =	sfence.sel $0x180000  }
0xde: {  	[bflag:$0x0] =	sbarrier.arrive $0xFFFF  }
0xdf: {  	_ =	strace $0x90000050  }
0xe0: {  	s0 =	stileid.u32;
	[bflag:$0x2] =	sbarrier.arrive $0xFFFF  }
0xe1: {  	p0 =	sne.s32 s0, $0x0;
	s0 =	rddreg [dreg:$0x2]  }
0xe2: {  	s0 =	sadd.s32 @!p0 $0x100000, s0  }
0xe3: {  	[sflag:s0] =	ssyncadd.tile.s32 @!p0 $0x1;
	_ =	shalt  }
.Lfunc_end2:
_tile_overlayer_lowered:
.L_overlay_start_2:
0xe4: {  	(tag) =	ssettag $0x2  }
0xe5: {  	s0 =	rddreg [dreg:$0x0];
	s2 =	stileid.u32  }
0xe6: {  	s1 =	rddreg [dreg:$0x1];
	p0 =	sne.s32 s2, $0x0  }
0xe7: {  	s3 =	rddreg [dreg:$0x2];
	[bflag:$0x3] =	sbarrier.arrive $0xFFFF;
	s2 =	simm.s32 @!p0 $0x1C0A  }
0xe8: {  	[timem:s3], [sflag:s2] =	dma.local @!p0 [hbm:s0], s1  }
0xe9: {  	s0 =	simm.s32 @!p0 $0xA  }
0xea: {  	_ =	swait.ge @!p0 [sflag:s0], s1  }
0xeb: {  	s1 =	ssub.s32 @!p0 $0x0, s1;
	[sflag:s0] =	ssyncset.done @!p0 $0x0  }
0xec: {  	[sflag:s0] =	ssyncadd.s32 @!p0 s1  }
0xed: {  	[bflag:$0x3] =	sbarrier.arrive $0xFFFF  }
0xee: {  	_ =	shalt  }

</sc_bundles>
